<compile_context>
chip_gen: v7x
topology: tpu7x:2x2x1
jax: 0.10.2.dev20260603
libtpu: 0.0.44.dev20260713+nightly
codegen_flags: <defaults>
</compile_context>

<pallas_src>
import functools

import jax
import jax.numpy as jnp
from jax import lax
from jax.experimental import pallas as pl
from jax.experimental.pallas import tpu as pltpu, tpu_sc as plsc

_SCALE = 1.8
_NC = 2
_NS = 16
_CH = 128


def _dense_body(x_ref, w1_ref, b1_ref, w2_ref, b2_ref, y2_ref, y1_ref):
    x = x_ref[...]
    dn = (((1,), (1,)), ((), ()))
    y1 = lax.dot_general(x, w1_ref[...], dn,
                         preferred_element_type=jnp.float32) + b1_ref[...]
    h = lax.dot_general(x, w2_ref[...], dn,
                        preferred_element_type=jnp.float32) + b2_ref[...]
    nrm = jnp.maximum(jnp.sqrt(jnp.sum(h * h, axis=1, keepdims=True)), 1e-12)
    y2_ref[...] = h * (_SCALE / nrm)
    y1_ref[...] = y1


def _dense(x, W1, b1, W2, b2, bn):
    n, d_in = x.shape
    d_out = W1.shape[0]
    return pl.pallas_call(
        _dense_body,
        grid=(n // bn,),
        in_specs=[
            pl.BlockSpec((bn, d_in), lambda i: (i, 0)),
            pl.BlockSpec((d_out, d_in), lambda i: (0, 0)),
            pl.BlockSpec((1, d_out), lambda i: (0, 0)),
            pl.BlockSpec((d_out, d_in), lambda i: (0, 0)),
            pl.BlockSpec((1, d_out), lambda i: (0, 0)),
        ],
        out_specs=[
            pl.BlockSpec((bn, d_out), lambda i: (i, 0)),
            pl.BlockSpec((bn, d_out), lambda i: (i, 0)),
        ],
        out_shape=[
            jax.ShapeDtypeStruct((n, d_out), jnp.float32),
            jax.ShapeDtypeStruct((n, d_out), jnp.float32),
        ],
    )(x, W1, b1.reshape(1, d_out), W2, b2.reshape(1, d_out))


def _scale_body(deg2_ref, y2_ref, y1_ref, zz_ref):
    d = deg2_ref[0, :, 0] + deg2_ref[1, :, 0] + 1.0
    dis = (1.0 / jnp.sqrt(d))[:, None]
    zz_ref[0] = dis * y2_ref[...]
    zz_ref[1] = dis * y1_ref[...]


def _scale(deg2, y2, y1, bn):
    n, d_out = y2.shape
    return pl.pallas_call(
        _scale_body,
        grid=(n // bn,),
        in_specs=[
            pl.BlockSpec((2, bn, d_out), lambda i: (0, i, 0)),
            pl.BlockSpec((bn, d_out), lambda i: (i, 0)),
            pl.BlockSpec((bn, d_out), lambda i: (i, 0)),
        ],
        out_specs=pl.BlockSpec((2, bn, d_out), lambda i: (0, i, 0)),
        out_shape=jax.ShapeDtypeStruct((2, n, d_out), jnp.float32),
    )(deg2, y2, y1)


_PIECE = 80


def _sc_degree(dst5, e, n, d_out):
    kd = dst5.shape[1]
    blocks = kd // 8
    e_chunks = e // _CH
    npieces = n // _PIECE
    piters = (npieces + _NS - 1) // _NS

    mesh = plsc.VectorSubcoreMesh(core_axis_name="c", subcore_axis_name="s")

    @functools.partial(
        pl.kernel,
        out_type=jax.ShapeDtypeStruct((_NC * npieces, _PIECE, d_out),
                                      jnp.float32),
        mesh=mesh,
        scratch_types=[
            pltpu.VMEM((kd, _CH), jnp.int32),
            pltpu.VMEM((_CH, d_out), jnp.float32),
            pltpu.VMEM((_PIECE, d_out), jnp.float32),
            pltpu.VMEM_SHARED((n, d_out), jnp.float32),
            pltpu.SemaphoreType.DMA,
        ],
    )
    def deg_kernel(dst_hbm, ones_hbm, zeros_hbm, out_hbm,
                   didx_v, ones_v, stage_v, acc_sp, sem):
        c = lax.axis_index("c")
        s = lax.axis_index("s")
        w = c * _NS + s
        limit = jnp.clip(e_chunks - w * kd, 0, kd)
        pltpu.sync_copy(dst_hbm.at[w], didx_v)
        pltpu.sync_copy(ones_hbm, ones_v)
        pltpu.sync_copy(zeros_hbm, stage_v)

        def zstep(k, _):
            p = s + k * _NS

            @pl.when(p < npieces)
            def _():
                pltpu.sync_copy(stage_v, acc_sp.at[pl.ds(p * _PIECE, _PIECE)])
            return None

        lax.fori_loop(0, piters, zstep, None)
        plsc.subcore_barrier()

        def block(kb, _):
            for j in range(8):
                @pl.when(jnp.logical_and(kb < blocks,
                                         kb * 8 + j < limit))
                def _():
                    pltpu.async_copy(
                        ones_v, acc_sp.at[didx_v.at[kb * 8 + j]], sem,
                        add=True)

            for j in range(8):
                @pl.when(jnp.logical_and(kb > 0,
                                         (kb - 1) * 8 + j < limit))
                def _():
                    pltpu.make_async_copy(
                        ones_v, acc_sp.at[didx_v.at[j]], sem).wait()
            return None

        lax.fori_loop(0, blocks + 1, block, None)
        plsc.subcore_barrier()

        def ostep(k, _):
            p = s + k * _NS

            @pl.when(p < npieces)
            def _():
                pltpu.sync_copy(acc_sp.at[pl.ds(p * _PIECE, _PIECE)], stage_v)
                pltpu.sync_copy(stage_v, out_hbm.at[c * npieces + p])
            return None

        lax.fori_loop(0, piters, ostep, None)

    ones = jnp.ones((_CH, d_out), jnp.float32)
    zeros = jnp.zeros((_PIECE, d_out), jnp.float32)
    return deg_kernel(dst5, ones, zeros).reshape(_NC, n, d_out)


_BLK = 32


def _sc_prop(src4, dst4, zz, e, n, d_out):
    nb = dst4.shape[1]
    kp = nb * _BLK
    e_chunks = e // _CH
    npieces = n // _PIECE
    piters = (npieces + _NS - 1) // _NS

    mesh = plsc.VectorSubcoreMesh(core_axis_name="c", subcore_axis_name="s")

    @functools.partial(
        pl.kernel,
        out_type=jax.ShapeDtypeStruct((_NC * npieces, _PIECE, d_out),
                                      jnp.float32),
        mesh=mesh,
        scratch_types=[
            pltpu.VMEM((_BLK, _CH), jnp.int32),
            pltpu.VMEM((_BLK, _CH), jnp.int32),
            pltpu.VMEM((_BLK, _CH), jnp.int32),
            pltpu.VMEM((_BLK, _CH), jnp.int32),
            pltpu.VMEM((_CH, d_out), jnp.float32),
            pltpu.VMEM((_CH, d_out), jnp.float32),
            pltpu.VMEM_SHARED((n, d_out), jnp.float32),
            pltpu.SemaphoreType.DMA,
            pltpu.SemaphoreType.DMA,
            pltpu.SemaphoreType.DMA,
            pltpu.SemaphoreType.DMA,
        ],
    )
    def prop_kernel(src_hbm, dst_hbm, zz_hbm, zeros_hbm, out_hbm,
                    sidx0, sidx1, didx0, didx1, rows0, rows1, acc_sp,
                    semia, semib, sem0, sem1):
        c = lax.axis_index("c")
        s = lax.axis_index("s")
        w = c * _NS + s
        limit = jnp.clip(e_chunks - s * kp, 0, kp)

        def fetch_idx(j, sbuf, dbuf, sem):
            pltpu.async_copy(src_hbm.at[w, j], sbuf, sem)
            pltpu.async_copy(dst_hbm.at[s, j], dbuf, sem)

        def wait_idx(sbuf, dbuf, sem):
            pltpu.make_async_copy(src_hbm.at[w, 0], sbuf, sem).wait()
            pltpu.make_async_copy(dst_hbm.at[s, 0], dbuf, sem).wait()

        fetch_idx(0, sidx0, didx0, semia)
        fetch_idx(1, sidx1, didx1, semib)

        pltpu.sync_copy(zeros_hbm, rows0.at[pl.ds(0, _PIECE)])

        def zstep(k, _):
            p = s + k * _NS

            @pl.when(p < npieces)
            def _():
                pltpu.sync_copy(rows0.at[pl.ds(0, _PIECE)],
                                acc_sp.at[pl.ds(p * _PIECE, _PIECE)])
            return None

        lax.fori_loop(0, piters, zstep, None)
        plsc.subcore_barrier()

        def process_block(j, sbuf, dbuf):
            bl = jnp.clip(limit - j * _BLK, 0, _BLK)

            @pl.when(0 < bl)
            def _():
                pltpu.async_copy(zz_hbm.at[sbuf.at[0]], rows0, sem0)

            def step(k2, _):
                a = 2 * k2
                b = a + 1

                @pl.when(b < bl)
                def _():
                    pltpu.async_copy(zz_hbm.at[sbuf.at[b]], rows1, sem1)

                @pl.when(a < bl)
                def _():
                    pltpu.make_async_copy(zz_hbm.at[sbuf.at[0]], rows0,
                                          sem0).wait()
                    pltpu.sync_copy(rows0, acc_sp.at[dbuf.at[a]], add=True)

                @pl.when(a + 2 < bl)
                def _():
                    pltpu.async_copy(zz_hbm.at[sbuf.at[a + 2]], rows0, sem0)

                @pl.when(b < bl)
                def _():
                    pltpu.make_async_copy(zz_hbm.at[sbuf.at[0]], rows1,
                                          sem1).wait()
                    pltpu.sync_copy(rows1, acc_sp.at[dbuf.at[b]], add=True)
                return None

            lax.fori_loop(0, _BLK // 2, step, None)

        bufs = [(sidx0, didx0, semia), (sidx1, didx1, semib)]
        for j in range(nb):
            sb, db, sm = bufs[j % 2]
            wait_idx(sb, db, sm)
            process_block(j, sb, db)
            if j + 2 < nb:
                fetch_idx(j + 2, sb, db, sm)
        plsc.subcore_barrier()

        def ostep(k, _):
            p = s + k * _NS

            @pl.when(p < npieces)
            def _():
                pltpu.sync_copy(acc_sp.at[pl.ds(p * _PIECE, _PIECE)],
                                rows0.at[pl.ds(0, _PIECE)])
                pltpu.sync_copy(rows0.at[pl.ds(0, _PIECE)],
                                out_hbm.at[c * npieces + p])
            return None

        lax.fori_loop(0, piters, ostep, None)

    zeros = jnp.zeros((_PIECE, d_out), jnp.float32)
    return prop_kernel(src4, dst4, zz, zeros).reshape(_NC, n, d_out)


def _final_body(deg2_ref, acc_ref, zz_ref, h_ref, xo_ref):
    d = deg2_ref[0, :, 0] + deg2_ref[1, :, 0] + 1.0
    dis = (1.0 / jnp.sqrt(d))[:, None]
    h_ref[...] = dis * (acc_ref[0] + zz_ref[0])
    xo_ref[...] = dis * (acc_ref[1] + zz_ref[1])


def _final(deg2, acc, zz, bn):
    _, n, d_out = zz.shape
    return pl.pallas_call(
        _final_body,
        grid=(n // bn,),
        in_specs=[
            pl.BlockSpec((2, bn, d_out), lambda i: (0, i, 0)),
            pl.BlockSpec((2, bn, d_out), lambda i: (0, i, 0)),
            pl.BlockSpec((2, bn, d_out), lambda i: (0, i, 0)),
        ],
        out_specs=[
            pl.BlockSpec((bn, d_out), lambda i: (i, 0)),
            pl.BlockSpec((bn, d_out), lambda i: (i, 0)),
        ],
        out_shape=[
            jax.ShapeDtypeStruct((n, d_out), jnp.float32),
            jax.ShapeDtypeStruct((n, d_out), jnp.float32),
        ],
    )(deg2, acc, zz)


def kernel(x, edge_index, W1, b1, W2, b2):
    n, _ = x.shape
    d_out = W1.shape[0]
    e = edge_index.shape[1]
    bn = 1000

    kd = -(-e // (32 * 8 * _CH)) * 8
    ep = 32 * kd * _CH
    kp = ep // (_NS * _CH)
    nb = kp // _BLK
    pad = ep - e
    src_p = jnp.concatenate([edge_index[0], jnp.zeros(pad, jnp.int32)])
    dst_p = jnp.concatenate([edge_index[1], jnp.zeros(pad, jnp.int32)])
    dst5 = dst_p.reshape(32, kd, _CH)
    dst4 = dst_p.reshape(_NS, nb, _BLK, _CH)
    src4 = jnp.stack([src_p, src_p + n]).reshape(32, nb, _BLK, _CH)

    y2, y1 = _dense(x, W1, b1, W2, b2, bn)
    deg2 = _sc_degree(dst5, e, n, d_out)
    zz = _scale(deg2, y2, y1, bn)
    acc = _sc_prop(src4, dst4, zz.reshape(_NC * n, d_out), e, n, d_out)
    h, x_ = _final(deg2, acc, zz, bn)
    return (h, x_)

# --- scband reference (transcript-rebuilt; emitter-appended) ---
"""Pipeline reference for scband-encoder-59287728554195 (READ-ONLY COPY).

The authoritative reference and input builder live on the scoring server;
editing this copy changes nothing except your own understanding.
"""

import jax, jax.numpy as jnp
import numpy as np

N = 10000
E = 320000
D_IN = 128
D_OUT = 128
SCALING_FACTOR = 1.8


def _gcn_prop(x, edge_index):
    # APPNP with K=1, alpha=0 reduces to one GCN-normalized propagation
    # (add self loops, symmetric deg^{-1/2} A deg^{-1/2}).
    n = x.shape[0]
    loop = jnp.arange(n, dtype=edge_index.dtype)
    src = jnp.concatenate([edge_index[0], loop])
    dst = jnp.concatenate([edge_index[1], loop])
    deg = jnp.zeros((n,), dtype=x.dtype).at[dst].add(1.0)
    deg_inv_sqrt = jnp.where(deg > 0, 1.0 / jnp.sqrt(deg), 0.0)
    norm = deg_inv_sqrt[src] * deg_inv_sqrt[dst]
    msgs = norm[:, None] * x[src]
    return jnp.zeros_like(x).at[dst].add(msgs)


def setup_inputs(seed: int = 0) -> dict:
    key = jax.random.key(seed)
    ks = jax.random.split(key, 6)
    x = jax.random.normal(ks[0], (N, D_IN), dtype=jnp.float32)
    edge_index = jax.random.randint(ks[1], (2, E), 0, N, dtype=jnp.int32)
    s = 1.0 / np.sqrt(D_IN)
    W1 = jax.random.uniform(ks[2], (D_OUT, D_IN), minval=-s, maxval=s, dtype=jnp.float32)
    b1 = jax.random.uniform(ks[3], (D_OUT,), minval=-s, maxval=s, dtype=jnp.float32)
    W2 = jax.random.uniform(ks[4], (D_OUT, D_IN), minval=-s, maxval=s, dtype=jnp.float32)
    b2 = jax.random.uniform(ks[5], (D_OUT,), minval=-s, maxval=s, dtype=jnp.float32)
    return {"x": x, "edge_index": edge_index, "W1": W1, "b1": b1, "W2": W2, "b2": b2}


def reference(x, edge_index, W1, b1, W2, b2):
    # x_ branch: linear1 -> APPNP propagate
    x_ = x @ W1.T + b1
    x_ = _gcn_prop(x_, edge_index)
    # x branch: linear2 -> L2 normalize * scaling_factor -> APPNP propagate
    h = x @ W2.T + b2
    nrm = jnp.maximum(jnp.linalg.norm(h, axis=1, keepdims=True), 1e-12)
    h = (h / nrm) * SCALING_FACTOR
    h = _gcn_prop(h, edge_index)
    return (h, x_)

if __name__ == "__main__":
    import jax
    _d = setup_inputs()
    print(jax.jit(kernel)(*tuple(_d.values())))

</pallas_src>

<mosaic_0001>
#map = affine_map<(d0, d1) -> (0, 0, 0, 0)>
#map1 = affine_map<(d0, d1) -> (0, 0)>
#map2 = affine_map<(d0, d1) -> (0, 0, 0)>
module attributes {stable_mosaic.version = 14 : i64} {
  func.func @prop_kernel(%arg0: i32, %arg1: i32, %arg2: memref<32x5x32x128xi32, #tpu.memory_space<hbm>>, %arg3: memref<16x5x32x128xi32, #tpu.memory_space<hbm>>, %arg4: memref<20000x128xf32, #tpu.memory_space<hbm>>, %arg5: memref<80x128xf32, #tpu.memory_space<hbm>>, %arg6: memref<250x80x128xf32, #tpu.memory_space<hbm>>, %arg7: memref<32x128xi32, #tpu.memory_space<vmem>>, %arg8: memref<32x128xi32, #tpu.memory_space<vmem>>, %arg9: memref<32x128xi32, #tpu.memory_space<vmem>>, %arg10: memref<32x128xi32, #tpu.memory_space<vmem>>, %arg11: memref<128x128xf32, #tpu.memory_space<vmem>>, %arg12: memref<128x128xf32, #tpu.memory_space<vmem>>, %arg13: memref<10000x128xf32, #tpu.memory_space<vmem_shared>>, %arg14: memref<!tpu.dma_semaphore, #tpu.memory_space<semaphore_mem>>, %arg15: memref<!tpu.dma_semaphore, #tpu.memory_space<semaphore_mem>>, %arg16: memref<!tpu.dma_semaphore, #tpu.memory_space<semaphore_mem>>, %arg17: memref<!tpu.dma_semaphore, #tpu.memory_space<semaphore_mem>>) attributes {dimension_semantics = [#tpu.dimension_semantics<core_parallel>, #tpu.dimension_semantics<subcore_parallel>], iteration_bounds = array<i64: 2, 16>, scalar_prefetch = 0 : i64, scratch_operands = 11 : i64, tpu.core_type = #tpu.core_type<sc_vector_subcore>, window_params = [{transform_indices = #map}, {transform_indices = #map}, {transform_indices = #map1}, {transform_indices = #map1}, {transform_indices = #map2}]} {
    %mul3A = arith.constant 16 : i32
    %mul3A_0 = arith.muli %arg0, %mul3A : i32
    %add3A = arith.addi %mul3A_0, %arg1 : i32
    %mul3A_1 = arith.constant 160 : i32
    %mul3A_2 = arith.muli %arg1, %mul3A_1 : i32
    %sub3A = arith.constant 2500 : i32
    %sub3A_3 = arith.subi %sub3A, %mul3A_2 : i32
    %jit3A = arith.constant 0 : i32
    %jit3A_4 = arith.constant 160 : i32
    %max3A = arith.maxsi %jit3A, %sub3A_3 : i32
    %min3A = arith.minsi %jit3A_4, %max3A : i32
    %dma_start3A = arith.constant 0 : i32
    %dma_start3A_5 = arith.constant 0 : i32
    %dma_start3A_6 = arith.constant 0 : i32
    %dma_start3A_7 = tpu.memref_slice %arg2[%add3A, %dma_start3A, %dma_start3A_5, %dma_start3A_6] : memref<32x5x32x128xi32, #tpu.memory_space<hbm>> -> memref<1x1x32x128xi32, #tpu.memory_space<hbm>>
    %dma_start3A_8 = tpu.memref_squeeze %dma_start3A_7 : memref<1x1x32x128xi32, #tpu.memory_space<hbm>> -> memref<32x128xi32, #tpu.memory_space<hbm>>
    %dma_start3A_9 = arith.constant 0 : i32
    %dma_start3A_10 = arith.constant 0 : i32
    %dma_start3A_11 = tpu.memref_slice %arg2[%add3A, %dma_start3A, %dma_start3A_9, %dma_start3A_10] : memref<32x5x32x128xi32, #tpu.memory_space<hbm>> -> memref<1x1x32x128xi32, #tpu.memory_space<hbm>>
    %dma_start3A_12 = tpu.memref_squeeze %dma_start3A_11 : memref<1x1x32x128xi32, #tpu.memory_space<hbm>> -> memref<32x128xi32, #tpu.memory_space<hbm>>
    tpu.enqueue_dma source(%dma_start3A_12 : memref<32x128xi32, #tpu.memory_space<hbm>>) target(%arg7 : memref<32x128xi32, #tpu.memory_space<vmem>>) target_semaphore(%arg14 : memref<!tpu.dma_semaphore, #tpu.memory_space<semaphore_mem>>)
    %dma_start3A_13 = arith.constant 0 : i32
    %dma_start3A_14 = arith.constant 0 : i32
    %dma_start3A_15 = arith.constant 0 : i32
    %dma_start3A_16 = tpu.memref_slice %arg3[%arg1, %dma_start3A_13, %dma_start3A_14, %dma_start3A_15] : memref<16x5x32x128xi32, #tpu.memory_space<hbm>> -> memref<1x1x32x128xi32, #tpu.memory_space<hbm>>
    %dma_start3A_17 = tpu.memref_squeeze %dma_start3A_16 : memref<1x1x32x128xi32, #tpu.memory_space<hbm>> -> memref<32x128xi32, #tpu.memory_space<hbm>>
    %dma_start3A_18 = arith.constant 0 : i32
    %dma_start3A_19 = arith.constant 0 : i32
    %dma_start3A_20 = tpu.memref_slice %arg3[%arg1, %dma_start3A_13, %dma_start3A_18, %dma_start3A_19] : memref<16x5x32x128xi32, #tpu.memory_space<hbm>> -> memref<1x1x32x128xi32, #tpu.memory_space<hbm>>
    %dma_start3A_21 = tpu.memref_squeeze %dma_start3A_20 : memref<1x1x32x128xi32, #tpu.memory_space<hbm>> -> memref<32x128xi32, #tpu.memory_space<hbm>>
    tpu.enqueue_dma source(%dma_start3A_21 : memref<32x128xi32, #tpu.memory_space<hbm>>) target(%arg9 : memref<32x128xi32, #tpu.memory_space<vmem>>) target_semaphore(%arg14 : memref<!tpu.dma_semaphore, #tpu.memory_space<semaphore_mem>>)
    %dma_start3A_22 = arith.constant 1 : i32
    %dma_start3A_23 = arith.constant 0 : i32
    %dma_start3A_24 = arith.constant 0 : i32
    %dma_start3A_25 = tpu.memref_slice %arg2[%add3A, %dma_start3A_22, %dma_start3A_23, %dma_start3A_24] : memref<32x5x32x128xi32, #tpu.memory_space<hbm>> -> memref<1x1x32x128xi32, #tpu.memory_space<hbm>>
    %dma_start3A_26 = tpu.memref_squeeze %dma_start3A_25 : memref<1x1x32x128xi32, #tpu.memory_space<hbm>> -> memref<32x128xi32, #tpu.memory_space<hbm>>
    %dma_start3A_27 = arith.constant 0 : i32
    %dma_start3A_28 = arith.constant 0 : i32
    %dma_start3A_29 = tpu.memref_slice %arg2[%add3A, %dma_start3A_22, %dma_start3A_27, %dma_start3A_28] : memref<32x5x32x128xi32, #tpu.memory_space<hbm>> -> memref<1x1x32x128xi32, #tpu.memory_space<hbm>>
    %dma_start3A_30 = tpu.memref_squeeze %dma_start3A_29 : memref<1x1x32x128xi32, #tpu.memory_space<hbm>> -> memref<32x128xi32, #tpu.memory_space<hbm>>
    tpu.enqueue_dma source(%dma_start3A_30 : memref<32x128xi32, #tpu.memory_space<hbm>>) target(%arg8 : memref<32x128xi32, #tpu.memory_space<vmem>>) target_semaphore(%arg15 : memref<!tpu.dma_semaphore, #tpu.memory_space<semaphore_mem>>)
    %dma_start3A_31 = arith.constant 1 : i32
    %dma_start3A_32 = arith.constant 0 : i32
    %dma_start3A_33 = arith.constant 0 : i32
    %dma_start3A_34 = tpu.memref_slice %arg3[%arg1, %dma_start3A_31, %dma_start3A_32, %dma_start3A_33] : memref<16x5x32x128xi32, #tpu.memory_space<hbm>> -> memref<1x1x32x128xi32, #tpu.memory_space<hbm>>
    %dma_start3A_35 = tpu.memref_squeeze %dma_start3A_34 : memref<1x1x32x128xi32, #tpu.memory_space<hbm>> -> memref<32x128xi32, #tpu.memory_space<hbm>>
    %dma_start3A_36 = arith.constant 0 : i32
    %dma_start3A_37 = arith.constant 0 : i32
    %dma_start3A_38 = tpu.memref_slice %arg3[%arg1, %dma_start3A_31, %dma_start3A_36, %dma_start3A_37] : memref<16x5x32x128xi32, #tpu.memory_space<hbm>> -> memref<1x1x32x128xi32, #tpu.memory_space<hbm>>
    %dma_start3A_39 = tpu.memref_squeeze %dma_start3A_38 : memref<1x1x32x128xi32, #tpu.memory_space<hbm>> -> memref<32x128xi32, #tpu.memory_space<hbm>>
    tpu.enqueue_dma source(%dma_start3A_39 : memref<32x128xi32, #tpu.memory_space<hbm>>) target(%arg10 : memref<32x128xi32, #tpu.memory_space<vmem>>) target_semaphore(%arg15 : memref<!tpu.dma_semaphore, #tpu.memory_space<semaphore_mem>>)
    "tpu.region"() ({
      %run_scoped3A = tpu.sem_alloc : memref<!tpu.dma_semaphore, #tpu.memory_space<semaphore_mem>>
      %dma_start3A_270 = arith.constant 0 : i32
      %dma_start3A_271 = arith.constant 0 : i32
      %dma_start3A_272 = tpu.memref_slice %arg11[%dma_start3A_270, %dma_start3A_271] : memref<128x128xf32, #tpu.memory_space<vmem>> -> memref<80x128xf32, #tpu.memory_space<vmem>>
      %dma_start3A_273 = arith.constant 0 : i32
      %dma_start3A_274 = arith.constant 0 : i32
      %dma_start3A_275 = tpu.memref_slice %arg11[%dma_start3A_273, %dma_start3A_274] : memref<128x128xf32, #tpu.memory_space<vmem>> -> memref<80x128xf32, #tpu.memory_space<vmem>>
      tpu.enqueue_dma source(%arg5 : memref<80x128xf32, #tpu.memory_space<hbm>>) target(%dma_start3A_275 : memref<80x128xf32, #tpu.memory_space<vmem>>) target_semaphore(%run_scoped3A : memref<!tpu.dma_semaphore, #tpu.memory_space<semaphore_mem>>)
      %dma_wait3A_276 = arith.constant 0 : i32
      %dma_wait3A_277 = arith.constant 0 : i32
      %dma_wait3A_278 = tpu.memref_slice %arg11[%dma_wait3A_276, %dma_wait3A_277] : memref<128x128xf32, #tpu.memory_space<vmem>> -> memref<80x128xf32, #tpu.memory_space<vmem>>
      %dma_wait3A_279 = arith.constant 0 : i32
      %dma_wait3A_280 = arith.constant 0 : i32
      %dma_wait3A_281 = tpu.memref_slice %arg11[%dma_wait3A_279, %dma_wait3A_280] : memref<128x128xf32, #tpu.memory_space<vmem>> -> memref<80x128xf32, #tpu.memory_space<vmem>>
      tpu.wait_dma2 semaphore(%run_scoped3A : memref<!tpu.dma_semaphore, #tpu.memory_space<semaphore_mem>>) src(%arg5 : memref<80x128xf32, #tpu.memory_space<hbm>>) dst(%dma_wait3A_281 : memref<80x128xf32, #tpu.memory_space<vmem>>)
      tpu.yield
    }) : () -> ()
    %scan3A = arith.constant 0 : i32
    %scan3A_40 = arith.constant 8 : i32
    %scan3A_41 = arith.addi %scan3A, %scan3A_40 : i32
    %scan3A_42 = arith.constant 1 : i32
    scf.for %scan3A_270 = %scan3A to %scan3A_41 step %scan3A_42  : i32 {
      %mul3A_271 = arith.constant 16 : i32
      %mul3A_272 = arith.muli %scan3A_270, %mul3A_271 : i32
      %add3A_273 = arith.addi %arg1, %mul3A_272 : i32
      %lt3A = arith.constant 125 : i32
      %lt3A_274 = arith.cmpi slt, %add3A_273, %lt3A : i32
      %convert_element_type3A_275 = arith.extui %lt3A_274 : i1 to i32
      %cond3A_276 = arith.constant 0 : i32
      %cond3A_277 = arith.cmpi ne, %convert_element_type3A_275, %cond3A_276 : i32
      scf.if %cond3A_277 {
        %mul3A_278 = arith.constant 80 : i32
        %mul3A_279 = arith.muli %add3A_273, %mul3A_278 : i32
        "tpu.region"() ({
          %run_scoped3A = tpu.sem_alloc : memref<!tpu.dma_semaphore, #tpu.memory_space<semaphore_mem>>
          %dma_start3A_280 = arith.constant 0 : i32
          %dma_start3A_281 = arith.constant 0 : i32
          %dma_start3A_282 = tpu.memref_slice %arg11[%dma_start3A_280, %dma_start3A_281] : memref<128x128xf32, #tpu.memory_space<vmem>> -> memref<80x128xf32, #tpu.memory_space<vmem>>
          %dma_start3A_283 = arith.constant 0 : i32
          %dma_start3A_284 = tpu.memref_slice %arg13[%mul3A_279, %dma_start3A_283] : memref<10000x128xf32, #tpu.memory_space<vmem_shared>> -> memref<80x128xf32, #tpu.memory_space<vmem_shared>>
          %dma_start3A_285 = arith.constant 0 : i32
          %dma_start3A_286 = tpu.memref_slice %arg13[%mul3A_279, %dma_start3A_285] : memref<10000x128xf32, #tpu.memory_space<vmem_shared>> -> memref<80x128xf32, #tpu.memory_space<vmem_shared>>
          %dma_start3A_287 = arith.constant 0 : i32
          %dma_start3A_288 = arith.constant 0 : i32
          %dma_start3A_289 = tpu.memref_slice %arg11[%dma_start3A_287, %dma_start3A_288] : memref<128x128xf32, #tpu.memory_space<vmem>> -> memref<80x128xf32, #tpu.memory_space<vmem>>
          tpu.enqueue_dma source(%dma_start3A_289 : memref<80x128xf32, #tpu.memory_space<vmem>>) target(%dma_start3A_286 : memref<80x128xf32, #tpu.memory_space<vmem_shared>>) target_semaphore(%run_scoped3A : memref<!tpu.dma_semaphore, #tpu.memory_space<semaphore_mem>>)
          %dma_wait3A_290 = arith.constant 0 : i32
          %dma_wait3A_291 = arith.constant 0 : i32
          %dma_wait3A_292 = tpu.memref_slice %arg11[%dma_wait3A_290, %dma_wait3A_291] : memref<128x128xf32, #tpu.memory_space<vmem>> -> memref<80x128xf32, #tpu.memory_space<vmem>>
          %dma_wait3A_293 = arith.constant 0 : i32
          %dma_wait3A_294 = tpu.memref_slice %arg13[%mul3A_279, %dma_wait3A_293] : memref<10000x128xf32, #tpu.memory_space<vmem_shared>> -> memref<80x128xf32, #tpu.memory_space<vmem_shared>>
          %dma_wait3A_295 = arith.constant 0 : i32
          %dma_wait3A_296 = tpu.memref_slice %arg13[%mul3A_279, %dma_wait3A_295] : memref<10000x128xf32, #tpu.memory_space<vmem_shared>> -> memref<80x128xf32, #tpu.memory_space<vmem_shared>>
          %dma_wait3A_297 = arith.constant 0 : i32
          %dma_wait3A_298 = arith.constant 0 : i32
          %dma_wait3A_299 = tpu.memref_slice %arg11[%dma_wait3A_297, %dma_wait3A_298] : memref<128x128xf32, #tpu.memory_space<vmem>> -> memref<80x128xf32, #tpu.memory_space<vmem>>
          tpu.wait_dma2 semaphore(%run_scoped3A : memref<!tpu.dma_semaphore, #tpu.memory_space<semaphore_mem>>) src(%dma_wait3A_299 : memref<80x128xf32, #tpu.memory_space<vmem>>) dst(%dma_wait3A_296 : memref<80x128xf32, #tpu.memory_space<vmem_shared>>)
          tpu.yield
        }) : () -> ()
      } else {
      }
    }
    %scan3A_43 = arith.constant 8 : i32
    %barrier3A = arith.constant 0 : index
    tpu.barrier barrier_id(%barrier3A)
    %dma_wait3A = arith.constant 0 : i32
    %dma_wait3A_44 = arith.constant 0 : i32
    %dma_wait3A_45 = arith.constant 0 : i32
    %dma_wait3A_46 = tpu.memref_slice %arg2[%add3A, %dma_wait3A, %dma_wait3A_44, %dma_wait3A_45] : memref<32x5x32x128xi32, #tpu.memory_space<hbm>> -> memref<1x1x32x128xi32, #tpu.memory_space<hbm>>
    %dma_wait3A_47 = tpu.memref_squeeze %dma_wait3A_46 : memref<1x1x32x128xi32, #tpu.memory_space<hbm>> -> memref<32x128xi32, #tpu.memory_space<hbm>>
    %dma_wait3A_48 = arith.constant 0 : i32
    %dma_wait3A_49 = arith.constant 0 : i32
    %dma_wait3A_50 = tpu.memref_slice %arg2[%add3A, %dma_wait3A, %dma_wait3A_48, %dma_wait3A_49] : memref<32x5x32x128xi32, #tpu.memory_space<hbm>> -> memref<1x1x32x128xi32, #tpu.memory_space<hbm>>
    %dma_wait3A_51 = tpu.memref_squeeze %dma_wait3A_50 : memref<1x1x32x128xi32, #tpu.memory_space<hbm>> -> memref<32x128xi32, #tpu.memory_space<hbm>>
    tpu.wait_dma2 semaphore(%arg14 : memref<!tpu.dma_semaphore, #tpu.memory_space<semaphore_mem>>) src(%dma_wait3A_51 : memref<32x128xi32, #tpu.memory_space<hbm>>) dst(%arg7 : memref<32x128xi32, #tpu.memory_space<vmem>>)
    %dma_wait3A_52 = arith.constant 0 : i32
    %dma_wait3A_53 = arith.constant 0 : i32
    %dma_wait3A_54 = arith.constant 0 : i32
    %dma_wait3A_55 = tpu.memref_slice %arg3[%arg1, %dma_wait3A_52, %dma_wait3A_53, %dma_wait3A_54] : memref<16x5x32x128xi32, #tpu.memory_space<hbm>> -> memref<1x1x32x128xi32, #tpu.memory_space<hbm>>
    %dma_wait3A_56 = tpu.memref_squeeze %dma_wait3A_55 : memref<1x1x32x128xi32, #tpu.memory_space<hbm>> -> memref<32x128xi32, #tpu.memory_space<hbm>>
    %dma_wait3A_57 = arith.constant 0 : i32
    %dma_wait3A_58 = arith.constant 0 : i32
    %dma_wait3A_59 = tpu.memref_slice %arg3[%arg1, %dma_wait3A_52, %dma_wait3A_57, %dma_wait3A_58] : memref<16x5x32x128xi32, #tpu.memory_space<hbm>> -> memref<1x1x32x128xi32, #tpu.memory_space<hbm>>
    %dma_wait3A_60 = tpu.memref_squeeze %dma_wait3A_59 : memref<1x1x32x128xi32, #tpu.memory_space<hbm>> -> memref<32x128xi32, #tpu.memory_space<hbm>>
    tpu.wait_dma2 semaphore(%arg14 : memref<!tpu.dma_semaphore, #tpu.memory_space<semaphore_mem>>) src(%dma_wait3A_60 : memref<32x128xi32, #tpu.memory_space<hbm>>) dst(%arg9 : memref<32x128xi32, #tpu.memory_space<vmem>>)
    %sub3A_61 = arith.constant 0 : i32
    %sub3A_62 = arith.subi %min3A, %sub3A_61 : i32
    %jit3A_63 = arith.constant 0 : i32
    %jit3A_64 = arith.constant 32 : i32
    %max3A_65 = arith.maxsi %jit3A_63, %sub3A_62 : i32
    %min3A_66 = arith.minsi %jit3A_64, %max3A_65 : i32
    %gt3A = arith.constant 0 : i32
    %gt3A_67 = arith.cmpi sgt, %min3A_66, %gt3A : i32
    %convert_element_type3A = arith.extui %gt3A_67 : i1 to i32
    %cond3A = arith.constant 0 : i32
    %cond3A_68 = arith.cmpi ne, %convert_element_type3A, %cond3A : i32
    scf.if %cond3A_68 {
      %dma_start3A_270 = arith.constant 0 : i32
      %dma_start3A_271 = arith.constant 0 : i32
      %dma_start3A_272 = tpu.memref_slice %arg7[%dma_start3A_270, %dma_start3A_271] : memref<32x128xi32, #tpu.memory_space<vmem>> -> memref<1x128xi32, #tpu.memory_space<vmem>>
      %dma_start3A_273 = tpu.memref_squeeze %dma_start3A_272 : memref<1x128xi32, #tpu.memory_space<vmem>> -> memref<128xi32, #tpu.memory_space<vmem>>
      %dma_start3A_274 = arith.constant 0 : i32
      %dma_start3A_275 = arith.constant 0 : i32
      %dma_start3A_276 = tpu.memref_slice %arg4[%dma_start3A_274, %dma_start3A_275] : memref<20000x128xf32, #tpu.memory_space<hbm>> -> memref<20000x128xf32, #tpu.memory_space<hbm>>
      tpu.enqueue_indirect_dma source(%dma_start3A_276 : memref<20000x128xf32, #tpu.memory_space<hbm>>) target(%arg11 : memref<128x128xf32, #tpu.memory_space<vmem>>) offsets(%dma_start3A_273 : memref<128xi32, #tpu.memory_space<vmem>>) semaphore(%arg16 : memref<!tpu.dma_semaphore, #tpu.memory_space<semaphore_mem>>)
    } else {
    }
    %scan3A_69 = arith.constant 0 : i32
    %scan3A_70 = arith.constant 16 : i32
    %scan3A_71 = arith.addi %scan3A_69, %scan3A_70 : i32
    %scan3A_72 = arith.constant 1 : i32
    scf.for %scan3A_270 = %scan3A_69 to %scan3A_71 step %scan3A_72  : i32 {
      %mul3A_271 = arith.constant 2 : i32
      %mul3A_272 = arith.muli %mul3A_271, %scan3A_270 : i32
      %add3A_273 = arith.constant 1 : i32
      %add3A_274 = arith.addi %mul3A_272, %add3A_273 : i32
      %lt3A = arith.cmpi slt, %add3A_274, %min3A_66 : i32
      %convert_element_type3A_275 = arith.extui %lt3A : i1 to i32
      %cond3A_276 = arith.constant 0 : i32
      %cond3A_277 = arith.cmpi ne, %convert_element_type3A_275, %cond3A_276 : i32
      scf.if %cond3A_277 {
        %dma_start3A_292 = arith.constant 0 : i32
        %dma_start3A_293 = tpu.memref_slice %arg7[%add3A_274, %dma_start3A_292] : memref<32x128xi32, #tpu.memory_space<vmem>> -> memref<1x128xi32, #tpu.memory_space<vmem>>
        %dma_start3A_294 = tpu.memref_squeeze %dma_start3A_293 : memref<1x128xi32, #tpu.memory_space<vmem>> -> memref<128xi32, #tpu.memory_space<vmem>>
        %dma_start3A_295 = arith.constant 0 : i32
        %dma_start3A_296 = arith.constant 0 : i32
        %dma_start3A_297 = tpu.memref_slice %arg4[%dma_start3A_295, %dma_start3A_296] : memref<20000x128xf32, #tpu.memory_space<hbm>> -> memref<20000x128xf32, #tpu.memory_space<hbm>>
        tpu.enqueue_indirect_dma source(%dma_start3A_297 : memref<20000x128xf32, #tpu.memory_space<hbm>>) target(%arg12 : memref<128x128xf32, #tpu.memory_space<vmem>>) offsets(%dma_start3A_294 : memref<128xi32, #tpu.memory_space<vmem>>) semaphore(%arg17 : memref<!tpu.dma_semaphore, #tpu.memory_space<semaphore_mem>>)
      } else {
      }
      %lt3A_278 = arith.cmpi slt, %mul3A_272, %min3A_66 : i32
      %convert_element_type3A_279 = arith.extui %lt3A_278 : i1 to i32
      %cond3A_280 = arith.constant 0 : i32
      %cond3A_281 = arith.cmpi ne, %convert_element_type3A_279, %cond3A_280 : i32
      scf.if %cond3A_281 {
        %dma_wait3A_292 = arith.constant 0 : i32
        %dma_wait3A_293 = arith.constant 0 : i32
        %dma_wait3A_294 = tpu.memref_slice %arg7[%dma_wait3A_292, %dma_wait3A_293] : memref<32x128xi32, #tpu.memory_space<vmem>> -> memref<1x128xi32, #tpu.memory_space<vmem>>
        %dma_wait3A_295 = tpu.memref_squeeze %dma_wait3A_294 : memref<1x128xi32, #tpu.memory_space<vmem>> -> memref<128xi32, #tpu.memory_space<vmem>>
        %dma_wait3A_296 = arith.constant 0 : i32
        %dma_wait3A_297 = arith.constant 0 : i32
        %dma_wait3A_298 = tpu.memref_slice %arg4[%dma_wait3A_296, %dma_wait3A_297] : memref<20000x128xf32, #tpu.memory_space<hbm>> -> memref<20000x128xf32, #tpu.memory_space<hbm>>
        tpu.wait_indirect_dma semaphore(%arg16 : memref<!tpu.dma_semaphore, #tpu.memory_space<semaphore_mem>>) src(%dma_wait3A_298 : memref<20000x128xf32, #tpu.memory_space<hbm>>) dst(%arg11 : memref<128x128xf32, #tpu.memory_space<vmem>>)
        "tpu.region"() ({
          %run_scoped3A = tpu.sem_alloc : memref<!tpu.dma_semaphore, #tpu.memory_space<semaphore_mem>>
          %dma_start3A_299 = arith.constant 0 : i32
          %dma_start3A_300 = tpu.memref_slice %arg9[%mul3A_272, %dma_start3A_299] : memref<32x128xi32, #tpu.memory_space<vmem>> -> memref<1x128xi32, #tpu.memory_space<vmem>>
          %dma_start3A_301 = tpu.memref_squeeze %dma_start3A_300 : memref<1x128xi32, #tpu.memory_space<vmem>> -> memref<128xi32, #tpu.memory_space<vmem>>
          %dma_start3A_302 = arith.constant 0 : i32
          %dma_start3A_303 = arith.constant 0 : i32
          %dma_start3A_304 = tpu.memref_slice %arg13[%dma_start3A_302, %dma_start3A_303] : memref<10000x128xf32, #tpu.memory_space<vmem_shared>> -> memref<10000x128xf32, #tpu.memory_space<vmem_shared>>
          tpu.enqueue_indirect_dma source(%arg11 : memref<128x128xf32, #tpu.memory_space<vmem>>) target(%dma_start3A_304 : memref<10000x128xf32, #tpu.memory_space<vmem_shared>>) offsets(%dma_start3A_301 : memref<128xi32, #tpu.memory_space<vmem>>) semaphore(%run_scoped3A : memref<!tpu.dma_semaphore, #tpu.memory_space<semaphore_mem>>) {add = true}
          %dma_wait3A_305 = arith.constant 0 : i32
          %dma_wait3A_306 = tpu.memref_slice %arg9[%mul3A_272, %dma_wait3A_305] : memref<32x128xi32, #tpu.memory_space<vmem>> -> memref<1x128xi32, #tpu.memory_space<vmem>>
          %dma_wait3A_307 = tpu.memref_squeeze %dma_wait3A_306 : memref<1x128xi32, #tpu.memory_space<vmem>> -> memref<128xi32, #tpu.memory_space<vmem>>
          %dma_wait3A_308 = arith.constant 0 : i32
          %dma_wait3A_309 = arith.constant 0 : i32
          %dma_wait3A_310 = tpu.memref_slice %arg13[%dma_wait3A_308, %dma_wait3A_309] : memref<10000x128xf32, #tpu.memory_space<vmem_shared>> -> memref<10000x128xf32, #tpu.memory_space<vmem_shared>>
          tpu.wait_indirect_dma semaphore(%run_scoped3A : memref<!tpu.dma_semaphore, #tpu.memory_space<semaphore_mem>>) src(%arg11 : memref<128x128xf32, #tpu.memory_space<vmem>>) dst(%dma_wait3A_310 : memref<10000x128xf32, #tpu.memory_space<vmem_shared>>)
          tpu.yield
        }) : () -> ()
      } else {
      }
      %add3A_282 = arith.constant 2 : i32
      %add3A_283 = arith.addi %mul3A_272, %add3A_282 : i32
      %lt3A_284 = arith.cmpi slt, %add3A_283, %min3A_66 : i32
      %convert_element_type3A_285 = arith.extui %lt3A_284 : i1 to i32
      %cond3A_286 = arith.constant 0 : i32
      %cond3A_287 = arith.cmpi ne, %convert_element_type3A_285, %cond3A_286 : i32
      scf.if %cond3A_287 {
        %add3A_292 = arith.constant 2 : i32
        %add3A_293 = arith.addi %mul3A_272, %add3A_292 : i32
        %dma_start3A_294 = arith.constant 0 : i32
        %dma_start3A_295 = tpu.memref_slice %arg7[%add3A_293, %dma_start3A_294] : memref<32x128xi32, #tpu.memory_space<vmem>> -> memref<1x128xi32, #tpu.memory_space<vmem>>
        %dma_start3A_296 = tpu.memref_squeeze %dma_start3A_295 : memref<1x128xi32, #tpu.memory_space<vmem>> -> memref<128xi32, #tpu.memory_space<vmem>>
        %dma_start3A_297 = arith.constant 0 : i32
        %dma_start3A_298 = arith.constant 0 : i32
        %dma_start3A_299 = tpu.memref_slice %arg4[%dma_start3A_297, %dma_start3A_298] : memref<20000x128xf32, #tpu.memory_space<hbm>> -> memref<20000x128xf32, #tpu.memory_space<hbm>>
        tpu.enqueue_indirect_dma source(%dma_start3A_299 : memref<20000x128xf32, #tpu.memory_space<hbm>>) target(%arg11 : memref<128x128xf32, #tpu.memory_space<vmem>>) offsets(%dma_start3A_296 : memref<128xi32, #tpu.memory_space<vmem>>) semaphore(%arg16 : memref<!tpu.dma_semaphore, #tpu.memory_space<semaphore_mem>>)
      } else {
      }
      %lt3A_288 = arith.cmpi slt, %add3A_274, %min3A_66 : i32
      %convert_element_type3A_289 = arith.extui %lt3A_288 : i1 to i32
      %cond3A_290 = arith.constant 0 : i32
      %cond3A_291 = arith.cmpi ne, %convert_element_type3A_289, %cond3A_290 : i32
      scf.if %cond3A_291 {
        %dma_wait3A_292 = arith.constant 0 : i32
        %dma_wait3A_293 = arith.constant 0 : i32
        %dma_wait3A_294 = tpu.memref_slice %arg7[%dma_wait3A_292, %dma_wait3A_293] : memref<32x128xi32, #tpu.memory_space<vmem>> -> memref<1x128xi32, #tpu.memory_space<vmem>>
        %dma_wait3A_295 = tpu.memref_squeeze %dma_wait3A_294 : memref<1x128xi32, #tpu.memory_space<vmem>> -> memref<128xi32, #tpu.memory_space<vmem>>
        %dma_wait3A_296 = arith.constant 0 : i32
        %dma_wait3A_297 = arith.constant 0 : i32
        %dma_wait3A_298 = tpu.memref_slice %arg4[%dma_wait3A_296, %dma_wait3A_297] : memref<20000x128xf32, #tpu.memory_space<hbm>> -> memref<20000x128xf32, #tpu.memory_space<hbm>>
        tpu.wait_indirect_dma semaphore(%arg17 : memref<!tpu.dma_semaphore, #tpu.memory_space<semaphore_mem>>) src(%dma_wait3A_298 : memref<20000x128xf32, #tpu.memory_space<hbm>>) dst(%arg12 : memref<128x128xf32, #tpu.memory_space<vmem>>)
        "tpu.region"() ({
          %run_scoped3A = tpu.sem_alloc : memref<!tpu.dma_semaphore, #tpu.memory_space<semaphore_mem>>
          %dma_start3A_299 = arith.constant 0 : i32
          %dma_start3A_300 = tpu.memref_slice %arg9[%add3A_274, %dma_start3A_299] : memref<32x128xi32, #tpu.memory_space<vmem>> -> memref<1x128xi32, #tpu.memory_space<vmem>>
          %dma_start3A_301 = tpu.memref_squeeze %dma_start3A_300 : memref<1x128xi32, #tpu.memory_space<vmem>> -> memref<128xi32, #tpu.memory_space<vmem>>
          %dma_start3A_302 = arith.constant 0 : i32
          %dma_start3A_303 = arith.constant 0 : i32
          %dma_start3A_304 = tpu.memref_slice %arg13[%dma_start3A_302, %dma_start3A_303] : memref<10000x128xf32, #tpu.memory_space<vmem_shared>> -> memref<10000x128xf32, #tpu.memory_space<vmem_shared>>
          tpu.enqueue_indirect_dma source(%arg12 : memref<128x128xf32, #tpu.memory_space<vmem>>) target(%dma_start3A_304 : memref<10000x128xf32, #tpu.memory_space<vmem_shared>>) offsets(%dma_start3A_301 : memref<128xi32, #tpu.memory_space<vmem>>) semaphore(%run_scoped3A : memref<!tpu.dma_semaphore, #tpu.memory_space<semaphore_mem>>) {add = true}
          %dma_wait3A_305 = arith.constant 0 : i32
          %dma_wait3A_306 = tpu.memref_slice %arg9[%add3A_274, %dma_wait3A_305] : memref<32x128xi32, #tpu.memory_space<vmem>> -> memref<1x128xi32, #tpu.memory_space<vmem>>
          %dma_wait3A_307 = tpu.memref_squeeze %dma_wait3A_306 : memref<1x128xi32, #tpu.memory_space<vmem>> -> memref<128xi32, #tpu.memory_space<vmem>>
          %dma_wait3A_308 = arith.constant 0 : i32
          %dma_wait3A_309 = arith.constant 0 : i32
          %dma_wait3A_310 = tpu.memref_slice %arg13[%dma_wait3A_308, %dma_wait3A_309] : memref<10000x128xf32, #tpu.memory_space<vmem_shared>> -> memref<10000x128xf32, #tpu.memory_space<vmem_shared>>
          tpu.wait_indirect_dma semaphore(%run_scoped3A : memref<!tpu.dma_semaphore, #tpu.memory_space<semaphore_mem>>) src(%arg12 : memref<128x128xf32, #tpu.memory_space<vmem>>) dst(%dma_wait3A_310 : memref<10000x128xf32, #tpu.memory_space<vmem_shared>>)
          tpu.yield
        }) : () -> ()
      } else {
      }
    }
    %scan3A_73 = arith.constant 16 : i32
    %dma_start3A_74 = arith.constant 2 : i32
    %dma_start3A_75 = arith.constant 0 : i32
    %dma_start3A_76 = arith.constant 0 : i32
    %dma_start3A_77 = tpu.memref_slice %arg2[%add3A, %dma_start3A_74, %dma_start3A_75, %dma_start3A_76] : memref<32x5x32x128xi32, #tpu.memory_space<hbm>> -> memref<1x1x32x128xi32, #tpu.memory_space<hbm>>
    %dma_start3A_78 = tpu.memref_squeeze %dma_start3A_77 : memref<1x1x32x128xi32, #tpu.memory_space<hbm>> -> memref<32x128xi32, #tpu.memory_space<hbm>>
    %dma_start3A_79 = arith.constant 0 : i32
    %dma_start3A_80 = arith.constant 0 : i32
    %dma_start3A_81 = tpu.memref_slice %arg2[%add3A, %dma_start3A_74, %dma_start3A_79, %dma_start3A_80] : memref<32x5x32x128xi32, #tpu.memory_space<hbm>> -> memref<1x1x32x128xi32, #tpu.memory_space<hbm>>
    %dma_start3A_82 = tpu.memref_squeeze %dma_start3A_81 : memref<1x1x32x128xi32, #tpu.memory_space<hbm>> -> memref<32x128xi32, #tpu.memory_space<hbm>>
    tpu.enqueue_dma source(%dma_start3A_82 : memref<32x128xi32, #tpu.memory_space<hbm>>) target(%arg7 : memref<32x128xi32, #tpu.memory_space<vmem>>) target_semaphore(%arg14 : memref<!tpu.dma_semaphore, #tpu.memory_space<semaphore_mem>>)
    %dma_start3A_83 = arith.constant 2 : i32
    %dma_start3A_84 = arith.constant 0 : i32
    %dma_start3A_85 = arith.constant 0 : i32
    %dma_start3A_86 = tpu.memref_slice %arg3[%arg1, %dma_start3A_83, %dma_start3A_84, %dma_start3A_85] : memref<16x5x32x128xi32, #tpu.memory_space<hbm>> -> memref<1x1x32x128xi32, #tpu.memory_space<hbm>>
    %dma_start3A_87 = tpu.memref_squeeze %dma_start3A_86 : memref<1x1x32x128xi32, #tpu.memory_space<hbm>> -> memref<32x128xi32, #tpu.memory_space<hbm>>
    %dma_start3A_88 = arith.constant 0 : i32
    %dma_start3A_89 = arith.constant 0 : i32
    %dma_start3A_90 = tpu.memref_slice %arg3[%arg1, %dma_start3A_83, %dma_start3A_88, %dma_start3A_89] : memref<16x5x32x128xi32, #tpu.memory_space<hbm>> -> memref<1x1x32x128xi32, #tpu.memory_space<hbm>>
    %dma_start3A_91 = tpu.memref_squeeze %dma_start3A_90 : memref<1x1x32x128xi32, #tpu.memory_space<hbm>> -> memref<32x128xi32, #tpu.memory_space<hbm>>
    tpu.enqueue_dma source(%dma_start3A_91 : memref<32x128xi32, #tpu.memory_space<hbm>>) target(%arg9 : memref<32x128xi32, #tpu.memory_space<vmem>>) target_semaphore(%arg14 : memref<!tpu.dma_semaphore, #tpu.memory_space<semaphore_mem>>)
    %dma_wait3A_92 = arith.constant 0 : i32
    %dma_wait3A_93 = arith.constant 0 : i32
    %dma_wait3A_94 = arith.constant 0 : i32
    %dma_wait3A_95 = tpu.memref_slice %arg2[%add3A, %dma_wait3A_92, %dma_wait3A_93, %dma_wait3A_94] : memref<32x5x32x128xi32, #tpu.memory_space<hbm>> -> memref<1x1x32x128xi32, #tpu.memory_space<hbm>>
    %dma_wait3A_96 = tpu.memref_squeeze %dma_wait3A_95 : memref<1x1x32x128xi32, #tpu.memory_space<hbm>> -> memref<32x128xi32, #tpu.memory_space<hbm>>
    %dma_wait3A_97 = arith.constant 0 : i32
    %dma_wait3A_98 = arith.constant 0 : i32
    %dma_wait3A_99 = tpu.memref_slice %arg2[%add3A, %dma_wait3A_92, %dma_wait3A_97, %dma_wait3A_98] : memref<32x5x32x128xi32, #tpu.memory_space<hbm>> -> memref<1x1x32x128xi32, #tpu.memory_space<hbm>>
    %dma_wait3A_100 = tpu.memref_squeeze %dma_wait3A_99 : memref<1x1x32x128xi32, #tpu.memory_space<hbm>> -> memref<32x128xi32, #tpu.memory_space<hbm>>
    tpu.wait_dma2 semaphore(%arg15 : memref<!tpu.dma_semaphore, #tpu.memory_space<semaphore_mem>>) src(%dma_wait3A_100 : memref<32x128xi32, #tpu.memory_space<hbm>>) dst(%arg8 : memref<32x128xi32, #tpu.memory_space<vmem>>)
    %dma_wait3A_101 = arith.constant 0 : i32
    %dma_wait3A_102 = arith.constant 0 : i32
    %dma_wait3A_103 = arith.constant 0 : i32
    %dma_wait3A_104 = tpu.memref_slice %arg3[%arg1, %dma_wait3A_101, %dma_wait3A_102, %dma_wait3A_103] : memref<16x5x32x128xi32, #tpu.memory_space<hbm>> -> memref<1x1x32x128xi32, #tpu.memory_space<hbm>>
    %dma_wait3A_105 = tpu.memref_squeeze %dma_wait3A_104 : memref<1x1x32x128xi32, #tpu.memory_space<hbm>> -> memref<32x128xi32, #tpu.memory_space<hbm>>
    %dma_wait3A_106 = arith.constant 0 : i32
    %dma_wait3A_107 = arith.constant 0 : i32
    %dma_wait3A_108 = tpu.memref_slice %arg3[%arg1, %dma_wait3A_101, %dma_wait3A_106, %dma_wait3A_107] : memref<16x5x32x128xi32, #tpu.memory_space<hbm>> -> memref<1x1x32x128xi32, #tpu.memory_space<hbm>>
    %dma_wait3A_109 = tpu.memref_squeeze %dma_wait3A_108 : memref<1x1x32x128xi32, #tpu.memory_space<hbm>> -> memref<32x128xi32, #tpu.memory_space<hbm>>
    tpu.wait_dma2 semaphore(%arg15 : memref<!tpu.dma_semaphore, #tpu.memory_space<semaphore_mem>>) src(%dma_wait3A_109 : memref<32x128xi32, #tpu.memory_space<hbm>>) dst(%arg10 : memref<32x128xi32, #tpu.memory_space<vmem>>)
    %sub3A_110 = arith.constant 32 : i32
    %sub3A_111 = arith.subi %min3A, %sub3A_110 : i32
    %jit3A_112 = arith.constant 0 : i32
    %jit3A_113 = arith.constant 32 : i32
    %max3A_114 = arith.maxsi %jit3A_112, %sub3A_111 : i32
    %min3A_115 = arith.minsi %jit3A_113, %max3A_114 : i32
    %gt3A_116 = arith.constant 0 : i32
    %gt3A_117 = arith.cmpi sgt, %min3A_115, %gt3A_116 : i32
    %convert_element_type3A_118 = arith.extui %gt3A_117 : i1 to i32
    %cond3A_119 = arith.constant 0 : i32
    %cond3A_120 = arith.cmpi ne, %convert_element_type3A_118, %cond3A_119 : i32
    scf.if %cond3A_120 {
      %dma_start3A_270 = arith.constant 0 : i32
      %dma_start3A_271 = arith.constant 0 : i32
      %dma_start3A_272 = tpu.memref_slice %arg8[%dma_start3A_270, %dma_start3A_271] : memref<32x128xi32, #tpu.memory_space<vmem>> -> memref<1x128xi32, #tpu.memory_space<vmem>>
      %dma_start3A_273 = tpu.memref_squeeze %dma_start3A_272 : memref<1x128xi32, #tpu.memory_space<vmem>> -> memref<128xi32, #tpu.memory_space<vmem>>
      %dma_start3A_274 = arith.constant 0 : i32
      %dma_start3A_275 = arith.constant 0 : i32
      %dma_start3A_276 = tpu.memref_slice %arg4[%dma_start3A_274, %dma_start3A_275] : memref<20000x128xf32, #tpu.memory_space<hbm>> -> memref<20000x128xf32, #tpu.memory_space<hbm>>
      tpu.enqueue_indirect_dma source(%dma_start3A_276 : memref<20000x128xf32, #tpu.memory_space<hbm>>) target(%arg11 : memref<128x128xf32, #tpu.memory_space<vmem>>) offsets(%dma_start3A_273 : memref<128xi32, #tpu.memory_space<vmem>>) semaphore(%arg16 : memref<!tpu.dma_semaphore, #tpu.memory_space<semaphore_mem>>)
    } else {
    }
    %scan3A_121 = arith.constant 0 : i32
    %scan3A_122 = arith.constant 16 : i32
    %scan3A_123 = arith.addi %scan3A_121, %scan3A_122 : i32
    %scan3A_124 = arith.constant 1 : i32
    scf.for %scan3A_270 = %scan3A_121 to %scan3A_123 step %scan3A_124  : i32 {
      %mul3A_271 = arith.constant 2 : i32
      %mul3A_272 = arith.muli %mul3A_271, %scan3A_270 : i32
      %add3A_273 = arith.constant 1 : i32
      %add3A_274 = arith.addi %mul3A_272, %add3A_273 : i32
      %lt3A = arith.cmpi slt, %add3A_274, %min3A_115 : i32
      %convert_element_type3A_275 = arith.extui %lt3A : i1 to i32
      %cond3A_276 = arith.constant 0 : i32
      %cond3A_277 = arith.cmpi ne, %convert_element_type3A_275, %cond3A_276 : i32
      scf.if %cond3A_277 {
        %dma_start3A_292 = arith.constant 0 : i32
        %dma_start3A_293 = tpu.memref_slice %arg8[%add3A_274, %dma_start3A_292] : memref<32x128xi32, #tpu.memory_space<vmem>> -> memref<1x128xi32, #tpu.memory_space<vmem>>
        %dma_start3A_294 = tpu.memref_squeeze %dma_start3A_293 : memref<1x128xi32, #tpu.memory_space<vmem>> -> memref<128xi32, #tpu.memory_space<vmem>>
        %dma_start3A_295 = arith.constant 0 : i32
        %dma_start3A_296 = arith.constant 0 : i32
        %dma_start3A_297 = tpu.memref_slice %arg4[%dma_start3A_295, %dma_start3A_296] : memref<20000x128xf32, #tpu.memory_space<hbm>> -> memref<20000x128xf32, #tpu.memory_space<hbm>>
        tpu.enqueue_indirect_dma source(%dma_start3A_297 : memref<20000x128xf32, #tpu.memory_space<hbm>>) target(%arg12 : memref<128x128xf32, #tpu.memory_space<vmem>>) offsets(%dma_start3A_294 : memref<128xi32, #tpu.memory_space<vmem>>) semaphore(%arg17 : memref<!tpu.dma_semaphore, #tpu.memory_space<semaphore_mem>>)
      } else {
      }
      %lt3A_278 = arith.cmpi slt, %mul3A_272, %min3A_115 : i32
      %convert_element_type3A_279 = arith.extui %lt3A_278 : i1 to i32
      %cond3A_280 = arith.constant 0 : i32
      %cond3A_281 = arith.cmpi ne, %convert_element_type3A_279, %cond3A_280 : i32
      scf.if %cond3A_281 {
        %dma_wait3A_292 = arith.constant 0 : i32
        %dma_wait3A_293 = arith.constant 0 : i32
        %dma_wait3A_294 = tpu.memref_slice %arg8[%dma_wait3A_292, %dma_wait3A_293] : memref<32x128xi32, #tpu.memory_space<vmem>> -> memref<1x128xi32, #tpu.memory_space<vmem>>
        %dma_wait3A_295 = tpu.memref_squeeze %dma_wait3A_294 : memref<1x128xi32, #tpu.memory_space<vmem>> -> memref<128xi32, #tpu.memory_space<vmem>>
        %dma_wait3A_296 = arith.constant 0 : i32
        %dma_wait3A_297 = arith.constant 0 : i32
        %dma_wait3A_298 = tpu.memref_slice %arg4[%dma_wait3A_296, %dma_wait3A_297] : memref<20000x128xf32, #tpu.memory_space<hbm>> -> memref<20000x128xf32, #tpu.memory_space<hbm>>
        tpu.wait_indirect_dma semaphore(%arg16 : memref<!tpu.dma_semaphore, #tpu.memory_space<semaphore_mem>>) src(%dma_wait3A_298 : memref<20000x128xf32, #tpu.memory_space<hbm>>) dst(%arg11 : memref<128x128xf32, #tpu.memory_space<vmem>>)
        "tpu.region"() ({
          %run_scoped3A = tpu.sem_alloc : memref<!tpu.dma_semaphore, #tpu.memory_space<semaphore_mem>>
          %dma_start3A_299 = arith.constant 0 : i32
          %dma_start3A_300 = tpu.memref_slice %arg10[%mul3A_272, %dma_start3A_299] : memref<32x128xi32, #tpu.memory_space<vmem>> -> memref<1x128xi32, #tpu.memory_space<vmem>>
          %dma_start3A_301 = tpu.memref_squeeze %dma_start3A_300 : memref<1x128xi32, #tpu.memory_space<vmem>> -> memref<128xi32, #tpu.memory_space<vmem>>
          %dma_start3A_302 = arith.constant 0 : i32
          %dma_start3A_303 = arith.constant 0 : i32
          %dma_start3A_304 = tpu.memref_slice %arg13[%dma_start3A_302, %dma_start3A_303] : memref<10000x128xf32, #tpu.memory_space<vmem_shared>> -> memref<10000x128xf32, #tpu.memory_space<vmem_shared>>
          tpu.enqueue_indirect_dma source(%arg11 : memref<128x128xf32, #tpu.memory_space<vmem>>) target(%dma_start3A_304 : memref<10000x128xf32, #tpu.memory_space<vmem_shared>>) offsets(%dma_start3A_301 : memref<128xi32, #tpu.memory_space<vmem>>) semaphore(%run_scoped3A : memref<!tpu.dma_semaphore, #tpu.memory_space<semaphore_mem>>) {add = true}
          %dma_wait3A_305 = arith.constant 0 : i32
          %dma_wait3A_306 = tpu.memref_slice %arg10[%mul3A_272, %dma_wait3A_305] : memref<32x128xi32, #tpu.memory_space<vmem>> -> memref<1x128xi32, #tpu.memory_space<vmem>>
          %dma_wait3A_307 = tpu.memref_squeeze %dma_wait3A_306 : memref<1x128xi32, #tpu.memory_space<vmem>> -> memref<128xi32, #tpu.memory_space<vmem>>
          %dma_wait3A_308 = arith.constant 0 : i32
          %dma_wait3A_309 = arith.constant 0 : i32
          %dma_wait3A_310 = tpu.memref_slice %arg13[%dma_wait3A_308, %dma_wait3A_309] : memref<10000x128xf32, #tpu.memory_space<vmem_shared>> -> memref<10000x128xf32, #tpu.memory_space<vmem_shared>>
          tpu.wait_indirect_dma semaphore(%run_scoped3A : memref<!tpu.dma_semaphore, #tpu.memory_space<semaphore_mem>>) src(%arg11 : memref<128x128xf32, #tpu.memory_space<vmem>>) dst(%dma_wait3A_310 : memref<10000x128xf32, #tpu.memory_space<vmem_shared>>)
          tpu.yield
        }) : () -> ()
      } else {
      }
      %add3A_282 = arith.constant 2 : i32
      %add3A_283 = arith.addi %mul3A_272, %add3A_282 : i32
      %lt3A_284 = arith.cmpi slt, %add3A_283, %min3A_115 : i32
      %convert_element_type3A_285 = arith.extui %lt3A_284 : i1 to i32
      %cond3A_286 = arith.constant 0 : i32
      %cond3A_287 = arith.cmpi ne, %convert_element_type3A_285, %cond3A_286 : i32
      scf.if %cond3A_287 {
        %add3A_292 = arith.constant 2 : i32
        %add3A_293 = arith.addi %mul3A_272, %add3A_292 : i32
        %dma_start3A_294 = arith.constant 0 : i32
        %dma_start3A_295 = tpu.memref_slice %arg8[%add3A_293, %dma_start3A_294] : memref<32x128xi32, #tpu.memory_space<vmem>> -> memref<1x128xi32, #tpu.memory_space<vmem>>
        %dma_start3A_296 = tpu.memref_squeeze %dma_start3A_295 : memref<1x128xi32, #tpu.memory_space<vmem>> -> memref<128xi32, #tpu.memory_space<vmem>>
        %dma_start3A_297 = arith.constant 0 : i32
        %dma_start3A_298 = arith.constant 0 : i32
        %dma_start3A_299 = tpu.memref_slice %arg4[%dma_start3A_297, %dma_start3A_298] : memref<20000x128xf32, #tpu.memory_space<hbm>> -> memref<20000x128xf32, #tpu.memory_space<hbm>>
        tpu.enqueue_indirect_dma source(%dma_start3A_299 : memref<20000x128xf32, #tpu.memory_space<hbm>>) target(%arg11 : memref<128x128xf32, #tpu.memory_space<vmem>>) offsets(%dma_start3A_296 : memref<128xi32, #tpu.memory_space<vmem>>) semaphore(%arg16 : memref<!tpu.dma_semaphore, #tpu.memory_space<semaphore_mem>>)
      } else {
      }
      %lt3A_288 = arith.cmpi slt, %add3A_274, %min3A_115 : i32
      %convert_element_type3A_289 = arith.extui %lt3A_288 : i1 to i32
      %cond3A_290 = arith.constant 0 : i32
      %cond3A_291 = arith.cmpi ne, %convert_element_type3A_289, %cond3A_290 : i32
      scf.if %cond3A_291 {
        %dma_wait3A_292 = arith.constant 0 : i32
        %dma_wait3A_293 = arith.constant 0 : i32
        %dma_wait3A_294 = tpu.memref_slice %arg8[%dma_wait3A_292, %dma_wait3A_293] : memref<32x128xi32, #tpu.memory_space<vmem>> -> memref<1x128xi32, #tpu.memory_space<vmem>>
        %dma_wait3A_295 = tpu.memref_squeeze %dma_wait3A_294 : memref<1x128xi32, #tpu.memory_space<vmem>> -> memref<128xi32, #tpu.memory_space<vmem>>
        %dma_wait3A_296 = arith.constant 0 : i32
        %dma_wait3A_297 = arith.constant 0 : i32
        %dma_wait3A_298 = tpu.memref_slice %arg4[%dma_wait3A_296, %dma_wait3A_297] : memref<20000x128xf32, #tpu.memory_space<hbm>> -> memref<20000x128xf32, #tpu.memory_space<hbm>>
        tpu.wait_indirect_dma semaphore(%arg17 : memref<!tpu.dma_semaphore, #tpu.memory_space<semaphore_mem>>) src(%dma_wait3A_298 : memref<20000x128xf32, #tpu.memory_space<hbm>>) dst(%arg12 : memref<128x128xf32, #tpu.memory_space<vmem>>)
        "tpu.region"() ({
          %run_scoped3A = tpu.sem_alloc : memref<!tpu.dma_semaphore, #tpu.memory_space<semaphore_mem>>
          %dma_start3A_299 = arith.constant 0 : i32
          %dma_start3A_300 = tpu.memref_slice %arg10[%add3A_274, %dma_start3A_299] : memref<32x128xi32, #tpu.memory_space<vmem>> -> memref<1x128xi32, #tpu.memory_space<vmem>>
          %dma_start3A_301 = tpu.memref_squeeze %dma_start3A_300 : memref<1x128xi32, #tpu.memory_space<vmem>> -> memref<128xi32, #tpu.memory_space<vmem>>
          %dma_start3A_302 = arith.constant 0 : i32
          %dma_start3A_303 = arith.constant 0 : i32
          %dma_start3A_304 = tpu.memref_slice %arg13[%dma_start3A_302, %dma_start3A_303] : memref<10000x128xf32, #tpu.memory_space<vmem_shared>> -> memref<10000x128xf32, #tpu.memory_space<vmem_shared>>
          tpu.enqueue_indirect_dma source(%arg12 : memref<128x128xf32, #tpu.memory_space<vmem>>) target(%dma_start3A_304 : memref<10000x128xf32, #tpu.memory_space<vmem_shared>>) offsets(%dma_start3A_301 : memref<128xi32, #tpu.memory_space<vmem>>) semaphore(%run_scoped3A : memref<!tpu.dma_semaphore, #tpu.memory_space<semaphore_mem>>) {add = true}
          %dma_wait3A_305 = arith.constant 0 : i32
          %dma_wait3A_306 = tpu.memref_slice %arg10[%add3A_274, %dma_wait3A_305] : memref<32x128xi32, #tpu.memory_space<vmem>> -> memref<1x128xi32, #tpu.memory_space<vmem>>
          %dma_wait3A_307 = tpu.memref_squeeze %dma_wait3A_306 : memref<1x128xi32, #tpu.memory_space<vmem>> -> memref<128xi32, #tpu.memory_space<vmem>>
          %dma_wait3A_308 = arith.constant 0 : i32
          %dma_wait3A_309 = arith.constant 0 : i32
          %dma_wait3A_310 = tpu.memref_slice %arg13[%dma_wait3A_308, %dma_wait3A_309] : memref<10000x128xf32, #tpu.memory_space<vmem_shared>> -> memref<10000x128xf32, #tpu.memory_space<vmem_shared>>
          tpu.wait_indirect_dma semaphore(%run_scoped3A : memref<!tpu.dma_semaphore, #tpu.memory_space<semaphore_mem>>) src(%arg12 : memref<128x128xf32, #tpu.memory_space<vmem>>) dst(%dma_wait3A_310 : memref<10000x128xf32, #tpu.memory_space<vmem_shared>>)
          tpu.yield
        }) : () -> ()
      } else {
      }
    }
    %scan3A_125 = arith.constant 16 : i32
    %dma_start3A_126 = arith.constant 3 : i32
    %dma_start3A_127 = arith.constant 0 : i32
    %dma_start3A_128 = arith.constant 0 : i32
    %dma_start3A_129 = tpu.memref_slice %arg2[%add3A, %dma_start3A_126, %dma_start3A_127, %dma_start3A_128] : memref<32x5x32x128xi32, #tpu.memory_space<hbm>> -> memref<1x1x32x128xi32, #tpu.memory_space<hbm>>
    %dma_start3A_130 = tpu.memref_squeeze %dma_start3A_129 : memref<1x1x32x128xi32, #tpu.memory_space<hbm>> -> memref<32x128xi32, #tpu.memory_space<hbm>>
    %dma_start3A_131 = arith.constant 0 : i32
    %dma_start3A_132 = arith.constant 0 : i32
    %dma_start3A_133 = tpu.memref_slice %arg2[%add3A, %dma_start3A_126, %dma_start3A_131, %dma_start3A_132] : memref<32x5x32x128xi32, #tpu.memory_space<hbm>> -> memref<1x1x32x128xi32, #tpu.memory_space<hbm>>
    %dma_start3A_134 = tpu.memref_squeeze %dma_start3A_133 : memref<1x1x32x128xi32, #tpu.memory_space<hbm>> -> memref<32x128xi32, #tpu.memory_space<hbm>>
    tpu.enqueue_dma source(%dma_start3A_134 : memref<32x128xi32, #tpu.memory_space<hbm>>) target(%arg8 : memref<32x128xi32, #tpu.memory_space<vmem>>) target_semaphore(%arg15 : memref<!tpu.dma_semaphore, #tpu.memory_space<semaphore_mem>>)
    %dma_start3A_135 = arith.constant 3 : i32
    %dma_start3A_136 = arith.constant 0 : i32
    %dma_start3A_137 = arith.constant 0 : i32
    %dma_start3A_138 = tpu.memref_slice %arg3[%arg1, %dma_start3A_135, %dma_start3A_136, %dma_start3A_137] : memref<16x5x32x128xi32, #tpu.memory_space<hbm>> -> memref<1x1x32x128xi32, #tpu.memory_space<hbm>>
    %dma_start3A_139 = tpu.memref_squeeze %dma_start3A_138 : memref<1x1x32x128xi32, #tpu.memory_space<hbm>> -> memref<32x128xi32, #tpu.memory_space<hbm>>
    %dma_start3A_140 = arith.constant 0 : i32
    %dma_start3A_141 = arith.constant 0 : i32
    %dma_start3A_142 = tpu.memref_slice %arg3[%arg1, %dma_start3A_135, %dma_start3A_140, %dma_start3A_141] : memref<16x5x32x128xi32, #tpu.memory_space<hbm>> -> memref<1x1x32x128xi32, #tpu.memory_space<hbm>>
    %dma_start3A_143 = tpu.memref_squeeze %dma_start3A_142 : memref<1x1x32x128xi32, #tpu.memory_space<hbm>> -> memref<32x128xi32, #tpu.memory_space<hbm>>
    tpu.enqueue_dma source(%dma_start3A_143 : memref<32x128xi32, #tpu.memory_space<hbm>>) target(%arg10 : memref<32x128xi32, #tpu.memory_space<vmem>>) target_semaphore(%arg15 : memref<!tpu.dma_semaphore, #tpu.memory_space<semaphore_mem>>)
    %dma_wait3A_144 = arith.constant 0 : i32
    %dma_wait3A_145 = arith.constant 0 : i32
    %dma_wait3A_146 = arith.constant 0 : i32
    %dma_wait3A_147 = tpu.memref_slice %arg2[%add3A, %dma_wait3A_144, %dma_wait3A_145, %dma_wait3A_146] : memref<32x5x32x128xi32, #tpu.memory_space<hbm>> -> memref<1x1x32x128xi32, #tpu.memory_space<hbm>>
    %dma_wait3A_148 = tpu.memref_squeeze %dma_wait3A_147 : memref<1x1x32x128xi32, #tpu.memory_space<hbm>> -> memref<32x128xi32, #tpu.memory_space<hbm>>
    %dma_wait3A_149 = arith.constant 0 : i32
    %dma_wait3A_150 = arith.constant 0 : i32
    %dma_wait3A_151 = tpu.memref_slice %arg2[%add3A, %dma_wait3A_144, %dma_wait3A_149, %dma_wait3A_150] : memref<32x5x32x128xi32, #tpu.memory_space<hbm>> -> memref<1x1x32x128xi32, #tpu.memory_space<hbm>>
    %dma_wait3A_152 = tpu.memref_squeeze %dma_wait3A_151 : memref<1x1x32x128xi32, #tpu.memory_space<hbm>> -> memref<32x128xi32, #tpu.memory_space<hbm>>
    tpu.wait_dma2 semaphore(%arg14 : memref<!tpu.dma_semaphore, #tpu.memory_space<semaphore_mem>>) src(%dma_wait3A_152 : memref<32x128xi32, #tpu.memory_space<hbm>>) dst(%arg7 : memref<32x128xi32, #tpu.memory_space<vmem>>)
    %dma_wait3A_153 = arith.constant 0 : i32
    %dma_wait3A_154 = arith.constant 0 : i32
    %dma_wait3A_155 = arith.constant 0 : i32
    %dma_wait3A_156 = tpu.memref_slice %arg3[%arg1, %dma_wait3A_153, %dma_wait3A_154, %dma_wait3A_155] : memref<16x5x32x128xi32, #tpu.memory_space<hbm>> -> memref<1x1x32x128xi32, #tpu.memory_space<hbm>>
    %dma_wait3A_157 = tpu.memref_squeeze %dma_wait3A_156 : memref<1x1x32x128xi32, #tpu.memory_space<hbm>> -> memref<32x128xi32, #tpu.memory_space<hbm>>
    %dma_wait3A_158 = arith.constant 0 : i32
    %dma_wait3A_159 = arith.constant 0 : i32
    %dma_wait3A_160 = tpu.memref_slice %arg3[%arg1, %dma_wait3A_153, %dma_wait3A_158, %dma_wait3A_159] : memref<16x5x32x128xi32, #tpu.memory_space<hbm>> -> memref<1x1x32x128xi32, #tpu.memory_space<hbm>>
    %dma_wait3A_161 = tpu.memref_squeeze %dma_wait3A_160 : memref<1x1x32x128xi32, #tpu.memory_space<hbm>> -> memref<32x128xi32, #tpu.memory_space<hbm>>
    tpu.wait_dma2 semaphore(%arg14 : memref<!tpu.dma_semaphore, #tpu.memory_space<semaphore_mem>>) src(%dma_wait3A_161 : memref<32x128xi32, #tpu.memory_space<hbm>>) dst(%arg9 : memref<32x128xi32, #tpu.memory_space<vmem>>)
    %sub3A_162 = arith.constant 64 : i32
    %sub3A_163 = arith.subi %min3A, %sub3A_162 : i32
    %jit3A_164 = arith.constant 0 : i32
    %jit3A_165 = arith.constant 32 : i32
    %max3A_166 = arith.maxsi %jit3A_164, %sub3A_163 : i32
    %min3A_167 = arith.minsi %jit3A_165, %max3A_166 : i32
    %gt3A_168 = arith.constant 0 : i32
    %gt3A_169 = arith.cmpi sgt, %min3A_167, %gt3A_168 : i32
    %convert_element_type3A_170 = arith.extui %gt3A_169 : i1 to i32
    %cond3A_171 = arith.constant 0 : i32
    %cond3A_172 = arith.cmpi ne, %convert_element_type3A_170, %cond3A_171 : i32
    scf.if %cond3A_172 {
      %dma_start3A_270 = arith.constant 0 : i32
      %dma_start3A_271 = arith.constant 0 : i32
      %dma_start3A_272 = tpu.memref_slice %arg7[%dma_start3A_270, %dma_start3A_271] : memref<32x128xi32, #tpu.memory_space<vmem>> -> memref<1x128xi32, #tpu.memory_space<vmem>>
      %dma_start3A_273 = tpu.memref_squeeze %dma_start3A_272 : memref<1x128xi32, #tpu.memory_space<vmem>> -> memref<128xi32, #tpu.memory_space<vmem>>
      %dma_start3A_274 = arith.constant 0 : i32
      %dma_start3A_275 = arith.constant 0 : i32
      %dma_start3A_276 = tpu.memref_slice %arg4[%dma_start3A_274, %dma_start3A_275] : memref<20000x128xf32, #tpu.memory_space<hbm>> -> memref<20000x128xf32, #tpu.memory_space<hbm>>
      tpu.enqueue_indirect_dma source(%dma_start3A_276 : memref<20000x128xf32, #tpu.memory_space<hbm>>) target(%arg11 : memref<128x128xf32, #tpu.memory_space<vmem>>) offsets(%dma_start3A_273 : memref<128xi32, #tpu.memory_space<vmem>>) semaphore(%arg16 : memref<!tpu.dma_semaphore, #tpu.memory_space<semaphore_mem>>)
    } else {
    }
    %scan3A_173 = arith.constant 0 : i32
    %scan3A_174 = arith.constant 16 : i32
    %scan3A_175 = arith.addi %scan3A_173, %scan3A_174 : i32
    %scan3A_176 = arith.constant 1 : i32
    scf.for %scan3A_270 = %scan3A_173 to %scan3A_175 step %scan3A_176  : i32 {
      %mul3A_271 = arith.constant 2 : i32
      %mul3A_272 = arith.muli %mul3A_271, %scan3A_270 : i32
      %add3A_273 = arith.constant 1 : i32
      %add3A_274 = arith.addi %mul3A_272, %add3A_273 : i32
      %lt3A = arith.cmpi slt, %add3A_274, %min3A_167 : i32
      %convert_element_type3A_275 = arith.extui %lt3A : i1 to i32
      %cond3A_276 = arith.constant 0 : i32
      %cond3A_277 = arith.cmpi ne, %convert_element_type3A_275, %cond3A_276 : i32
      scf.if %cond3A_277 {
        %dma_start3A_292 = arith.constant 0 : i32
        %dma_start3A_293 = tpu.memref_slice %arg7[%add3A_274, %dma_start3A_292] : memref<32x128xi32, #tpu.memory_space<vmem>> -> memref<1x128xi32, #tpu.memory_space<vmem>>
        %dma_start3A_294 = tpu.memref_squeeze %dma_start3A_293 : memref<1x128xi32, #tpu.memory_space<vmem>> -> memref<128xi32, #tpu.memory_space<vmem>>
        %dma_start3A_295 = arith.constant 0 : i32
        %dma_start3A_296 = arith.constant 0 : i32
        %dma_start3A_297 = tpu.memref_slice %arg4[%dma_start3A_295, %dma_start3A_296] : memref<20000x128xf32, #tpu.memory_space<hbm>> -> memref<20000x128xf32, #tpu.memory_space<hbm>>
        tpu.enqueue_indirect_dma source(%dma_start3A_297 : memref<20000x128xf32, #tpu.memory_space<hbm>>) target(%arg12 : memref<128x128xf32, #tpu.memory_space<vmem>>) offsets(%dma_start3A_294 : memref<128xi32, #tpu.memory_space<vmem>>) semaphore(%arg17 : memref<!tpu.dma_semaphore, #tpu.memory_space<semaphore_mem>>)
      } else {
      }
      %lt3A_278 = arith.cmpi slt, %mul3A_272, %min3A_167 : i32
      %convert_element_type3A_279 = arith.extui %lt3A_278 : i1 to i32
      %cond3A_280 = arith.constant 0 : i32
      %cond3A_281 = arith.cmpi ne, %convert_element_type3A_279, %cond3A_280 : i32
      scf.if %cond3A_281 {
        %dma_wait3A_292 = arith.constant 0 : i32
        %dma_wait3A_293 = arith.constant 0 : i32
        %dma_wait3A_294 = tpu.memref_slice %arg7[%dma_wait3A_292, %dma_wait3A_293] : memref<32x128xi32, #tpu.memory_space<vmem>> -> memref<1x128xi32, #tpu.memory_space<vmem>>
        %dma_wait3A_295 = tpu.memref_squeeze %dma_wait3A_294 : memref<1x128xi32, #tpu.memory_space<vmem>> -> memref<128xi32, #tpu.memory_space<vmem>>
        %dma_wait3A_296 = arith.constant 0 : i32
        %dma_wait3A_297 = arith.constant 0 : i32
        %dma_wait3A_298 = tpu.memref_slice %arg4[%dma_wait3A_296, %dma_wait3A_297] : memref<20000x128xf32, #tpu.memory_space<hbm>> -> memref<20000x128xf32, #tpu.memory_space<hbm>>
        tpu.wait_indirect_dma semaphore(%arg16 : memref<!tpu.dma_semaphore, #tpu.memory_space<semaphore_mem>>) src(%dma_wait3A_298 : memref<20000x128xf32, #tpu.memory_space<hbm>>) dst(%arg11 : memref<128x128xf32, #tpu.memory_space<vmem>>)
        "tpu.region"() ({
          %run_scoped3A = tpu.sem_alloc : memref<!tpu.dma_semaphore, #tpu.memory_space<semaphore_mem>>
          %dma_start3A_299 = arith.constant 0 : i32
          %dma_start3A_300 = tpu.memref_slice %arg9[%mul3A_272, %dma_start3A_299] : memref<32x128xi32, #tpu.memory_space<vmem>> -> memref<1x128xi32, #tpu.memory_space<vmem>>
          %dma_start3A_301 = tpu.memref_squeeze %dma_start3A_300 : memref<1x128xi32, #tpu.memory_space<vmem>> -> memref<128xi32, #tpu.memory_space<vmem>>
          %dma_start3A_302 = arith.constant 0 : i32
          %dma_start3A_303 = arith.constant 0 : i32
          %dma_start3A_304 = tpu.memref_slice %arg13[%dma_start3A_302, %dma_start3A_303] : memref<10000x128xf32, #tpu.memory_space<vmem_shared>> -> memref<10000x128xf32, #tpu.memory_space<vmem_shared>>
          tpu.enqueue_indirect_dma source(%arg11 : memref<128x128xf32, #tpu.memory_space<vmem>>) target(%dma_start3A_304 : memref<10000x128xf32, #tpu.memory_space<vmem_shared>>) offsets(%dma_start3A_301 : memref<128xi32, #tpu.memory_space<vmem>>) semaphore(%run_scoped3A : memref<!tpu.dma_semaphore, #tpu.memory_space<semaphore_mem>>) {add = true}
          %dma_wait3A_305 = arith.constant 0 : i32
          %dma_wait3A_306 = tpu.memref_slice %arg9[%mul3A_272, %dma_wait3A_305] : memref<32x128xi32, #tpu.memory_space<vmem>> -> memref<1x128xi32, #tpu.memory_space<vmem>>
          %dma_wait3A_307 = tpu.memref_squeeze %dma_wait3A_306 : memref<1x128xi32, #tpu.memory_space<vmem>> -> memref<128xi32, #tpu.memory_space<vmem>>
          %dma_wait3A_308 = arith.constant 0 : i32
          %dma_wait3A_309 = arith.constant 0 : i32
          %dma_wait3A_310 = tpu.memref_slice %arg13[%dma_wait3A_308, %dma_wait3A_309] : memref<10000x128xf32, #tpu.memory_space<vmem_shared>> -> memref<10000x128xf32, #tpu.memory_space<vmem_shared>>
          tpu.wait_indirect_dma semaphore(%run_scoped3A : memref<!tpu.dma_semaphore, #tpu.memory_space<semaphore_mem>>) src(%arg11 : memref<128x128xf32, #tpu.memory_space<vmem>>) dst(%dma_wait3A_310 : memref<10000x128xf32, #tpu.memory_space<vmem_shared>>)
          tpu.yield
        }) : () -> ()
      } else {
      }
      %add3A_282 = arith.constant 2 : i32
      %add3A_283 = arith.addi %mul3A_272, %add3A_282 : i32
      %lt3A_284 = arith.cmpi slt, %add3A_283, %min3A_167 : i32
      %convert_element_type3A_285 = arith.extui %lt3A_284 : i1 to i32
      %cond3A_286 = arith.constant 0 : i32
      %cond3A_287 = arith.cmpi ne, %convert_element_type3A_285, %cond3A_286 : i32
      scf.if %cond3A_287 {
        %add3A_292 = arith.constant 2 : i32
        %add3A_293 = arith.addi %mul3A_272, %add3A_292 : i32
        %dma_start3A_294 = arith.constant 0 : i32
        %dma_start3A_295 = tpu.memref_slice %arg7[%add3A_293, %dma_start3A_294] : memref<32x128xi32, #tpu.memory_space<vmem>> -> memref<1x128xi32, #tpu.memory_space<vmem>>
        %dma_start3A_296 = tpu.memref_squeeze %dma_start3A_295 : memref<1x128xi32, #tpu.memory_space<vmem>> -> memref<128xi32, #tpu.memory_space<vmem>>
        %dma_start3A_297 = arith.constant 0 : i32
        %dma_start3A_298 = arith.constant 0 : i32
        %dma_start3A_299 = tpu.memref_slice %arg4[%dma_start3A_297, %dma_start3A_298] : memref<20000x128xf32, #tpu.memory_space<hbm>> -> memref<20000x128xf32, #tpu.memory_space<hbm>>
        tpu.enqueue_indirect_dma source(%dma_start3A_299 : memref<20000x128xf32, #tpu.memory_space<hbm>>) target(%arg11 : memref<128x128xf32, #tpu.memory_space<vmem>>) offsets(%dma_start3A_296 : memref<128xi32, #tpu.memory_space<vmem>>) semaphore(%arg16 : memref<!tpu.dma_semaphore, #tpu.memory_space<semaphore_mem>>)
      } else {
      }
      %lt3A_288 = arith.cmpi slt, %add3A_274, %min3A_167 : i32
      %convert_element_type3A_289 = arith.extui %lt3A_288 : i1 to i32
      %cond3A_290 = arith.constant 0 : i32
      %cond3A_291 = arith.cmpi ne, %convert_element_type3A_289, %cond3A_290 : i32
      scf.if %cond3A_291 {
        %dma_wait3A_292 = arith.constant 0 : i32
        %dma_wait3A_293 = arith.constant 0 : i32
        %dma_wait3A_294 = tpu.memref_slice %arg7[%dma_wait3A_292, %dma_wait3A_293] : memref<32x128xi32, #tpu.memory_space<vmem>> -> memref<1x128xi32, #tpu.memory_space<vmem>>
        %dma_wait3A_295 = tpu.memref_squeeze %dma_wait3A_294 : memref<1x128xi32, #tpu.memory_space<vmem>> -> memref<128xi32, #tpu.memory_space<vmem>>
        %dma_wait3A_296 = arith.constant 0 : i32
        %dma_wait3A_297 = arith.constant 0 : i32
        %dma_wait3A_298 = tpu.memref_slice %arg4[%dma_wait3A_296, %dma_wait3A_297] : memref<20000x128xf32, #tpu.memory_space<hbm>> -> memref<20000x128xf32, #tpu.memory_space<hbm>>
        tpu.wait_indirect_dma semaphore(%arg17 : memref<!tpu.dma_semaphore, #tpu.memory_space<semaphore_mem>>) src(%dma_wait3A_298 : memref<20000x128xf32, #tpu.memory_space<hbm>>) dst(%arg12 : memref<128x128xf32, #tpu.memory_space<vmem>>)
        "tpu.region"() ({
          %run_scoped3A = tpu.sem_alloc : memref<!tpu.dma_semaphore, #tpu.memory_space<semaphore_mem>>
          %dma_start3A_299 = arith.constant 0 : i32
          %dma_start3A_300 = tpu.memref_slice %arg9[%add3A_274, %dma_start3A_299] : memref<32x128xi32, #tpu.memory_space<vmem>> -> memref<1x128xi32, #tpu.memory_space<vmem>>
          %dma_start3A_301 = tpu.memref_squeeze %dma_start3A_300 : memref<1x128xi32, #tpu.memory_space<vmem>> -> memref<128xi32, #tpu.memory_space<vmem>>
          %dma_start3A_302 = arith.constant 0 : i32
          %dma_start3A_303 = arith.constant 0 : i32
          %dma_start3A_304 = tpu.memref_slice %arg13[%dma_start3A_302, %dma_start3A_303] : memref<10000x128xf32, #tpu.memory_space<vmem_shared>> -> memref<10000x128xf32, #tpu.memory_space<vmem_shared>>
          tpu.enqueue_indirect_dma source(%arg12 : memref<128x128xf32, #tpu.memory_space<vmem>>) target(%dma_start3A_304 : memref<10000x128xf32, #tpu.memory_space<vmem_shared>>) offsets(%dma_start3A_301 : memref<128xi32, #tpu.memory_space<vmem>>) semaphore(%run_scoped3A : memref<!tpu.dma_semaphore, #tpu.memory_space<semaphore_mem>>) {add = true}
          %dma_wait3A_305 = arith.constant 0 : i32
          %dma_wait3A_306 = tpu.memref_slice %arg9[%add3A_274, %dma_wait3A_305] : memref<32x128xi32, #tpu.memory_space<vmem>> -> memref<1x128xi32, #tpu.memory_space<vmem>>
          %dma_wait3A_307 = tpu.memref_squeeze %dma_wait3A_306 : memref<1x128xi32, #tpu.memory_space<vmem>> -> memref<128xi32, #tpu.memory_space<vmem>>
          %dma_wait3A_308 = arith.constant 0 : i32
          %dma_wait3A_309 = arith.constant 0 : i32
          %dma_wait3A_310 = tpu.memref_slice %arg13[%dma_wait3A_308, %dma_wait3A_309] : memref<10000x128xf32, #tpu.memory_space<vmem_shared>> -> memref<10000x128xf32, #tpu.memory_space<vmem_shared>>
          tpu.wait_indirect_dma semaphore(%run_scoped3A : memref<!tpu.dma_semaphore, #tpu.memory_space<semaphore_mem>>) src(%arg12 : memref<128x128xf32, #tpu.memory_space<vmem>>) dst(%dma_wait3A_310 : memref<10000x128xf32, #tpu.memory_space<vmem_shared>>)
          tpu.yield
        }) : () -> ()
      } else {
      }
    }
    %scan3A_177 = arith.constant 16 : i32
    %dma_start3A_178 = arith.constant 4 : i32
    %dma_start3A_179 = arith.constant 0 : i32
    %dma_start3A_180 = arith.constant 0 : i32
    %dma_start3A_181 = tpu.memref_slice %arg2[%add3A, %dma_start3A_178, %dma_start3A_179, %dma_start3A_180] : memref<32x5x32x128xi32, #tpu.memory_space<hbm>> -> memref<1x1x32x128xi32, #tpu.memory_space<hbm>>
    %dma_start3A_182 = tpu.memref_squeeze %dma_start3A_181 : memref<1x1x32x128xi32, #tpu.memory_space<hbm>> -> memref<32x128xi32, #tpu.memory_space<hbm>>
    %dma_start3A_183 = arith.constant 0 : i32
    %dma_start3A_184 = arith.constant 0 : i32
    %dma_start3A_185 = tpu.memref_slice %arg2[%add3A, %dma_start3A_178, %dma_start3A_183, %dma_start3A_184] : memref<32x5x32x128xi32, #tpu.memory_space<hbm>> -> memref<1x1x32x128xi32, #tpu.memory_space<hbm>>
    %dma_start3A_186 = tpu.memref_squeeze %dma_start3A_185 : memref<1x1x32x128xi32, #tpu.memory_space<hbm>> -> memref<32x128xi32, #tpu.memory_space<hbm>>
    tpu.enqueue_dma source(%dma_start3A_186 : memref<32x128xi32, #tpu.memory_space<hbm>>) target(%arg7 : memref<32x128xi32, #tpu.memory_space<vmem>>) target_semaphore(%arg14 : memref<!tpu.dma_semaphore, #tpu.memory_space<semaphore_mem>>)
    %dma_start3A_187 = arith.constant 4 : i32
    %dma_start3A_188 = arith.constant 0 : i32
    %dma_start3A_189 = arith.constant 0 : i32
    %dma_start3A_190 = tpu.memref_slice %arg3[%arg1, %dma_start3A_187, %dma_start3A_188, %dma_start3A_189] : memref<16x5x32x128xi32, #tpu.memory_space<hbm>> -> memref<1x1x32x128xi32, #tpu.memory_space<hbm>>
    %dma_start3A_191 = tpu.memref_squeeze %dma_start3A_190 : memref<1x1x32x128xi32, #tpu.memory_space<hbm>> -> memref<32x128xi32, #tpu.memory_space<hbm>>
    %dma_start3A_192 = arith.constant 0 : i32
    %dma_start3A_193 = arith.constant 0 : i32
    %dma_start3A_194 = tpu.memref_slice %arg3[%arg1, %dma_start3A_187, %dma_start3A_192, %dma_start3A_193] : memref<16x5x32x128xi32, #tpu.memory_space<hbm>> -> memref<1x1x32x128xi32, #tpu.memory_space<hbm>>
    %dma_start3A_195 = tpu.memref_squeeze %dma_start3A_194 : memref<1x1x32x128xi32, #tpu.memory_space<hbm>> -> memref<32x128xi32, #tpu.memory_space<hbm>>
    tpu.enqueue_dma source(%dma_start3A_195 : memref<32x128xi32, #tpu.memory_space<hbm>>) target(%arg9 : memref<32x128xi32, #tpu.memory_space<vmem>>) target_semaphore(%arg14 : memref<!tpu.dma_semaphore, #tpu.memory_space<semaphore_mem>>)
    %dma_wait3A_196 = arith.constant 0 : i32
    %dma_wait3A_197 = arith.constant 0 : i32
    %dma_wait3A_198 = arith.constant 0 : i32
    %dma_wait3A_199 = tpu.memref_slice %arg2[%add3A, %dma_wait3A_196, %dma_wait3A_197, %dma_wait3A_198] : memref<32x5x32x128xi32, #tpu.memory_space<hbm>> -> memref<1x1x32x128xi32, #tpu.memory_space<hbm>>
    %dma_wait3A_200 = tpu.memref_squeeze %dma_wait3A_199 : memref<1x1x32x128xi32, #tpu.memory_space<hbm>> -> memref<32x128xi32, #tpu.memory_space<hbm>>
    %dma_wait3A_201 = arith.constant 0 : i32
    %dma_wait3A_202 = arith.constant 0 : i32
    %dma_wait3A_203 = tpu.memref_slice %arg2[%add3A, %dma_wait3A_196, %dma_wait3A_201, %dma_wait3A_202] : memref<32x5x32x128xi32, #tpu.memory_space<hbm>> -> memref<1x1x32x128xi32, #tpu.memory_space<hbm>>
    %dma_wait3A_204 = tpu.memref_squeeze %dma_wait3A_203 : memref<1x1x32x128xi32, #tpu.memory_space<hbm>> -> memref<32x128xi32, #tpu.memory_space<hbm>>
    tpu.wait_dma2 semaphore(%arg15 : memref<!tpu.dma_semaphore, #tpu.memory_space<semaphore_mem>>) src(%dma_wait3A_204 : memref<32x128xi32, #tpu.memory_space<hbm>>) dst(%arg8 : memref<32x128xi32, #tpu.memory_space<vmem>>)
    %dma_wait3A_205 = arith.constant 0 : i32
    %dma_wait3A_206 = arith.constant 0 : i32
    %dma_wait3A_207 = arith.constant 0 : i32
    %dma_wait3A_208 = tpu.memref_slice %arg3[%arg1, %dma_wait3A_205, %dma_wait3A_206, %dma_wait3A_207] : memref<16x5x32x128xi32, #tpu.memory_space<hbm>> -> memref<1x1x32x128xi32, #tpu.memory_space<hbm>>
    %dma_wait3A_209 = tpu.memref_squeeze %dma_wait3A_208 : memref<1x1x32x128xi32, #tpu.memory_space<hbm>> -> memref<32x128xi32, #tpu.memory_space<hbm>>
    %dma_wait3A_210 = arith.constant 0 : i32
    %dma_wait3A_211 = arith.constant 0 : i32
    %dma_wait3A_212 = tpu.memref_slice %arg3[%arg1, %dma_wait3A_205, %dma_wait3A_210, %dma_wait3A_211] : memref<16x5x32x128xi32, #tpu.memory_space<hbm>> -> memref<1x1x32x128xi32, #tpu.memory_space<hbm>>
    %dma_wait3A_213 = tpu.memref_squeeze %dma_wait3A_212 : memref<1x1x32x128xi32, #tpu.memory_space<hbm>> -> memref<32x128xi32, #tpu.memory_space<hbm>>
    tpu.wait_dma2 semaphore(%arg15 : memref<!tpu.dma_semaphore, #tpu.memory_space<semaphore_mem>>) src(%dma_wait3A_213 : memref<32x128xi32, #tpu.memory_space<hbm>>) dst(%arg10 : memref<32x128xi32, #tpu.memory_space<vmem>>)
    %sub3A_214 = arith.constant 96 : i32
    %sub3A_215 = arith.subi %min3A, %sub3A_214 : i32
    %jit3A_216 = arith.constant 0 : i32
    %jit3A_217 = arith.constant 32 : i32
    %max3A_218 = arith.maxsi %jit3A_216, %sub3A_215 : i32
    %min3A_219 = arith.minsi %jit3A_217, %max3A_218 : i32
    %gt3A_220 = arith.constant 0 : i32
    %gt3A_221 = arith.cmpi sgt, %min3A_219, %gt3A_220 : i32
    %convert_element_type3A_222 = arith.extui %gt3A_221 : i1 to i32
    %cond3A_223 = arith.constant 0 : i32
    %cond3A_224 = arith.cmpi ne, %convert_element_type3A_222, %cond3A_223 : i32
    scf.if %cond3A_224 {
      %dma_start3A_270 = arith.constant 0 : i32
      %dma_start3A_271 = arith.constant 0 : i32
      %dma_start3A_272 = tpu.memref_slice %arg8[%dma_start3A_270, %dma_start3A_271] : memref<32x128xi32, #tpu.memory_space<vmem>> -> memref<1x128xi32, #tpu.memory_space<vmem>>
      %dma_start3A_273 = tpu.memref_squeeze %dma_start3A_272 : memref<1x128xi32, #tpu.memory_space<vmem>> -> memref<128xi32, #tpu.memory_space<vmem>>
      %dma_start3A_274 = arith.constant 0 : i32
      %dma_start3A_275 = arith.constant 0 : i32
      %dma_start3A_276 = tpu.memref_slice %arg4[%dma_start3A_274, %dma_start3A_275] : memref<20000x128xf32, #tpu.memory_space<hbm>> -> memref<20000x128xf32, #tpu.memory_space<hbm>>
      tpu.enqueue_indirect_dma source(%dma_start3A_276 : memref<20000x128xf32, #tpu.memory_space<hbm>>) target(%arg11 : memref<128x128xf32, #tpu.memory_space<vmem>>) offsets(%dma_start3A_273 : memref<128xi32, #tpu.memory_space<vmem>>) semaphore(%arg16 : memref<!tpu.dma_semaphore, #tpu.memory_space<semaphore_mem>>)
    } else {
    }
    %scan3A_225 = arith.constant 0 : i32
    %scan3A_226 = arith.constant 16 : i32
    %scan3A_227 = arith.addi %scan3A_225, %scan3A_226 : i32
    %scan3A_228 = arith.constant 1 : i32
    scf.for %scan3A_270 = %scan3A_225 to %scan3A_227 step %scan3A_228  : i32 {
      %mul3A_271 = arith.constant 2 : i32
      %mul3A_272 = arith.muli %mul3A_271, %scan3A_270 : i32
      %add3A_273 = arith.constant 1 : i32
      %add3A_274 = arith.addi %mul3A_272, %add3A_273 : i32
      %lt3A = arith.cmpi slt, %add3A_274, %min3A_219 : i32
      %convert_element_type3A_275 = arith.extui %lt3A : i1 to i32
      %cond3A_276 = arith.constant 0 : i32
      %cond3A_277 = arith.cmpi ne, %convert_element_type3A_275, %cond3A_276 : i32
      scf.if %cond3A_277 {
        %dma_start3A_292 = arith.constant 0 : i32
        %dma_start3A_293 = tpu.memref_slice %arg8[%add3A_274, %dma_start3A_292] : memref<32x128xi32, #tpu.memory_space<vmem>> -> memref<1x128xi32, #tpu.memory_space<vmem>>
        %dma_start3A_294 = tpu.memref_squeeze %dma_start3A_293 : memref<1x128xi32, #tpu.memory_space<vmem>> -> memref<128xi32, #tpu.memory_space<vmem>>
        %dma_start3A_295 = arith.constant 0 : i32
        %dma_start3A_296 = arith.constant 0 : i32
        %dma_start3A_297 = tpu.memref_slice %arg4[%dma_start3A_295, %dma_start3A_296] : memref<20000x128xf32, #tpu.memory_space<hbm>> -> memref<20000x128xf32, #tpu.memory_space<hbm>>
        tpu.enqueue_indirect_dma source(%dma_start3A_297 : memref<20000x128xf32, #tpu.memory_space<hbm>>) target(%arg12 : memref<128x128xf32, #tpu.memory_space<vmem>>) offsets(%dma_start3A_294 : memref<128xi32, #tpu.memory_space<vmem>>) semaphore(%arg17 : memref<!tpu.dma_semaphore, #tpu.memory_space<semaphore_mem>>)
      } else {
      }
      %lt3A_278 = arith.cmpi slt, %mul3A_272, %min3A_219 : i32
      %convert_element_type3A_279 = arith.extui %lt3A_278 : i1 to i32
      %cond3A_280 = arith.constant 0 : i32
      %cond3A_281 = arith.cmpi ne, %convert_element_type3A_279, %cond3A_280 : i32
      scf.if %cond3A_281 {
        %dma_wait3A_292 = arith.constant 0 : i32
        %dma_wait3A_293 = arith.constant 0 : i32
        %dma_wait3A_294 = tpu.memref_slice %arg8[%dma_wait3A_292, %dma_wait3A_293] : memref<32x128xi32, #tpu.memory_space<vmem>> -> memref<1x128xi32, #tpu.memory_space<vmem>>
        %dma_wait3A_295 = tpu.memref_squeeze %dma_wait3A_294 : memref<1x128xi32, #tpu.memory_space<vmem>> -> memref<128xi32, #tpu.memory_space<vmem>>
        %dma_wait3A_296 = arith.constant 0 : i32
        %dma_wait3A_297 = arith.constant 0 : i32
        %dma_wait3A_298 = tpu.memref_slice %arg4[%dma_wait3A_296, %dma_wait3A_297] : memref<20000x128xf32, #tpu.memory_space<hbm>> -> memref<20000x128xf32, #tpu.memory_space<hbm>>
        tpu.wait_indirect_dma semaphore(%arg16 : memref<!tpu.dma_semaphore, #tpu.memory_space<semaphore_mem>>) src(%dma_wait3A_298 : memref<20000x128xf32, #tpu.memory_space<hbm>>) dst(%arg11 : memref<128x128xf32, #tpu.memory_space<vmem>>)
        "tpu.region"() ({
          %run_scoped3A = tpu.sem_alloc : memref<!tpu.dma_semaphore, #tpu.memory_space<semaphore_mem>>
          %dma_start3A_299 = arith.constant 0 : i32
          %dma_start3A_300 = tpu.memref_slice %arg10[%mul3A_272, %dma_start3A_299] : memref<32x128xi32, #tpu.memory_space<vmem>> -> memref<1x128xi32, #tpu.memory_space<vmem>>
          %dma_start3A_301 = tpu.memref_squeeze %dma_start3A_300 : memref<1x128xi32, #tpu.memory_space<vmem>> -> memref<128xi32, #tpu.memory_space<vmem>>
          %dma_start3A_302 = arith.constant 0 : i32
          %dma_start3A_303 = arith.constant 0 : i32
          %dma_start3A_304 = tpu.memref_slice %arg13[%dma_start3A_302, %dma_start3A_303] : memref<10000x128xf32, #tpu.memory_space<vmem_shared>> -> memref<10000x128xf32, #tpu.memory_space<vmem_shared>>
          tpu.enqueue_indirect_dma source(%arg11 : memref<128x128xf32, #tpu.memory_space<vmem>>) target(%dma_start3A_304 : memref<10000x128xf32, #tpu.memory_space<vmem_shared>>) offsets(%dma_start3A_301 : memref<128xi32, #tpu.memory_space<vmem>>) semaphore(%run_scoped3A : memref<!tpu.dma_semaphore, #tpu.memory_space<semaphore_mem>>) {add = true}
          %dma_wait3A_305 = arith.constant 0 : i32
          %dma_wait3A_306 = tpu.memref_slice %arg10[%mul3A_272, %dma_wait3A_305] : memref<32x128xi32, #tpu.memory_space<vmem>> -> memref<1x128xi32, #tpu.memory_space<vmem>>
          %dma_wait3A_307 = tpu.memref_squeeze %dma_wait3A_306 : memref<1x128xi32, #tpu.memory_space<vmem>> -> memref<128xi32, #tpu.memory_space<vmem>>
          %dma_wait3A_308 = arith.constant 0 : i32
          %dma_wait3A_309 = arith.constant 0 : i32
          %dma_wait3A_310 = tpu.memref_slice %arg13[%dma_wait3A_308, %dma_wait3A_309] : memref<10000x128xf32, #tpu.memory_space<vmem_shared>> -> memref<10000x128xf32, #tpu.memory_space<vmem_shared>>
          tpu.wait_indirect_dma semaphore(%run_scoped3A : memref<!tpu.dma_semaphore, #tpu.memory_space<semaphore_mem>>) src(%arg11 : memref<128x128xf32, #tpu.memory_space<vmem>>) dst(%dma_wait3A_310 : memref<10000x128xf32, #tpu.memory_space<vmem_shared>>)
          tpu.yield
        }) : () -> ()
      } else {
      }
      %add3A_282 = arith.constant 2 : i32
      %add3A_283 = arith.addi %mul3A_272, %add3A_282 : i32
      %lt3A_284 = arith.cmpi slt, %add3A_283, %min3A_219 : i32
      %convert_element_type3A_285 = arith.extui %lt3A_284 : i1 to i32
      %cond3A_286 = arith.constant 0 : i32
      %cond3A_287 = arith.cmpi ne, %convert_element_type3A_285, %cond3A_286 : i32
      scf.if %cond3A_287 {
        %add3A_292 = arith.constant 2 : i32
        %add3A_293 = arith.addi %mul3A_272, %add3A_292 : i32
        %dma_start3A_294 = arith.constant 0 : i32
        %dma_start3A_295 = tpu.memref_slice %arg8[%add3A_293, %dma_start3A_294] : memref<32x128xi32, #tpu.memory_space<vmem>> -> memref<1x128xi32, #tpu.memory_space<vmem>>
        %dma_start3A_296 = tpu.memref_squeeze %dma_start3A_295 : memref<1x128xi32, #tpu.memory_space<vmem>> -> memref<128xi32, #tpu.memory_space<vmem>>
        %dma_start3A_297 = arith.constant 0 : i32
        %dma_start3A_298 = arith.constant 0 : i32
        %dma_start3A_299 = tpu.memref_slice %arg4[%dma_start3A_297, %dma_start3A_298] : memref<20000x128xf32, #tpu.memory_space<hbm>> -> memref<20000x128xf32, #tpu.memory_space<hbm>>
        tpu.enqueue_indirect_dma source(%dma_start3A_299 : memref<20000x128xf32, #tpu.memory_space<hbm>>) target(%arg11 : memref<128x128xf32, #tpu.memory_space<vmem>>) offsets(%dma_start3A_296 : memref<128xi32, #tpu.memory_space<vmem>>) semaphore(%arg16 : memref<!tpu.dma_semaphore, #tpu.memory_space<semaphore_mem>>)
      } else {
      }
      %lt3A_288 = arith.cmpi slt, %add3A_274, %min3A_219 : i32
      %convert_element_type3A_289 = arith.extui %lt3A_288 : i1 to i32
      %cond3A_290 = arith.constant 0 : i32
      %cond3A_291 = arith.cmpi ne, %convert_element_type3A_289, %cond3A_290 : i32
      scf.if %cond3A_291 {
        %dma_wait3A_292 = arith.constant 0 : i32
        %dma_wait3A_293 = arith.constant 0 : i32
        %dma_wait3A_294 = tpu.memref_slice %arg8[%dma_wait3A_292, %dma_wait3A_293] : memref<32x128xi32, #tpu.memory_space<vmem>> -> memref<1x128xi32, #tpu.memory_space<vmem>>
        %dma_wait3A_295 = tpu.memref_squeeze %dma_wait3A_294 : memref<1x128xi32, #tpu.memory_space<vmem>> -> memref<128xi32, #tpu.memory_space<vmem>>
        %dma_wait3A_296 = arith.constant 0 : i32
        %dma_wait3A_297 = arith.constant 0 : i32
        %dma_wait3A_298 = tpu.memref_slice %arg4[%dma_wait3A_296, %dma_wait3A_297] : memref<20000x128xf32, #tpu.memory_space<hbm>> -> memref<20000x128xf32, #tpu.memory_space<hbm>>
        tpu.wait_indirect_dma semaphore(%arg17 : memref<!tpu.dma_semaphore, #tpu.memory_space<semaphore_mem>>) src(%dma_wait3A_298 : memref<20000x128xf32, #tpu.memory_space<hbm>>) dst(%arg12 : memref<128x128xf32, #tpu.memory_space<vmem>>)
        "tpu.region"() ({
          %run_scoped3A = tpu.sem_alloc : memref<!tpu.dma_semaphore, #tpu.memory_space<semaphore_mem>>
          %dma_start3A_299 = arith.constant 0 : i32
          %dma_start3A_300 = tpu.memref_slice %arg10[%add3A_274, %dma_start3A_299] : memref<32x128xi32, #tpu.memory_space<vmem>> -> memref<1x128xi32, #tpu.memory_space<vmem>>
          %dma_start3A_301 = tpu.memref_squeeze %dma_start3A_300 : memref<1x128xi32, #tpu.memory_space<vmem>> -> memref<128xi32, #tpu.memory_space<vmem>>
          %dma_start3A_302 = arith.constant 0 : i32
          %dma_start3A_303 = arith.constant 0 : i32
          %dma_start3A_304 = tpu.memref_slice %arg13[%dma_start3A_302, %dma_start3A_303] : memref<10000x128xf32, #tpu.memory_space<vmem_shared>> -> memref<10000x128xf32, #tpu.memory_space<vmem_shared>>
          tpu.enqueue_indirect_dma source(%arg12 : memref<128x128xf32, #tpu.memory_space<vmem>>) target(%dma_start3A_304 : memref<10000x128xf32, #tpu.memory_space<vmem_shared>>) offsets(%dma_start3A_301 : memref<128xi32, #tpu.memory_space<vmem>>) semaphore(%run_scoped3A : memref<!tpu.dma_semaphore, #tpu.memory_space<semaphore_mem>>) {add = true}
          %dma_wait3A_305 = arith.constant 0 : i32
          %dma_wait3A_306 = tpu.memref_slice %arg10[%add3A_274, %dma_wait3A_305] : memref<32x128xi32, #tpu.memory_space<vmem>> -> memref<1x128xi32, #tpu.memory_space<vmem>>
          %dma_wait3A_307 = tpu.memref_squeeze %dma_wait3A_306 : memref<1x128xi32, #tpu.memory_space<vmem>> -> memref<128xi32, #tpu.memory_space<vmem>>
          %dma_wait3A_308 = arith.constant 0 : i32
          %dma_wait3A_309 = arith.constant 0 : i32
          %dma_wait3A_310 = tpu.memref_slice %arg13[%dma_wait3A_308, %dma_wait3A_309] : memref<10000x128xf32, #tpu.memory_space<vmem_shared>> -> memref<10000x128xf32, #tpu.memory_space<vmem_shared>>
          tpu.wait_indirect_dma semaphore(%run_scoped3A : memref<!tpu.dma_semaphore, #tpu.memory_space<semaphore_mem>>) src(%arg12 : memref<128x128xf32, #tpu.memory_space<vmem>>) dst(%dma_wait3A_310 : memref<10000x128xf32, #tpu.memory_space<vmem_shared>>)
          tpu.yield
        }) : () -> ()
      } else {
      }
    }
    %scan3A_229 = arith.constant 16 : i32
    %dma_wait3A_230 = arith.constant 0 : i32
    %dma_wait3A_231 = arith.constant 0 : i32
    %dma_wait3A_232 = arith.constant 0 : i32
    %dma_wait3A_233 = tpu.memref_slice %arg2[%add3A, %dma_wait3A_230, %dma_wait3A_231, %dma_wait3A_232] : memref<32x5x32x128xi32, #tpu.memory_space<hbm>> -> memref<1x1x32x128xi32, #tpu.memory_space<hbm>>
    %dma_wait3A_234 = tpu.memref_squeeze %dma_wait3A_233 : memref<1x1x32x128xi32, #tpu.memory_space<hbm>> -> memref<32x128xi32, #tpu.memory_space<hbm>>
    %dma_wait3A_235 = arith.constant 0 : i32
    %dma_wait3A_236 = arith.constant 0 : i32
    %dma_wait3A_237 = tpu.memref_slice %arg2[%add3A, %dma_wait3A_230, %dma_wait3A_235, %dma_wait3A_236] : memref<32x5x32x128xi32, #tpu.memory_space<hbm>> -> memref<1x1x32x128xi32, #tpu.memory_space<hbm>>
    %dma_wait3A_238 = tpu.memref_squeeze %dma_wait3A_237 : memref<1x1x32x128xi32, #tpu.memory_space<hbm>> -> memref<32x128xi32, #tpu.memory_space<hbm>>
    tpu.wait_dma2 semaphore(%arg14 : memref<!tpu.dma_semaphore, #tpu.memory_space<semaphore_mem>>) src(%dma_wait3A_238 : memref<32x128xi32, #tpu.memory_space<hbm>>) dst(%arg7 : memref<32x128xi32, #tpu.memory_space<vmem>>)
    %dma_wait3A_239 = arith.constant 0 : i32
    %dma_wait3A_240 = arith.constant 0 : i32
    %dma_wait3A_241 = arith.constant 0 : i32
    %dma_wait3A_242 = tpu.memref_slice %arg3[%arg1, %dma_wait3A_239, %dma_wait3A_240, %dma_wait3A_241] : memref<16x5x32x128xi32, #tpu.memory_space<hbm>> -> memref<1x1x32x128xi32, #tpu.memory_space<hbm>>
    %dma_wait3A_243 = tpu.memref_squeeze %dma_wait3A_242 : memref<1x1x32x128xi32, #tpu.memory_space<hbm>> -> memref<32x128xi32, #tpu.memory_space<hbm>>
    %dma_wait3A_244 = arith.constant 0 : i32
    %dma_wait3A_245 = arith.constant 0 : i32
    %dma_wait3A_246 = tpu.memref_slice %arg3[%arg1, %dma_wait3A_239, %dma_wait3A_244, %dma_wait3A_245] : memref<16x5x32x128xi32, #tpu.memory_space<hbm>> -> memref<1x1x32x128xi32, #tpu.memory_space<hbm>>
    %dma_wait3A_247 = tpu.memref_squeeze %dma_wait3A_246 : memref<1x1x32x128xi32, #tpu.memory_space<hbm>> -> memref<32x128xi32, #tpu.memory_space<hbm>>
    tpu.wait_dma2 semaphore(%arg14 : memref<!tpu.dma_semaphore, #tpu.memory_space<semaphore_mem>>) src(%dma_wait3A_247 : memref<32x128xi32, #tpu.memory_space<hbm>>) dst(%arg9 : memref<32x128xi32, #tpu.memory_space<vmem>>)
    %sub3A_248 = arith.constant 128 : i32
    %sub3A_249 = arith.subi %min3A, %sub3A_248 : i32
    %jit3A_250 = arith.constant 0 : i32
    %jit3A_251 = arith.constant 32 : i32
    %max3A_252 = arith.maxsi %jit3A_250, %sub3A_249 : i32
    %min3A_253 = arith.minsi %jit3A_251, %max3A_252 : i32
    %gt3A_254 = arith.constant 0 : i32
    %gt3A_255 = arith.cmpi sgt, %min3A_253, %gt3A_254 : i32
    %convert_element_type3A_256 = arith.extui %gt3A_255 : i1 to i32
    %cond3A_257 = arith.constant 0 : i32
    %cond3A_258 = arith.cmpi ne, %convert_element_type3A_256, %cond3A_257 : i32
    scf.if %cond3A_258 {
      %dma_start3A_270 = arith.constant 0 : i32
      %dma_start3A_271 = arith.constant 0 : i32
      %dma_start3A_272 = tpu.memref_slice %arg7[%dma_start3A_270, %dma_start3A_271] : memref<32x128xi32, #tpu.memory_space<vmem>> -> memref<1x128xi32, #tpu.memory_space<vmem>>
      %dma_start3A_273 = tpu.memref_squeeze %dma_start3A_272 : memref<1x128xi32, #tpu.memory_space<vmem>> -> memref<128xi32, #tpu.memory_space<vmem>>
      %dma_start3A_274 = arith.constant 0 : i32
      %dma_start3A_275 = arith.constant 0 : i32
      %dma_start3A_276 = tpu.memref_slice %arg4[%dma_start3A_274, %dma_start3A_275] : memref<20000x128xf32, #tpu.memory_space<hbm>> -> memref<20000x128xf32, #tpu.memory_space<hbm>>
      tpu.enqueue_indirect_dma source(%dma_start3A_276 : memref<20000x128xf32, #tpu.memory_space<hbm>>) target(%arg11 : memref<128x128xf32, #tpu.memory_space<vmem>>) offsets(%dma_start3A_273 : memref<128xi32, #tpu.memory_space<vmem>>) semaphore(%arg16 : memref<!tpu.dma_semaphore, #tpu.memory_space<semaphore_mem>>)
    } else {
    }
    %scan3A_259 = arith.constant 0 : i32
    %scan3A_260 = arith.constant 16 : i32
    %scan3A_261 = arith.addi %scan3A_259, %scan3A_260 : i32
    %scan3A_262 = arith.constant 1 : i32
    scf.for %scan3A_270 = %scan3A_259 to %scan3A_261 step %scan3A_262  : i32 {
      %mul3A_271 = arith.constant 2 : i32
      %mul3A_272 = arith.muli %mul3A_271, %scan3A_270 : i32
      %add3A_273 = arith.constant 1 : i32
      %add3A_274 = arith.addi %mul3A_272, %add3A_273 : i32
      %lt3A = arith.cmpi slt, %add3A_274, %min3A_253 : i32
      %convert_element_type3A_275 = arith.extui %lt3A : i1 to i32
      %cond3A_276 = arith.constant 0 : i32
      %cond3A_277 = arith.cmpi ne, %convert_element_type3A_275, %cond3A_276 : i32
      scf.if %cond3A_277 {
        %dma_start3A_292 = arith.constant 0 : i32
        %dma_start3A_293 = tpu.memref_slice %arg7[%add3A_274, %dma_start3A_292] : memref<32x128xi32, #tpu.memory_space<vmem>> -> memref<1x128xi32, #tpu.memory_space<vmem>>
        %dma_start3A_294 = tpu.memref_squeeze %dma_start3A_293 : memref<1x128xi32, #tpu.memory_space<vmem>> -> memref<128xi32, #tpu.memory_space<vmem>>
        %dma_start3A_295 = arith.constant 0 : i32
        %dma_start3A_296 = arith.constant 0 : i32
        %dma_start3A_297 = tpu.memref_slice %arg4[%dma_start3A_295, %dma_start3A_296] : memref<20000x128xf32, #tpu.memory_space<hbm>> -> memref<20000x128xf32, #tpu.memory_space<hbm>>
        tpu.enqueue_indirect_dma source(%dma_start3A_297 : memref<20000x128xf32, #tpu.memory_space<hbm>>) target(%arg12 : memref<128x128xf32, #tpu.memory_space<vmem>>) offsets(%dma_start3A_294 : memref<128xi32, #tpu.memory_space<vmem>>) semaphore(%arg17 : memref<!tpu.dma_semaphore, #tpu.memory_space<semaphore_mem>>)
      } else {
      }
      %lt3A_278 = arith.cmpi slt, %mul3A_272, %min3A_253 : i32
      %convert_element_type3A_279 = arith.extui %lt3A_278 : i1 to i32
      %cond3A_280 = arith.constant 0 : i32
      %cond3A_281 = arith.cmpi ne, %convert_element_type3A_279, %cond3A_280 : i32
      scf.if %cond3A_281 {
        %dma_wait3A_292 = arith.constant 0 : i32
        %dma_wait3A_293 = arith.constant 0 : i32
        %dma_wait3A_294 = tpu.memref_slice %arg7[%dma_wait3A_292, %dma_wait3A_293] : memref<32x128xi32, #tpu.memory_space<vmem>> -> memref<1x128xi32, #tpu.memory_space<vmem>>
        %dma_wait3A_295 = tpu.memref_squeeze %dma_wait3A_294 : memref<1x128xi32, #tpu.memory_space<vmem>> -> memref<128xi32, #tpu.memory_space<vmem>>
        %dma_wait3A_296 = arith.constant 0 : i32
        %dma_wait3A_297 = arith.constant 0 : i32
        %dma_wait3A_298 = tpu.memref_slice %arg4[%dma_wait3A_296, %dma_wait3A_297] : memref<20000x128xf32, #tpu.memory_space<hbm>> -> memref<20000x128xf32, #tpu.memory_space<hbm>>
        tpu.wait_indirect_dma semaphore(%arg16 : memref<!tpu.dma_semaphore, #tpu.memory_space<semaphore_mem>>) src(%dma_wait3A_298 : memref<20000x128xf32, #tpu.memory_space<hbm>>) dst(%arg11 : memref<128x128xf32, #tpu.memory_space<vmem>>)
        "tpu.region"() ({
          %run_scoped3A = tpu.sem_alloc : memref<!tpu.dma_semaphore, #tpu.memory_space<semaphore_mem>>
          %dma_start3A_299 = arith.constant 0 : i32
          %dma_start3A_300 = tpu.memref_slice %arg9[%mul3A_272, %dma_start3A_299] : memref<32x128xi32, #tpu.memory_space<vmem>> -> memref<1x128xi32, #tpu.memory_space<vmem>>
          %dma_start3A_301 = tpu.memref_squeeze %dma_start3A_300 : memref<1x128xi32, #tpu.memory_space<vmem>> -> memref<128xi32, #tpu.memory_space<vmem>>
          %dma_start3A_302 = arith.constant 0 : i32
          %dma_start3A_303 = arith.constant 0 : i32
          %dma_start3A_304 = tpu.memref_slice %arg13[%dma_start3A_302, %dma_start3A_303] : memref<10000x128xf32, #tpu.memory_space<vmem_shared>> -> memref<10000x128xf32, #tpu.memory_space<vmem_shared>>
          tpu.enqueue_indirect_dma source(%arg11 : memref<128x128xf32, #tpu.memory_space<vmem>>) target(%dma_start3A_304 : memref<10000x128xf32, #tpu.memory_space<vmem_shared>>) offsets(%dma_start3A_301 : memref<128xi32, #tpu.memory_space<vmem>>) semaphore(%run_scoped3A : memref<!tpu.dma_semaphore, #tpu.memory_space<semaphore_mem>>) {add = true}
          %dma_wait3A_305 = arith.constant 0 : i32
          %dma_wait3A_306 = tpu.memref_slice %arg9[%mul3A_272, %dma_wait3A_305] : memref<32x128xi32, #tpu.memory_space<vmem>> -> memref<1x128xi32, #tpu.memory_space<vmem>>
          %dma_wait3A_307 = tpu.memref_squeeze %dma_wait3A_306 : memref<1x128xi32, #tpu.memory_space<vmem>> -> memref<128xi32, #tpu.memory_space<vmem>>
          %dma_wait3A_308 = arith.constant 0 : i32
          %dma_wait3A_309 = arith.constant 0 : i32
          %dma_wait3A_310 = tpu.memref_slice %arg13[%dma_wait3A_308, %dma_wait3A_309] : memref<10000x128xf32, #tpu.memory_space<vmem_shared>> -> memref<10000x128xf32, #tpu.memory_space<vmem_shared>>
          tpu.wait_indirect_dma semaphore(%run_scoped3A : memref<!tpu.dma_semaphore, #tpu.memory_space<semaphore_mem>>) src(%arg11 : memref<128x128xf32, #tpu.memory_space<vmem>>) dst(%dma_wait3A_310 : memref<10000x128xf32, #tpu.memory_space<vmem_shared>>)
          tpu.yield
        }) : () -> ()
      } else {
      }
      %add3A_282 = arith.constant 2 : i32
      %add3A_283 = arith.addi %mul3A_272, %add3A_282 : i32
      %lt3A_284 = arith.cmpi slt, %add3A_283, %min3A_253 : i32
      %convert_element_type3A_285 = arith.extui %lt3A_284 : i1 to i32
      %cond3A_286 = arith.constant 0 : i32
      %cond3A_287 = arith.cmpi ne, %convert_element_type3A_285, %cond3A_286 : i32
      scf.if %cond3A_287 {
        %add3A_292 = arith.constant 2 : i32
        %add3A_293 = arith.addi %mul3A_272, %add3A_292 : i32
        %dma_start3A_294 = arith.constant 0 : i32
        %dma_start3A_295 = tpu.memref_slice %arg7[%add3A_293, %dma_start3A_294] : memref<32x128xi32, #tpu.memory_space<vmem>> -> memref<1x128xi32, #tpu.memory_space<vmem>>
        %dma_start3A_296 = tpu.memref_squeeze %dma_start3A_295 : memref<1x128xi32, #tpu.memory_space<vmem>> -> memref<128xi32, #tpu.memory_space<vmem>>
        %dma_start3A_297 = arith.constant 0 : i32
        %dma_start3A_298 = arith.constant 0 : i32
        %dma_start3A_299 = tpu.memref_slice %arg4[%dma_start3A_297, %dma_start3A_298] : memref<20000x128xf32, #tpu.memory_space<hbm>> -> memref<20000x128xf32, #tpu.memory_space<hbm>>
        tpu.enqueue_indirect_dma source(%dma_start3A_299 : memref<20000x128xf32, #tpu.memory_space<hbm>>) target(%arg11 : memref<128x128xf32, #tpu.memory_space<vmem>>) offsets(%dma_start3A_296 : memref<128xi32, #tpu.memory_space<vmem>>) semaphore(%arg16 : memref<!tpu.dma_semaphore, #tpu.memory_space<semaphore_mem>>)
      } else {
      }
      %lt3A_288 = arith.cmpi slt, %add3A_274, %min3A_253 : i32
      %convert_element_type3A_289 = arith.extui %lt3A_288 : i1 to i32
      %cond3A_290 = arith.constant 0 : i32
      %cond3A_291 = arith.cmpi ne, %convert_element_type3A_289, %cond3A_290 : i32
      scf.if %cond3A_291 {
        %dma_wait3A_292 = arith.constant 0 : i32
        %dma_wait3A_293 = arith.constant 0 : i32
        %dma_wait3A_294 = tpu.memref_slice %arg7[%dma_wait3A_292, %dma_wait3A_293] : memref<32x128xi32, #tpu.memory_space<vmem>> -> memref<1x128xi32, #tpu.memory_space<vmem>>
        %dma_wait3A_295 = tpu.memref_squeeze %dma_wait3A_294 : memref<1x128xi32, #tpu.memory_space<vmem>> -> memref<128xi32, #tpu.memory_space<vmem>>
        %dma_wait3A_296 = arith.constant 0 : i32
        %dma_wait3A_297 = arith.constant 0 : i32
        %dma_wait3A_298 = tpu.memref_slice %arg4[%dma_wait3A_296, %dma_wait3A_297] : memref<20000x128xf32, #tpu.memory_space<hbm>> -> memref<20000x128xf32, #tpu.memory_space<hbm>>
        tpu.wait_indirect_dma semaphore(%arg17 : memref<!tpu.dma_semaphore, #tpu.memory_space<semaphore_mem>>) src(%dma_wait3A_298 : memref<20000x128xf32, #tpu.memory_space<hbm>>) dst(%arg12 : memref<128x128xf32, #tpu.memory_space<vmem>>)
        "tpu.region"() ({
          %run_scoped3A = tpu.sem_alloc : memref<!tpu.dma_semaphore, #tpu.memory_space<semaphore_mem>>
          %dma_start3A_299 = arith.constant 0 : i32
          %dma_start3A_300 = tpu.memref_slice %arg9[%add3A_274, %dma_start3A_299] : memref<32x128xi32, #tpu.memory_space<vmem>> -> memref<1x128xi32, #tpu.memory_space<vmem>>
          %dma_start3A_301 = tpu.memref_squeeze %dma_start3A_300 : memref<1x128xi32, #tpu.memory_space<vmem>> -> memref<128xi32, #tpu.memory_space<vmem>>
          %dma_start3A_302 = arith.constant 0 : i32
          %dma_start3A_303 = arith.constant 0 : i32
          %dma_start3A_304 = tpu.memref_slice %arg13[%dma_start3A_302, %dma_start3A_303] : memref<10000x128xf32, #tpu.memory_space<vmem_shared>> -> memref<10000x128xf32, #tpu.memory_space<vmem_shared>>
          tpu.enqueue_indirect_dma source(%arg12 : memref<128x128xf32, #tpu.memory_space<vmem>>) target(%dma_start3A_304 : memref<10000x128xf32, #tpu.memory_space<vmem_shared>>) offsets(%dma_start3A_301 : memref<128xi32, #tpu.memory_space<vmem>>) semaphore(%run_scoped3A : memref<!tpu.dma_semaphore, #tpu.memory_space<semaphore_mem>>) {add = true}
          %dma_wait3A_305 = arith.constant 0 : i32
          %dma_wait3A_306 = tpu.memref_slice %arg9[%add3A_274, %dma_wait3A_305] : memref<32x128xi32, #tpu.memory_space<vmem>> -> memref<1x128xi32, #tpu.memory_space<vmem>>
          %dma_wait3A_307 = tpu.memref_squeeze %dma_wait3A_306 : memref<1x128xi32, #tpu.memory_space<vmem>> -> memref<128xi32, #tpu.memory_space<vmem>>
          %dma_wait3A_308 = arith.constant 0 : i32
          %dma_wait3A_309 = arith.constant 0 : i32
          %dma_wait3A_310 = tpu.memref_slice %arg13[%dma_wait3A_308, %dma_wait3A_309] : memref<10000x128xf32, #tpu.memory_space<vmem_shared>> -> memref<10000x128xf32, #tpu.memory_space<vmem_shared>>
          tpu.wait_indirect_dma semaphore(%run_scoped3A : memref<!tpu.dma_semaphore, #tpu.memory_space<semaphore_mem>>) src(%arg12 : memref<128x128xf32, #tpu.memory_space<vmem>>) dst(%dma_wait3A_310 : memref<10000x128xf32, #tpu.memory_space<vmem_shared>>)
          tpu.yield
        }) : () -> ()
      } else {
      }
    }
    %scan3A_263 = arith.constant 16 : i32
    %barrier3A_264 = arith.constant 0 : index
    tpu.barrier barrier_id(%barrier3A_264)
    %scan3A_265 = arith.constant 0 : i32
    %scan3A_266 = arith.constant 8 : i32
    %scan3A_267 = arith.addi %scan3A_265, %scan3A_266 : i32
    %scan3A_268 = arith.constant 1 : i32
    scf.for %scan3A_270 = %scan3A_265 to %scan3A_267 step %scan3A_268  : i32 {
      %mul3A_271 = arith.constant 16 : i32
      %mul3A_272 = arith.muli %scan3A_270, %mul3A_271 : i32
      %add3A_273 = arith.addi %arg1, %mul3A_272 : i32
      %lt3A = arith.constant 125 : i32
      %lt3A_274 = arith.cmpi slt, %add3A_273, %lt3A : i32
      %convert_element_type3A_275 = arith.extui %lt3A_274 : i1 to i32
      %cond3A_276 = arith.constant 0 : i32
      %cond3A_277 = arith.cmpi ne, %convert_element_type3A_275, %cond3A_276 : i32
      scf.if %cond3A_277 {
        %mul3A_278 = arith.constant 80 : i32
        %mul3A_279 = arith.muli %add3A_273, %mul3A_278 : i32
        "tpu.region"() ({
          %run_scoped3A = tpu.sem_alloc : memref<!tpu.dma_semaphore, #tpu.memory_space<semaphore_mem>>
          %dma_start3A_283 = arith.constant 0 : i32
          %dma_start3A_284 = arith.constant 0 : i32
          %dma_start3A_285 = tpu.memref_slice %arg11[%dma_start3A_283, %dma_start3A_284] : memref<128x128xf32, #tpu.memory_space<vmem>> -> memref<80x128xf32, #tpu.memory_space<vmem>>
          %dma_start3A_286 = arith.constant 0 : i32
          %dma_start3A_287 = tpu.memref_slice %arg13[%mul3A_279, %dma_start3A_286] : memref<10000x128xf32, #tpu.memory_space<vmem_shared>> -> memref<80x128xf32, #tpu.memory_space<vmem_shared>>
          %dma_start3A_288 = arith.constant 0 : i32
          %dma_start3A_289 = arith.constant 0 : i32
          %dma_start3A_290 = tpu.memref_slice %arg11[%dma_start3A_288, %dma_start3A_289] : memref<128x128xf32, #tpu.memory_space<vmem>> -> memref<80x128xf32, #tpu.memory_space<vmem>>
          %dma_start3A_291 = arith.constant 0 : i32
          %dma_start3A_292 = tpu.memref_slice %arg13[%mul3A_279, %dma_start3A_291] : memref<10000x128xf32, #tpu.memory_space<vmem_shared>> -> memref<80x128xf32, #tpu.memory_space<vmem_shared>>
          tpu.enqueue_dma source(%dma_start3A_292 : memref<80x128xf32, #tpu.memory_space<vmem_shared>>) target(%dma_start3A_290 : memref<80x128xf32, #tpu.memory_space<vmem>>) target_semaphore(%run_scoped3A : memref<!tpu.dma_semaphore, #tpu.memory_space<semaphore_mem>>)
          %dma_wait3A_293 = arith.constant 0 : i32
          %dma_wait3A_294 = arith.constant 0 : i32
          %dma_wait3A_295 = tpu.memref_slice %arg11[%dma_wait3A_293, %dma_wait3A_294] : memref<128x128xf32, #tpu.memory_space<vmem>> -> memref<80x128xf32, #tpu.memory_space<vmem>>
          %dma_wait3A_296 = arith.constant 0 : i32
          %dma_wait3A_297 = tpu.memref_slice %arg13[%mul3A_279, %dma_wait3A_296] : memref<10000x128xf32, #tpu.memory_space<vmem_shared>> -> memref<80x128xf32, #tpu.memory_space<vmem_shared>>
          %dma_wait3A_298 = arith.constant 0 : i32
          %dma_wait3A_299 = arith.constant 0 : i32
          %dma_wait3A_300 = tpu.memref_slice %arg11[%dma_wait3A_298, %dma_wait3A_299] : memref<128x128xf32, #tpu.memory_space<vmem>> -> memref<80x128xf32, #tpu.memory_space<vmem>>
          %dma_wait3A_301 = arith.constant 0 : i32
          %dma_wait3A_302 = tpu.memref_slice %arg13[%mul3A_279, %dma_wait3A_301] : memref<10000x128xf32, #tpu.memory_space<vmem_shared>> -> memref<80x128xf32, #tpu.memory_space<vmem_shared>>
          tpu.wait_dma2 semaphore(%run_scoped3A : memref<!tpu.dma_semaphore, #tpu.memory_space<semaphore_mem>>) src(%dma_wait3A_302 : memref<80x128xf32, #tpu.memory_space<vmem_shared>>) dst(%dma_wait3A_300 : memref<80x128xf32, #tpu.memory_space<vmem>>)
          tpu.yield
        }) : () -> ()
        %mul3A_280 = arith.constant 125 : i32
        %mul3A_281 = arith.muli %arg0, %mul3A_280 : i32
        %add3A_282 = arith.addi %mul3A_281, %add3A_273 : i32
        "tpu.region"() ({
          %run_scoped3A = tpu.sem_alloc : memref<!tpu.dma_semaphore, #tpu.memory_space<semaphore_mem>>
          %dma_start3A_283 = arith.constant 0 : i32
          %dma_start3A_284 = arith.constant 0 : i32
          %dma_start3A_285 = tpu.memref_slice %arg11[%dma_start3A_283, %dma_start3A_284] : memref<128x128xf32, #tpu.memory_space<vmem>> -> memref<80x128xf32, #tpu.memory_space<vmem>>
          %dma_start3A_286 = arith.constant 0 : i32
          %dma_start3A_287 = arith.constant 0 : i32
          %dma_start3A_288 = tpu.memref_slice %arg6[%add3A_282, %dma_start3A_286, %dma_start3A_287] : memref<250x80x128xf32, #tpu.memory_space<hbm>> -> memref<1x80x128xf32, #tpu.memory_space<hbm>>
          %dma_start3A_289 = tpu.memref_squeeze %dma_start3A_288 : memref<1x80x128xf32, #tpu.memory_space<hbm>> -> memref<80x128xf32, #tpu.memory_space<hbm>>
          %dma_start3A_290 = arith.constant 0 : i32
          %dma_start3A_291 = arith.constant 0 : i32
          %dma_start3A_292 = tpu.memref_slice %arg6[%add3A_282, %dma_start3A_290, %dma_start3A_291] : memref<250x80x128xf32, #tpu.memory_space<hbm>> -> memref<1x80x128xf32, #tpu.memory_space<hbm>>
          %dma_start3A_293 = tpu.memref_squeeze %dma_start3A_292 : memref<1x80x128xf32, #tpu.memory_space<hbm>> -> memref<80x128xf32, #tpu.memory_space<hbm>>
          %dma_start3A_294 = arith.constant 0 : i32
          %dma_start3A_295 = arith.constant 0 : i32
          %dma_start3A_296 = tpu.memref_slice %arg11[%dma_start3A_294, %dma_start3A_295] : memref<128x128xf32, #tpu.memory_space<vmem>> -> memref<80x128xf32, #tpu.memory_space<vmem>>
          tpu.enqueue_dma source(%dma_start3A_296 : memref<80x128xf32, #tpu.memory_space<vmem>>) target(%dma_start3A_293 : memref<80x128xf32, #tpu.memory_space<hbm>>) target_semaphore(%run_scoped3A : memref<!tpu.dma_semaphore, #tpu.memory_space<semaphore_mem>>)
          %dma_wait3A_297 = arith.constant 0 : i32
          %dma_wait3A_298 = arith.constant 0 : i32
          %dma_wait3A_299 = tpu.memref_slice %arg11[%dma_wait3A_297, %dma_wait3A_298] : memref<128x128xf32, #tpu.memory_space<vmem>> -> memref<80x128xf32, #tpu.memory_space<vmem>>
          %dma_wait3A_300 = arith.constant 0 : i32
          %dma_wait3A_301 = arith.constant 0 : i32
          %dma_wait3A_302 = tpu.memref_slice %arg6[%add3A_282, %dma_wait3A_300, %dma_wait3A_301] : memref<250x80x128xf32, #tpu.memory_space<hbm>> -> memref<1x80x128xf32, #tpu.memory_space<hbm>>
          %dma_wait3A_303 = tpu.memref_squeeze %dma_wait3A_302 : memref<1x80x128xf32, #tpu.memory_space<hbm>> -> memref<80x128xf32, #tpu.memory_space<hbm>>
          %dma_wait3A_304 = arith.constant 0 : i32
          %dma_wait3A_305 = arith.constant 0 : i32
          %dma_wait3A_306 = tpu.memref_slice %arg6[%add3A_282, %dma_wait3A_304, %dma_wait3A_305] : memref<250x80x128xf32, #tpu.memory_space<hbm>> -> memref<1x80x128xf32, #tpu.memory_space<hbm>>
          %dma_wait3A_307 = tpu.memref_squeeze %dma_wait3A_306 : memref<1x80x128xf32, #tpu.memory_space<hbm>> -> memref<80x128xf32, #tpu.memory_space<hbm>>
          %dma_wait3A_308 = arith.constant 0 : i32
          %dma_wait3A_309 = arith.constant 0 : i32
          %dma_wait3A_310 = tpu.memref_slice %arg11[%dma_wait3A_308, %dma_wait3A_309] : memref<128x128xf32, #tpu.memory_space<vmem>> -> memref<80x128xf32, #tpu.memory_space<vmem>>
          tpu.wait_dma2 semaphore(%run_scoped3A : memref<!tpu.dma_semaphore, #tpu.memory_space<semaphore_mem>>) src(%dma_wait3A_310 : memref<80x128xf32, #tpu.memory_space<vmem>>) dst(%dma_wait3A_307 : memref<80x128xf32, #tpu.memory_space<hbm>>)
          tpu.yield
        }) : () -> ()
      } else {
      }
    }
    %scan3A_269 = arith.constant 8 : i32
    return
  }
}

#map = affine_map<(d0, d1) -> (0, 0, 0)>
#map1 = affine_map<(d0, d1) -> (0, 0)>
module attributes {stable_mosaic.version = 14 : i64} {
  func.func @deg_kernel(%arg0: i32, %arg1: i32, %arg2: memref<32x80x128xi32, #tpu.memory_space<hbm>>, %arg3: memref<128x128xf32, #tpu.memory_space<hbm>>, %arg4: memref<80x128xf32, #tpu.memory_space<hbm>>, %arg5: memref<250x80x128xf32, #tpu.memory_space<hbm>>, %arg6: memref<80x128xi32, #tpu.memory_space<vmem>>, %arg7: memref<128x128xf32, #tpu.memory_space<vmem>>, %arg8: memref<80x128xf32, #tpu.memory_space<vmem>>, %arg9: memref<10000x128xf32, #tpu.memory_space<vmem_shared>>, %arg10: memref<!tpu.dma_semaphore, #tpu.memory_space<semaphore_mem>>) attributes {dimension_semantics = [#tpu.dimension_semantics<core_parallel>, #tpu.dimension_semantics<subcore_parallel>], iteration_bounds = array<i64: 2, 16>, scalar_prefetch = 0 : i64, scratch_operands = 5 : i64, tpu.core_type = #tpu.core_type<sc_vector_subcore>, window_params = [{transform_indices = #map}, {transform_indices = #map1}, {transform_indices = #map1}, {transform_indices = #map}]} {
    %mul3A = arith.constant 16 : i32
    %mul3A_0 = arith.muli %arg0, %mul3A : i32
    %add3A = arith.addi %mul3A_0, %arg1 : i32
    %mul3A_1 = arith.constant 80 : i32
    %mul3A_2 = arith.muli %add3A, %mul3A_1 : i32
    %sub3A = arith.constant 2500 : i32
    %sub3A_3 = arith.subi %sub3A, %mul3A_2 : i32
    %jit3A = arith.constant 0 : i32
    %jit3A_4 = arith.constant 80 : i32
    %max3A = arith.maxsi %jit3A, %sub3A_3 : i32
    %min3A = arith.minsi %jit3A_4, %max3A : i32
    "tpu.region"() ({
      %run_scoped3A = tpu.sem_alloc : memref<!tpu.dma_semaphore, #tpu.memory_space<semaphore_mem>>
      %dma_start3A = arith.constant 0 : i32
      %dma_start3A_20 = arith.constant 0 : i32
      %dma_start3A_21 = tpu.memref_slice %arg2[%add3A, %dma_start3A, %dma_start3A_20] : memref<32x80x128xi32, #tpu.memory_space<hbm>> -> memref<1x80x128xi32, #tpu.memory_space<hbm>>
      %dma_start3A_22 = tpu.memref_squeeze %dma_start3A_21 : memref<1x80x128xi32, #tpu.memory_space<hbm>> -> memref<80x128xi32, #tpu.memory_space<hbm>>
      %dma_start3A_23 = arith.constant 0 : i32
      %dma_start3A_24 = arith.constant 0 : i32
      %dma_start3A_25 = tpu.memref_slice %arg2[%add3A, %dma_start3A_23, %dma_start3A_24] : memref<32x80x128xi32, #tpu.memory_space<hbm>> -> memref<1x80x128xi32, #tpu.memory_space<hbm>>
      %dma_start3A_26 = tpu.memref_squeeze %dma_start3A_25 : memref<1x80x128xi32, #tpu.memory_space<hbm>> -> memref<80x128xi32, #tpu.memory_space<hbm>>
      tpu.enqueue_dma source(%dma_start3A_26 : memref<80x128xi32, #tpu.memory_space<hbm>>) target(%arg6 : memref<80x128xi32, #tpu.memory_space<vmem>>) target_semaphore(%run_scoped3A : memref<!tpu.dma_semaphore, #tpu.memory_space<semaphore_mem>>)
      %dma_wait3A = arith.constant 0 : i32
      %dma_wait3A_27 = arith.constant 0 : i32
      %dma_wait3A_28 = tpu.memref_slice %arg2[%add3A, %dma_wait3A, %dma_wait3A_27] : memref<32x80x128xi32, #tpu.memory_space<hbm>> -> memref<1x80x128xi32, #tpu.memory_space<hbm>>
      %dma_wait3A_29 = tpu.memref_squeeze %dma_wait3A_28 : memref<1x80x128xi32, #tpu.memory_space<hbm>> -> memref<80x128xi32, #tpu.memory_space<hbm>>
      %dma_wait3A_30 = arith.constant 0 : i32
      %dma_wait3A_31 = arith.constant 0 : i32
      %dma_wait3A_32 = tpu.memref_slice %arg2[%add3A, %dma_wait3A_30, %dma_wait3A_31] : memref<32x80x128xi32, #tpu.memory_space<hbm>> -> memref<1x80x128xi32, #tpu.memory_space<hbm>>
      %dma_wait3A_33 = tpu.memref_squeeze %dma_wait3A_32 : memref<1x80x128xi32, #tpu.memory_space<hbm>> -> memref<80x128xi32, #tpu.memory_space<hbm>>
      tpu.wait_dma2 semaphore(%run_scoped3A : memref<!tpu.dma_semaphore, #tpu.memory_space<semaphore_mem>>) src(%dma_wait3A_33 : memref<80x128xi32, #tpu.memory_space<hbm>>) dst(%arg6 : memref<80x128xi32, #tpu.memory_space<vmem>>)
      tpu.yield
    }) : () -> ()
    "tpu.region"() ({
      %run_scoped3A = tpu.sem_alloc : memref<!tpu.dma_semaphore, #tpu.memory_space<semaphore_mem>>
      tpu.enqueue_dma source(%arg3 : memref<128x128xf32, #tpu.memory_space<hbm>>) target(%arg7 : memref<128x128xf32, #tpu.memory_space<vmem>>) target_semaphore(%run_scoped3A : memref<!tpu.dma_semaphore, #tpu.memory_space<semaphore_mem>>)
      tpu.wait_dma2 semaphore(%run_scoped3A : memref<!tpu.dma_semaphore, #tpu.memory_space<semaphore_mem>>) src(%arg3 : memref<128x128xf32, #tpu.memory_space<hbm>>) dst(%arg7 : memref<128x128xf32, #tpu.memory_space<vmem>>)
      tpu.yield
    }) : () -> ()
    "tpu.region"() ({
      %run_scoped3A = tpu.sem_alloc : memref<!tpu.dma_semaphore, #tpu.memory_space<semaphore_mem>>
      tpu.enqueue_dma source(%arg4 : memref<80x128xf32, #tpu.memory_space<hbm>>) target(%arg8 : memref<80x128xf32, #tpu.memory_space<vmem>>) target_semaphore(%run_scoped3A : memref<!tpu.dma_semaphore, #tpu.memory_space<semaphore_mem>>)
      tpu.wait_dma2 semaphore(%run_scoped3A : memref<!tpu.dma_semaphore, #tpu.memory_space<semaphore_mem>>) src(%arg4 : memref<80x128xf32, #tpu.memory_space<hbm>>) dst(%arg8 : memref<80x128xf32, #tpu.memory_space<vmem>>)
      tpu.yield
    }) : () -> ()
    %scan3A = arith.constant 0 : i32
    %scan3A_5 = arith.constant 8 : i32
    %scan3A_6 = arith.addi %scan3A, %scan3A_5 : i32
    %scan3A_7 = arith.constant 1 : i32
    scf.for %scan3A_20 = %scan3A to %scan3A_6 step %scan3A_7  : i32 {
      %mul3A_21 = arith.constant 16 : i32
      %mul3A_22 = arith.muli %scan3A_20, %mul3A_21 : i32
      %add3A_23 = arith.addi %arg1, %mul3A_22 : i32
      %lt3A = arith.constant 125 : i32
      %lt3A_24 = arith.cmpi slt, %add3A_23, %lt3A : i32
      %convert_element_type3A = arith.extui %lt3A_24 : i1 to i32
      %cond3A = arith.constant 0 : i32
      %cond3A_25 = arith.cmpi ne, %convert_element_type3A, %cond3A : i32
      scf.if %cond3A_25 {
        %mul3A_26 = arith.constant 80 : i32
        %mul3A_27 = arith.muli %add3A_23, %mul3A_26 : i32
        "tpu.region"() ({
          %run_scoped3A = tpu.sem_alloc : memref<!tpu.dma_semaphore, #tpu.memory_space<semaphore_mem>>
          %dma_start3A = arith.constant 0 : i32
          %dma_start3A_28 = tpu.memref_slice %arg9[%mul3A_27, %dma_start3A] : memref<10000x128xf32, #tpu.memory_space<vmem_shared>> -> memref<80x128xf32, #tpu.memory_space<vmem_shared>>
          %dma_start3A_29 = arith.constant 0 : i32
          %dma_start3A_30 = tpu.memref_slice %arg9[%mul3A_27, %dma_start3A_29] : memref<10000x128xf32, #tpu.memory_space<vmem_shared>> -> memref<80x128xf32, #tpu.memory_space<vmem_shared>>
          tpu.enqueue_dma source(%arg8 : memref<80x128xf32, #tpu.memory_space<vmem>>) target(%dma_start3A_30 : memref<80x128xf32, #tpu.memory_space<vmem_shared>>) target_semaphore(%run_scoped3A : memref<!tpu.dma_semaphore, #tpu.memory_space<semaphore_mem>>)
          %dma_wait3A = arith.constant 0 : i32
          %dma_wait3A_31 = tpu.memref_slice %arg9[%mul3A_27, %dma_wait3A] : memref<10000x128xf32, #tpu.memory_space<vmem_shared>> -> memref<80x128xf32, #tpu.memory_space<vmem_shared>>
          %dma_wait3A_32 = arith.constant 0 : i32
          %dma_wait3A_33 = tpu.memref_slice %arg9[%mul3A_27, %dma_wait3A_32] : memref<10000x128xf32, #tpu.memory_space<vmem_shared>> -> memref<80x128xf32, #tpu.memory_space<vmem_shared>>
          tpu.wait_dma2 semaphore(%run_scoped3A : memref<!tpu.dma_semaphore, #tpu.memory_space<semaphore_mem>>) src(%arg8 : memref<80x128xf32, #tpu.memory_space<vmem>>) dst(%dma_wait3A_33 : memref<80x128xf32, #tpu.memory_space<vmem_shared>>)
          tpu.yield
        }) : () -> ()
      } else {
      }
    }
    %scan3A_8 = arith.constant 8 : i32
    %barrier3A = arith.constant 0 : index
    tpu.barrier barrier_id(%barrier3A)
    %scan3A_9 = arith.constant 0 : i32
    %scan3A_10 = arith.constant 11 : i32
    %scan3A_11 = arith.addi %scan3A_9, %scan3A_10 : i32
    %scan3A_12 = arith.constant 1 : i32
    scf.for %scan3A_20 = %scan3A_9 to %scan3A_11 step %scan3A_12  : i32 {
      %lt3A = arith.constant 10 : i32
      %lt3A_21 = arith.cmpi slt, %scan3A_20, %lt3A : i32
      %mul3A_22 = arith.constant 8 : i32
      %mul3A_23 = arith.muli %scan3A_20, %mul3A_22 : i32
      %add3A_24 = arith.constant 0 : i32
      %add3A_25 = arith.addi %mul3A_23, %add3A_24 : i32
      %lt3A_26 = arith.cmpi slt, %add3A_25, %min3A : i32
      %and3A = arith.andi %lt3A_21, %lt3A_26 : i1
      %convert_element_type3A = arith.extui %and3A : i1 to i32
      %cond3A = arith.constant 0 : i32
      %cond3A_27 = arith.cmpi ne, %convert_element_type3A, %cond3A : i32
      scf.if %cond3A_27 {
        %mul3A_208 = arith.constant 8 : i32
        %mul3A_209 = arith.muli %scan3A_20, %mul3A_208 : i32
        %add3A_210 = arith.constant 0 : i32
        %add3A_211 = arith.addi %mul3A_209, %add3A_210 : i32
        %dma_start3A = arith.constant 0 : i32
        %dma_start3A_212 = tpu.memref_slice %arg6[%add3A_211, %dma_start3A] : memref<80x128xi32, #tpu.memory_space<vmem>> -> memref<1x128xi32, #tpu.memory_space<vmem>>
        %dma_start3A_213 = tpu.memref_squeeze %dma_start3A_212 : memref<1x128xi32, #tpu.memory_space<vmem>> -> memref<128xi32, #tpu.memory_space<vmem>>
        %dma_start3A_214 = arith.constant 0 : i32
        %dma_start3A_215 = arith.constant 0 : i32
        %dma_start3A_216 = tpu.memref_slice %arg9[%dma_start3A_214, %dma_start3A_215] : memref<10000x128xf32, #tpu.memory_space<vmem_shared>> -> memref<10000x128xf32, #tpu.memory_space<vmem_shared>>
        tpu.enqueue_indirect_dma source(%arg7 : memref<128x128xf32, #tpu.memory_space<vmem>>) target(%dma_start3A_216 : memref<10000x128xf32, #tpu.memory_space<vmem_shared>>) offsets(%dma_start3A_213 : memref<128xi32, #tpu.memory_space<vmem>>) semaphore(%arg10 : memref<!tpu.dma_semaphore, #tpu.memory_space<semaphore_mem>>) {add = true}
      } else {
      }
      %lt3A_28 = arith.constant 10 : i32
      %lt3A_29 = arith.cmpi slt, %scan3A_20, %lt3A_28 : i32
      %mul3A_30 = arith.constant 8 : i32
      %mul3A_31 = arith.muli %scan3A_20, %mul3A_30 : i32
      %add3A_32 = arith.constant 1 : i32
      %add3A_33 = arith.addi %mul3A_31, %add3A_32 : i32
      %lt3A_34 = arith.cmpi slt, %add3A_33, %min3A : i32
      %and3A_35 = arith.andi %lt3A_29, %lt3A_34 : i1
      %convert_element_type3A_36 = arith.extui %and3A_35 : i1 to i32
      %cond3A_37 = arith.constant 0 : i32
      %cond3A_38 = arith.cmpi ne, %convert_element_type3A_36, %cond3A_37 : i32
      scf.if %cond3A_38 {
        %mul3A_208 = arith.constant 8 : i32
        %mul3A_209 = arith.muli %scan3A_20, %mul3A_208 : i32
        %add3A_210 = arith.constant 1 : i32
        %add3A_211 = arith.addi %mul3A_209, %add3A_210 : i32
        %dma_start3A = arith.constant 0 : i32
        %dma_start3A_212 = tpu.memref_slice %arg6[%add3A_211, %dma_start3A] : memref<80x128xi32, #tpu.memory_space<vmem>> -> memref<1x128xi32, #tpu.memory_space<vmem>>
        %dma_start3A_213 = tpu.memref_squeeze %dma_start3A_212 : memref<1x128xi32, #tpu.memory_space<vmem>> -> memref<128xi32, #tpu.memory_space<vmem>>
        %dma_start3A_214 = arith.constant 0 : i32
        %dma_start3A_215 = arith.constant 0 : i32
        %dma_start3A_216 = tpu.memref_slice %arg9[%dma_start3A_214, %dma_start3A_215] : memref<10000x128xf32, #tpu.memory_space<vmem_shared>> -> memref<10000x128xf32, #tpu.memory_space<vmem_shared>>
        tpu.enqueue_indirect_dma source(%arg7 : memref<128x128xf32, #tpu.memory_space<vmem>>) target(%dma_start3A_216 : memref<10000x128xf32, #tpu.memory_space<vmem_shared>>) offsets(%dma_start3A_213 : memref<128xi32, #tpu.memory_space<vmem>>) semaphore(%arg10 : memref<!tpu.dma_semaphore, #tpu.memory_space<semaphore_mem>>) {add = true}
      } else {
      }
      %lt3A_39 = arith.constant 10 : i32
      %lt3A_40 = arith.cmpi slt, %scan3A_20, %lt3A_39 : i32
      %mul3A_41 = arith.constant 8 : i32
      %mul3A_42 = arith.muli %scan3A_20, %mul3A_41 : i32
      %add3A_43 = arith.constant 2 : i32
      %add3A_44 = arith.addi %mul3A_42, %add3A_43 : i32
      %lt3A_45 = arith.cmpi slt, %add3A_44, %min3A : i32
      %and3A_46 = arith.andi %lt3A_40, %lt3A_45 : i1
      %convert_element_type3A_47 = arith.extui %and3A_46 : i1 to i32
      %cond3A_48 = arith.constant 0 : i32
      %cond3A_49 = arith.cmpi ne, %convert_element_type3A_47, %cond3A_48 : i32
      scf.if %cond3A_49 {
        %mul3A_208 = arith.constant 8 : i32
        %mul3A_209 = arith.muli %scan3A_20, %mul3A_208 : i32
        %add3A_210 = arith.constant 2 : i32
        %add3A_211 = arith.addi %mul3A_209, %add3A_210 : i32
        %dma_start3A = arith.constant 0 : i32
        %dma_start3A_212 = tpu.memref_slice %arg6[%add3A_211, %dma_start3A] : memref<80x128xi32, #tpu.memory_space<vmem>> -> memref<1x128xi32, #tpu.memory_space<vmem>>
        %dma_start3A_213 = tpu.memref_squeeze %dma_start3A_212 : memref<1x128xi32, #tpu.memory_space<vmem>> -> memref<128xi32, #tpu.memory_space<vmem>>
        %dma_start3A_214 = arith.constant 0 : i32
        %dma_start3A_215 = arith.constant 0 : i32
        %dma_start3A_216 = tpu.memref_slice %arg9[%dma_start3A_214, %dma_start3A_215] : memref<10000x128xf32, #tpu.memory_space<vmem_shared>> -> memref<10000x128xf32, #tpu.memory_space<vmem_shared>>
        tpu.enqueue_indirect_dma source(%arg7 : memref<128x128xf32, #tpu.memory_space<vmem>>) target(%dma_start3A_216 : memref<10000x128xf32, #tpu.memory_space<vmem_shared>>) offsets(%dma_start3A_213 : memref<128xi32, #tpu.memory_space<vmem>>) semaphore(%arg10 : memref<!tpu.dma_semaphore, #tpu.memory_space<semaphore_mem>>) {add = true}
      } else {
      }
      %lt3A_50 = arith.constant 10 : i32
      %lt3A_51 = arith.cmpi slt, %scan3A_20, %lt3A_50 : i32
      %mul3A_52 = arith.constant 8 : i32
      %mul3A_53 = arith.muli %scan3A_20, %mul3A_52 : i32
      %add3A_54 = arith.constant 3 : i32
      %add3A_55 = arith.addi %mul3A_53, %add3A_54 : i32
      %lt3A_56 = arith.cmpi slt, %add3A_55, %min3A : i32
      %and3A_57 = arith.andi %lt3A_51, %lt3A_56 : i1
      %convert_element_type3A_58 = arith.extui %and3A_57 : i1 to i32
      %cond3A_59 = arith.constant 0 : i32
      %cond3A_60 = arith.cmpi ne, %convert_element_type3A_58, %cond3A_59 : i32
      scf.if %cond3A_60 {
        %mul3A_208 = arith.constant 8 : i32
        %mul3A_209 = arith.muli %scan3A_20, %mul3A_208 : i32
        %add3A_210 = arith.constant 3 : i32
        %add3A_211 = arith.addi %mul3A_209, %add3A_210 : i32
        %dma_start3A = arith.constant 0 : i32
        %dma_start3A_212 = tpu.memref_slice %arg6[%add3A_211, %dma_start3A] : memref<80x128xi32, #tpu.memory_space<vmem>> -> memref<1x128xi32, #tpu.memory_space<vmem>>
        %dma_start3A_213 = tpu.memref_squeeze %dma_start3A_212 : memref<1x128xi32, #tpu.memory_space<vmem>> -> memref<128xi32, #tpu.memory_space<vmem>>
        %dma_start3A_214 = arith.constant 0 : i32
        %dma_start3A_215 = arith.constant 0 : i32
        %dma_start3A_216 = tpu.memref_slice %arg9[%dma_start3A_214, %dma_start3A_215] : memref<10000x128xf32, #tpu.memory_space<vmem_shared>> -> memref<10000x128xf32, #tpu.memory_space<vmem_shared>>
        tpu.enqueue_indirect_dma source(%arg7 : memref<128x128xf32, #tpu.memory_space<vmem>>) target(%dma_start3A_216 : memref<10000x128xf32, #tpu.memory_space<vmem_shared>>) offsets(%dma_start3A_213 : memref<128xi32, #tpu.memory_space<vmem>>) semaphore(%arg10 : memref<!tpu.dma_semaphore, #tpu.memory_space<semaphore_mem>>) {add = true}
      } else {
      }
      %lt3A_61 = arith.constant 10 : i32
      %lt3A_62 = arith.cmpi slt, %scan3A_20, %lt3A_61 : i32
      %mul3A_63 = arith.constant 8 : i32
      %mul3A_64 = arith.muli %scan3A_20, %mul3A_63 : i32
      %add3A_65 = arith.constant 4 : i32
      %add3A_66 = arith.addi %mul3A_64, %add3A_65 : i32
      %lt3A_67 = arith.cmpi slt, %add3A_66, %min3A : i32
      %and3A_68 = arith.andi %lt3A_62, %lt3A_67 : i1
      %convert_element_type3A_69 = arith.extui %and3A_68 : i1 to i32
      %cond3A_70 = arith.constant 0 : i32
      %cond3A_71 = arith.cmpi ne, %convert_element_type3A_69, %cond3A_70 : i32
      scf.if %cond3A_71 {
        %mul3A_208 = arith.constant 8 : i32
        %mul3A_209 = arith.muli %scan3A_20, %mul3A_208 : i32
        %add3A_210 = arith.constant 4 : i32
        %add3A_211 = arith.addi %mul3A_209, %add3A_210 : i32
        %dma_start3A = arith.constant 0 : i32
        %dma_start3A_212 = tpu.memref_slice %arg6[%add3A_211, %dma_start3A] : memref<80x128xi32, #tpu.memory_space<vmem>> -> memref<1x128xi32, #tpu.memory_space<vmem>>
        %dma_start3A_213 = tpu.memref_squeeze %dma_start3A_212 : memref<1x128xi32, #tpu.memory_space<vmem>> -> memref<128xi32, #tpu.memory_space<vmem>>
        %dma_start3A_214 = arith.constant 0 : i32
        %dma_start3A_215 = arith.constant 0 : i32
        %dma_start3A_216 = tpu.memref_slice %arg9[%dma_start3A_214, %dma_start3A_215] : memref<10000x128xf32, #tpu.memory_space<vmem_shared>> -> memref<10000x128xf32, #tpu.memory_space<vmem_shared>>
        tpu.enqueue_indirect_dma source(%arg7 : memref<128x128xf32, #tpu.memory_space<vmem>>) target(%dma_start3A_216 : memref<10000x128xf32, #tpu.memory_space<vmem_shared>>) offsets(%dma_start3A_213 : memref<128xi32, #tpu.memory_space<vmem>>) semaphore(%arg10 : memref<!tpu.dma_semaphore, #tpu.memory_space<semaphore_mem>>) {add = true}
      } else {
      }
      %lt3A_72 = arith.constant 10 : i32
      %lt3A_73 = arith.cmpi slt, %scan3A_20, %lt3A_72 : i32
      %mul3A_74 = arith.constant 8 : i32
      %mul3A_75 = arith.muli %scan3A_20, %mul3A_74 : i32
      %add3A_76 = arith.constant 5 : i32
      %add3A_77 = arith.addi %mul3A_75, %add3A_76 : i32
      %lt3A_78 = arith.cmpi slt, %add3A_77, %min3A : i32
      %and3A_79 = arith.andi %lt3A_73, %lt3A_78 : i1
      %convert_element_type3A_80 = arith.extui %and3A_79 : i1 to i32
      %cond3A_81 = arith.constant 0 : i32
      %cond3A_82 = arith.cmpi ne, %convert_element_type3A_80, %cond3A_81 : i32
      scf.if %cond3A_82 {
        %mul3A_208 = arith.constant 8 : i32
        %mul3A_209 = arith.muli %scan3A_20, %mul3A_208 : i32
        %add3A_210 = arith.constant 5 : i32
        %add3A_211 = arith.addi %mul3A_209, %add3A_210 : i32
        %dma_start3A = arith.constant 0 : i32
        %dma_start3A_212 = tpu.memref_slice %arg6[%add3A_211, %dma_start3A] : memref<80x128xi32, #tpu.memory_space<vmem>> -> memref<1x128xi32, #tpu.memory_space<vmem>>
        %dma_start3A_213 = tpu.memref_squeeze %dma_start3A_212 : memref<1x128xi32, #tpu.memory_space<vmem>> -> memref<128xi32, #tpu.memory_space<vmem>>
        %dma_start3A_214 = arith.constant 0 : i32
        %dma_start3A_215 = arith.constant 0 : i32
        %dma_start3A_216 = tpu.memref_slice %arg9[%dma_start3A_214, %dma_start3A_215] : memref<10000x128xf32, #tpu.memory_space<vmem_shared>> -> memref<10000x128xf32, #tpu.memory_space<vmem_shared>>
        tpu.enqueue_indirect_dma source(%arg7 : memref<128x128xf32, #tpu.memory_space<vmem>>) target(%dma_start3A_216 : memref<10000x128xf32, #tpu.memory_space<vmem_shared>>) offsets(%dma_start3A_213 : memref<128xi32, #tpu.memory_space<vmem>>) semaphore(%arg10 : memref<!tpu.dma_semaphore, #tpu.memory_space<semaphore_mem>>) {add = true}
      } else {
      }
      %lt3A_83 = arith.constant 10 : i32
      %lt3A_84 = arith.cmpi slt, %scan3A_20, %lt3A_83 : i32
      %mul3A_85 = arith.constant 8 : i32
      %mul3A_86 = arith.muli %scan3A_20, %mul3A_85 : i32
      %add3A_87 = arith.constant 6 : i32
      %add3A_88 = arith.addi %mul3A_86, %add3A_87 : i32
      %lt3A_89 = arith.cmpi slt, %add3A_88, %min3A : i32
      %and3A_90 = arith.andi %lt3A_84, %lt3A_89 : i1
      %convert_element_type3A_91 = arith.extui %and3A_90 : i1 to i32
      %cond3A_92 = arith.constant 0 : i32
      %cond3A_93 = arith.cmpi ne, %convert_element_type3A_91, %cond3A_92 : i32
      scf.if %cond3A_93 {
        %mul3A_208 = arith.constant 8 : i32
        %mul3A_209 = arith.muli %scan3A_20, %mul3A_208 : i32
        %add3A_210 = arith.constant 6 : i32
        %add3A_211 = arith.addi %mul3A_209, %add3A_210 : i32
        %dma_start3A = arith.constant 0 : i32
        %dma_start3A_212 = tpu.memref_slice %arg6[%add3A_211, %dma_start3A] : memref<80x128xi32, #tpu.memory_space<vmem>> -> memref<1x128xi32, #tpu.memory_space<vmem>>
        %dma_start3A_213 = tpu.memref_squeeze %dma_start3A_212 : memref<1x128xi32, #tpu.memory_space<vmem>> -> memref<128xi32, #tpu.memory_space<vmem>>
        %dma_start3A_214 = arith.constant 0 : i32
        %dma_start3A_215 = arith.constant 0 : i32
        %dma_start3A_216 = tpu.memref_slice %arg9[%dma_start3A_214, %dma_start3A_215] : memref<10000x128xf32, #tpu.memory_space<vmem_shared>> -> memref<10000x128xf32, #tpu.memory_space<vmem_shared>>
        tpu.enqueue_indirect_dma source(%arg7 : memref<128x128xf32, #tpu.memory_space<vmem>>) target(%dma_start3A_216 : memref<10000x128xf32, #tpu.memory_space<vmem_shared>>) offsets(%dma_start3A_213 : memref<128xi32, #tpu.memory_space<vmem>>) semaphore(%arg10 : memref<!tpu.dma_semaphore, #tpu.memory_space<semaphore_mem>>) {add = true}
      } else {
      }
      %lt3A_94 = arith.constant 10 : i32
      %lt3A_95 = arith.cmpi slt, %scan3A_20, %lt3A_94 : i32
      %mul3A_96 = arith.constant 8 : i32
      %mul3A_97 = arith.muli %scan3A_20, %mul3A_96 : i32
      %add3A_98 = arith.constant 7 : i32
      %add3A_99 = arith.addi %mul3A_97, %add3A_98 : i32
      %lt3A_100 = arith.cmpi slt, %add3A_99, %min3A : i32
      %and3A_101 = arith.andi %lt3A_95, %lt3A_100 : i1
      %convert_element_type3A_102 = arith.extui %and3A_101 : i1 to i32
      %cond3A_103 = arith.constant 0 : i32
      %cond3A_104 = arith.cmpi ne, %convert_element_type3A_102, %cond3A_103 : i32
      scf.if %cond3A_104 {
        %mul3A_208 = arith.constant 8 : i32
        %mul3A_209 = arith.muli %scan3A_20, %mul3A_208 : i32
        %add3A_210 = arith.constant 7 : i32
        %add3A_211 = arith.addi %mul3A_209, %add3A_210 : i32
        %dma_start3A = arith.constant 0 : i32
        %dma_start3A_212 = tpu.memref_slice %arg6[%add3A_211, %dma_start3A] : memref<80x128xi32, #tpu.memory_space<vmem>> -> memref<1x128xi32, #tpu.memory_space<vmem>>
        %dma_start3A_213 = tpu.memref_squeeze %dma_start3A_212 : memref<1x128xi32, #tpu.memory_space<vmem>> -> memref<128xi32, #tpu.memory_space<vmem>>
        %dma_start3A_214 = arith.constant 0 : i32
        %dma_start3A_215 = arith.constant 0 : i32
        %dma_start3A_216 = tpu.memref_slice %arg9[%dma_start3A_214, %dma_start3A_215] : memref<10000x128xf32, #tpu.memory_space<vmem_shared>> -> memref<10000x128xf32, #tpu.memory_space<vmem_shared>>
        tpu.enqueue_indirect_dma source(%arg7 : memref<128x128xf32, #tpu.memory_space<vmem>>) target(%dma_start3A_216 : memref<10000x128xf32, #tpu.memory_space<vmem_shared>>) offsets(%dma_start3A_213 : memref<128xi32, #tpu.memory_space<vmem>>) semaphore(%arg10 : memref<!tpu.dma_semaphore, #tpu.memory_space<semaphore_mem>>) {add = true}
      } else {
      }
      %gt3A = arith.constant 0 : i32
      %gt3A_105 = arith.cmpi sgt, %scan3A_20, %gt3A : i32
      %sub3A_106 = arith.constant 1 : i32
      %sub3A_107 = arith.subi %scan3A_20, %sub3A_106 : i32
      %mul3A_108 = arith.constant 8 : i32
      %mul3A_109 = arith.muli %sub3A_107, %mul3A_108 : i32
      %add3A_110 = arith.constant 0 : i32
      %add3A_111 = arith.addi %mul3A_109, %add3A_110 : i32
      %lt3A_112 = arith.cmpi slt, %add3A_111, %min3A : i32
      %and3A_113 = arith.andi %gt3A_105, %lt3A_112 : i1
      %convert_element_type3A_114 = arith.extui %and3A_113 : i1 to i32
      %cond3A_115 = arith.constant 0 : i32
      %cond3A_116 = arith.cmpi ne, %convert_element_type3A_114, %cond3A_115 : i32
      scf.if %cond3A_116 {
        %dma_wait3A = arith.constant 0 : i32
        %dma_wait3A_208 = arith.constant 0 : i32
        %dma_wait3A_209 = tpu.memref_slice %arg6[%dma_wait3A, %dma_wait3A_208] : memref<80x128xi32, #tpu.memory_space<vmem>> -> memref<1x128xi32, #tpu.memory_space<vmem>>
        %dma_wait3A_210 = tpu.memref_squeeze %dma_wait3A_209 : memref<1x128xi32, #tpu.memory_space<vmem>> -> memref<128xi32, #tpu.memory_space<vmem>>
        %dma_wait3A_211 = arith.constant 0 : i32
        %dma_wait3A_212 = arith.constant 0 : i32
        %dma_wait3A_213 = tpu.memref_slice %arg9[%dma_wait3A_211, %dma_wait3A_212] : memref<10000x128xf32, #tpu.memory_space<vmem_shared>> -> memref<10000x128xf32, #tpu.memory_space<vmem_shared>>
        tpu.wait_indirect_dma semaphore(%arg10 : memref<!tpu.dma_semaphore, #tpu.memory_space<semaphore_mem>>) src(%arg7 : memref<128x128xf32, #tpu.memory_space<vmem>>) dst(%dma_wait3A_213 : memref<10000x128xf32, #tpu.memory_space<vmem_shared>>)
      } else {
      }
      %gt3A_117 = arith.constant 0 : i32
      %gt3A_118 = arith.cmpi sgt, %scan3A_20, %gt3A_117 : i32
      %sub3A_119 = arith.constant 1 : i32
      %sub3A_120 = arith.subi %scan3A_20, %sub3A_119 : i32
      %mul3A_121 = arith.constant 8 : i32
      %mul3A_122 = arith.muli %sub3A_120, %mul3A_121 : i32
      %add3A_123 = arith.constant 1 : i32
      %add3A_124 = arith.addi %mul3A_122, %add3A_123 : i32
      %lt3A_125 = arith.cmpi slt, %add3A_124, %min3A : i32
      %and3A_126 = arith.andi %gt3A_118, %lt3A_125 : i1
      %convert_element_type3A_127 = arith.extui %and3A_126 : i1 to i32
      %cond3A_128 = arith.constant 0 : i32
      %cond3A_129 = arith.cmpi ne, %convert_element_type3A_127, %cond3A_128 : i32
      scf.if %cond3A_129 {
        %dma_wait3A = arith.constant 1 : i32
        %dma_wait3A_208 = arith.constant 0 : i32
        %dma_wait3A_209 = tpu.memref_slice %arg6[%dma_wait3A, %dma_wait3A_208] : memref<80x128xi32, #tpu.memory_space<vmem>> -> memref<1x128xi32, #tpu.memory_space<vmem>>
        %dma_wait3A_210 = tpu.memref_squeeze %dma_wait3A_209 : memref<1x128xi32, #tpu.memory_space<vmem>> -> memref<128xi32, #tpu.memory_space<vmem>>
        %dma_wait3A_211 = arith.constant 0 : i32
        %dma_wait3A_212 = arith.constant 0 : i32
        %dma_wait3A_213 = tpu.memref_slice %arg9[%dma_wait3A_211, %dma_wait3A_212] : memref<10000x128xf32, #tpu.memory_space<vmem_shared>> -> memref<10000x128xf32, #tpu.memory_space<vmem_shared>>
        tpu.wait_indirect_dma semaphore(%arg10 : memref<!tpu.dma_semaphore, #tpu.memory_space<semaphore_mem>>) src(%arg7 : memref<128x128xf32, #tpu.memory_space<vmem>>) dst(%dma_wait3A_213 : memref<10000x128xf32, #tpu.memory_space<vmem_shared>>)
      } else {
      }
      %gt3A_130 = arith.constant 0 : i32
      %gt3A_131 = arith.cmpi sgt, %scan3A_20, %gt3A_130 : i32
      %sub3A_132 = arith.constant 1 : i32
      %sub3A_133 = arith.subi %scan3A_20, %sub3A_132 : i32
      %mul3A_134 = arith.constant 8 : i32
      %mul3A_135 = arith.muli %sub3A_133, %mul3A_134 : i32
      %add3A_136 = arith.constant 2 : i32
      %add3A_137 = arith.addi %mul3A_135, %add3A_136 : i32
      %lt3A_138 = arith.cmpi slt, %add3A_137, %min3A : i32
      %and3A_139 = arith.andi %gt3A_131, %lt3A_138 : i1
      %convert_element_type3A_140 = arith.extui %and3A_139 : i1 to i32
      %cond3A_141 = arith.constant 0 : i32
      %cond3A_142 = arith.cmpi ne, %convert_element_type3A_140, %cond3A_141 : i32
      scf.if %cond3A_142 {
        %dma_wait3A = arith.constant 2 : i32
        %dma_wait3A_208 = arith.constant 0 : i32
        %dma_wait3A_209 = tpu.memref_slice %arg6[%dma_wait3A, %dma_wait3A_208] : memref<80x128xi32, #tpu.memory_space<vmem>> -> memref<1x128xi32, #tpu.memory_space<vmem>>
        %dma_wait3A_210 = tpu.memref_squeeze %dma_wait3A_209 : memref<1x128xi32, #tpu.memory_space<vmem>> -> memref<128xi32, #tpu.memory_space<vmem>>
        %dma_wait3A_211 = arith.constant 0 : i32
        %dma_wait3A_212 = arith.constant 0 : i32
        %dma_wait3A_213 = tpu.memref_slice %arg9[%dma_wait3A_211, %dma_wait3A_212] : memref<10000x128xf32, #tpu.memory_space<vmem_shared>> -> memref<10000x128xf32, #tpu.memory_space<vmem_shared>>
        tpu.wait_indirect_dma semaphore(%arg10 : memref<!tpu.dma_semaphore, #tpu.memory_space<semaphore_mem>>) src(%arg7 : memref<128x128xf32, #tpu.memory_space<vmem>>) dst(%dma_wait3A_213 : memref<10000x128xf32, #tpu.memory_space<vmem_shared>>)
      } else {
      }
      %gt3A_143 = arith.constant 0 : i32
      %gt3A_144 = arith.cmpi sgt, %scan3A_20, %gt3A_143 : i32
      %sub3A_145 = arith.constant 1 : i32
      %sub3A_146 = arith.subi %scan3A_20, %sub3A_145 : i32
      %mul3A_147 = arith.constant 8 : i32
      %mul3A_148 = arith.muli %sub3A_146, %mul3A_147 : i32
      %add3A_149 = arith.constant 3 : i32
      %add3A_150 = arith.addi %mul3A_148, %add3A_149 : i32
      %lt3A_151 = arith.cmpi slt, %add3A_150, %min3A : i32
      %and3A_152 = arith.andi %gt3A_144, %lt3A_151 : i1
      %convert_element_type3A_153 = arith.extui %and3A_152 : i1 to i32
      %cond3A_154 = arith.constant 0 : i32
      %cond3A_155 = arith.cmpi ne, %convert_element_type3A_153, %cond3A_154 : i32
      scf.if %cond3A_155 {
        %dma_wait3A = arith.constant 3 : i32
        %dma_wait3A_208 = arith.constant 0 : i32
        %dma_wait3A_209 = tpu.memref_slice %arg6[%dma_wait3A, %dma_wait3A_208] : memref<80x128xi32, #tpu.memory_space<vmem>> -> memref<1x128xi32, #tpu.memory_space<vmem>>
        %dma_wait3A_210 = tpu.memref_squeeze %dma_wait3A_209 : memref<1x128xi32, #tpu.memory_space<vmem>> -> memref<128xi32, #tpu.memory_space<vmem>>
        %dma_wait3A_211 = arith.constant 0 : i32
        %dma_wait3A_212 = arith.constant 0 : i32
        %dma_wait3A_213 = tpu.memref_slice %arg9[%dma_wait3A_211, %dma_wait3A_212] : memref<10000x128xf32, #tpu.memory_space<vmem_shared>> -> memref<10000x128xf32, #tpu.memory_space<vmem_shared>>
        tpu.wait_indirect_dma semaphore(%arg10 : memref<!tpu.dma_semaphore, #tpu.memory_space<semaphore_mem>>) src(%arg7 : memref<128x128xf32, #tpu.memory_space<vmem>>) dst(%dma_wait3A_213 : memref<10000x128xf32, #tpu.memory_space<vmem_shared>>)
      } else {
      }
      %gt3A_156 = arith.constant 0 : i32
      %gt3A_157 = arith.cmpi sgt, %scan3A_20, %gt3A_156 : i32
      %sub3A_158 = arith.constant 1 : i32
      %sub3A_159 = arith.subi %scan3A_20, %sub3A_158 : i32
      %mul3A_160 = arith.constant 8 : i32
      %mul3A_161 = arith.muli %sub3A_159, %mul3A_160 : i32
      %add3A_162 = arith.constant 4 : i32
      %add3A_163 = arith.addi %mul3A_161, %add3A_162 : i32
      %lt3A_164 = arith.cmpi slt, %add3A_163, %min3A : i32
      %and3A_165 = arith.andi %gt3A_157, %lt3A_164 : i1
      %convert_element_type3A_166 = arith.extui %and3A_165 : i1 to i32
      %cond3A_167 = arith.constant 0 : i32
      %cond3A_168 = arith.cmpi ne, %convert_element_type3A_166, %cond3A_167 : i32
      scf.if %cond3A_168 {
        %dma_wait3A = arith.constant 4 : i32
        %dma_wait3A_208 = arith.constant 0 : i32
        %dma_wait3A_209 = tpu.memref_slice %arg6[%dma_wait3A, %dma_wait3A_208] : memref<80x128xi32, #tpu.memory_space<vmem>> -> memref<1x128xi32, #tpu.memory_space<vmem>>
        %dma_wait3A_210 = tpu.memref_squeeze %dma_wait3A_209 : memref<1x128xi32, #tpu.memory_space<vmem>> -> memref<128xi32, #tpu.memory_space<vmem>>
        %dma_wait3A_211 = arith.constant 0 : i32
        %dma_wait3A_212 = arith.constant 0 : i32
        %dma_wait3A_213 = tpu.memref_slice %arg9[%dma_wait3A_211, %dma_wait3A_212] : memref<10000x128xf32, #tpu.memory_space<vmem_shared>> -> memref<10000x128xf32, #tpu.memory_space<vmem_shared>>
        tpu.wait_indirect_dma semaphore(%arg10 : memref<!tpu.dma_semaphore, #tpu.memory_space<semaphore_mem>>) src(%arg7 : memref<128x128xf32, #tpu.memory_space<vmem>>) dst(%dma_wait3A_213 : memref<10000x128xf32, #tpu.memory_space<vmem_shared>>)
      } else {
      }
      %gt3A_169 = arith.constant 0 : i32
      %gt3A_170 = arith.cmpi sgt, %scan3A_20, %gt3A_169 : i32
      %sub3A_171 = arith.constant 1 : i32
      %sub3A_172 = arith.subi %scan3A_20, %sub3A_171 : i32
      %mul3A_173 = arith.constant 8 : i32
      %mul3A_174 = arith.muli %sub3A_172, %mul3A_173 : i32
      %add3A_175 = arith.constant 5 : i32
      %add3A_176 = arith.addi %mul3A_174, %add3A_175 : i32
      %lt3A_177 = arith.cmpi slt, %add3A_176, %min3A : i32
      %and3A_178 = arith.andi %gt3A_170, %lt3A_177 : i1
      %convert_element_type3A_179 = arith.extui %and3A_178 : i1 to i32
      %cond3A_180 = arith.constant 0 : i32
      %cond3A_181 = arith.cmpi ne, %convert_element_type3A_179, %cond3A_180 : i32
      scf.if %cond3A_181 {
        %dma_wait3A = arith.constant 5 : i32
        %dma_wait3A_208 = arith.constant 0 : i32
        %dma_wait3A_209 = tpu.memref_slice %arg6[%dma_wait3A, %dma_wait3A_208] : memref<80x128xi32, #tpu.memory_space<vmem>> -> memref<1x128xi32, #tpu.memory_space<vmem>>
        %dma_wait3A_210 = tpu.memref_squeeze %dma_wait3A_209 : memref<1x128xi32, #tpu.memory_space<vmem>> -> memref<128xi32, #tpu.memory_space<vmem>>
        %dma_wait3A_211 = arith.constant 0 : i32
        %dma_wait3A_212 = arith.constant 0 : i32
        %dma_wait3A_213 = tpu.memref_slice %arg9[%dma_wait3A_211, %dma_wait3A_212] : memref<10000x128xf32, #tpu.memory_space<vmem_shared>> -> memref<10000x128xf32, #tpu.memory_space<vmem_shared>>
        tpu.wait_indirect_dma semaphore(%arg10 : memref<!tpu.dma_semaphore, #tpu.memory_space<semaphore_mem>>) src(%arg7 : memref<128x128xf32, #tpu.memory_space<vmem>>) dst(%dma_wait3A_213 : memref<10000x128xf32, #tpu.memory_space<vmem_shared>>)
      } else {
      }
      %gt3A_182 = arith.constant 0 : i32
      %gt3A_183 = arith.cmpi sgt, %scan3A_20, %gt3A_182 : i32
      %sub3A_184 = arith.constant 1 : i32
      %sub3A_185 = arith.subi %scan3A_20, %sub3A_184 : i32
      %mul3A_186 = arith.constant 8 : i32
      %mul3A_187 = arith.muli %sub3A_185, %mul3A_186 : i32
      %add3A_188 = arith.constant 6 : i32
      %add3A_189 = arith.addi %mul3A_187, %add3A_188 : i32
      %lt3A_190 = arith.cmpi slt, %add3A_189, %min3A : i32
      %and3A_191 = arith.andi %gt3A_183, %lt3A_190 : i1
      %convert_element_type3A_192 = arith.extui %and3A_191 : i1 to i32
      %cond3A_193 = arith.constant 0 : i32
      %cond3A_194 = arith.cmpi ne, %convert_element_type3A_192, %cond3A_193 : i32
      scf.if %cond3A_194 {
        %dma_wait3A = arith.constant 6 : i32
        %dma_wait3A_208 = arith.constant 0 : i32
        %dma_wait3A_209 = tpu.memref_slice %arg6[%dma_wait3A, %dma_wait3A_208] : memref<80x128xi32, #tpu.memory_space<vmem>> -> memref<1x128xi32, #tpu.memory_space<vmem>>
        %dma_wait3A_210 = tpu.memref_squeeze %dma_wait3A_209 : memref<1x128xi32, #tpu.memory_space<vmem>> -> memref<128xi32, #tpu.memory_space<vmem>>
        %dma_wait3A_211 = arith.constant 0 : i32
        %dma_wait3A_212 = arith.constant 0 : i32
        %dma_wait3A_213 = tpu.memref_slice %arg9[%dma_wait3A_211, %dma_wait3A_212] : memref<10000x128xf32, #tpu.memory_space<vmem_shared>> -> memref<10000x128xf32, #tpu.memory_space<vmem_shared>>
        tpu.wait_indirect_dma semaphore(%arg10 : memref<!tpu.dma_semaphore, #tpu.memory_space<semaphore_mem>>) src(%arg7 : memref<128x128xf32, #tpu.memory_space<vmem>>) dst(%dma_wait3A_213 : memref<10000x128xf32, #tpu.memory_space<vmem_shared>>)
      } else {
      }
      %gt3A_195 = arith.constant 0 : i32
      %gt3A_196 = arith.cmpi sgt, %scan3A_20, %gt3A_195 : i32
      %sub3A_197 = arith.constant 1 : i32
      %sub3A_198 = arith.subi %scan3A_20, %sub3A_197 : i32
      %mul3A_199 = arith.constant 8 : i32
      %mul3A_200 = arith.muli %sub3A_198, %mul3A_199 : i32
      %add3A_201 = arith.constant 7 : i32
      %add3A_202 = arith.addi %mul3A_200, %add3A_201 : i32
      %lt3A_203 = arith.cmpi slt, %add3A_202, %min3A : i32
      %and3A_204 = arith.andi %gt3A_196, %lt3A_203 : i1
      %convert_element_type3A_205 = arith.extui %and3A_204 : i1 to i32
      %cond3A_206 = arith.constant 0 : i32
      %cond3A_207 = arith.cmpi ne, %convert_element_type3A_205, %cond3A_206 : i32
      scf.if %cond3A_207 {
        %dma_wait3A = arith.constant 7 : i32
        %dma_wait3A_208 = arith.constant 0 : i32
        %dma_wait3A_209 = tpu.memref_slice %arg6[%dma_wait3A, %dma_wait3A_208] : memref<80x128xi32, #tpu.memory_space<vmem>> -> memref<1x128xi32, #tpu.memory_space<vmem>>
        %dma_wait3A_210 = tpu.memref_squeeze %dma_wait3A_209 : memref<1x128xi32, #tpu.memory_space<vmem>> -> memref<128xi32, #tpu.memory_space<vmem>>
        %dma_wait3A_211 = arith.constant 0 : i32
        %dma_wait3A_212 = arith.constant 0 : i32
        %dma_wait3A_213 = tpu.memref_slice %arg9[%dma_wait3A_211, %dma_wait3A_212] : memref<10000x128xf32, #tpu.memory_space<vmem_shared>> -> memref<10000x128xf32, #tpu.memory_space<vmem_shared>>
        tpu.wait_indirect_dma semaphore(%arg10 : memref<!tpu.dma_semaphore, #tpu.memory_space<semaphore_mem>>) src(%arg7 : memref<128x128xf32, #tpu.memory_space<vmem>>) dst(%dma_wait3A_213 : memref<10000x128xf32, #tpu.memory_space<vmem_shared>>)
      } else {
      }
    }
    %scan3A_13 = arith.constant 11 : i32
    %barrier3A_14 = arith.constant 0 : index
    tpu.barrier barrier_id(%barrier3A_14)
    %scan3A_15 = arith.constant 0 : i32
    %scan3A_16 = arith.constant 8 : i32
    %scan3A_17 = arith.addi %scan3A_15, %scan3A_16 : i32
    %scan3A_18 = arith.constant 1 : i32
    scf.for %scan3A_20 = %scan3A_15 to %scan3A_17 step %scan3A_18  : i32 {
      %mul3A_21 = arith.constant 16 : i32
      %mul3A_22 = arith.muli %scan3A_20, %mul3A_21 : i32
      %add3A_23 = arith.addi %arg1, %mul3A_22 : i32
      %lt3A = arith.constant 125 : i32
      %lt3A_24 = arith.cmpi slt, %add3A_23, %lt3A : i32
      %convert_element_type3A = arith.extui %lt3A_24 : i1 to i32
      %cond3A = arith.constant 0 : i32
      %cond3A_25 = arith.cmpi ne, %convert_element_type3A, %cond3A : i32
      scf.if %cond3A_25 {
        %mul3A_26 = arith.constant 80 : i32
        %mul3A_27 = arith.muli %add3A_23, %mul3A_26 : i32
        "tpu.region"() ({
          %run_scoped3A = tpu.sem_alloc : memref<!tpu.dma_semaphore, #tpu.memory_space<semaphore_mem>>
          %dma_start3A = arith.constant 0 : i32
          %dma_start3A_31 = tpu.memref_slice %arg9[%mul3A_27, %dma_start3A] : memref<10000x128xf32, #tpu.memory_space<vmem_shared>> -> memref<80x128xf32, #tpu.memory_space<vmem_shared>>
          %dma_start3A_32 = arith.constant 0 : i32
          %dma_start3A_33 = tpu.memref_slice %arg9[%mul3A_27, %dma_start3A_32] : memref<10000x128xf32, #tpu.memory_space<vmem_shared>> -> memref<80x128xf32, #tpu.memory_space<vmem_shared>>
          tpu.enqueue_dma source(%dma_start3A_33 : memref<80x128xf32, #tpu.memory_space<vmem_shared>>) target(%arg8 : memref<80x128xf32, #tpu.memory_space<vmem>>) target_semaphore(%run_scoped3A : memref<!tpu.dma_semaphore, #tpu.memory_space<semaphore_mem>>)
          %dma_wait3A = arith.constant 0 : i32
          %dma_wait3A_34 = tpu.memref_slice %arg9[%mul3A_27, %dma_wait3A] : memref<10000x128xf32, #tpu.memory_space<vmem_shared>> -> memref<80x128xf32, #tpu.memory_space<vmem_shared>>
          %dma_wait3A_35 = arith.constant 0 : i32
          %dma_wait3A_36 = tpu.memref_slice %arg9[%mul3A_27, %dma_wait3A_35] : memref<10000x128xf32, #tpu.memory_space<vmem_shared>> -> memref<80x128xf32, #tpu.memory_space<vmem_shared>>
          tpu.wait_dma2 semaphore(%run_scoped3A : memref<!tpu.dma_semaphore, #tpu.memory_space<semaphore_mem>>) src(%dma_wait3A_36 : memref<80x128xf32, #tpu.memory_space<vmem_shared>>) dst(%arg8 : memref<80x128xf32, #tpu.memory_space<vmem>>)
          tpu.yield
        }) : () -> ()
        %mul3A_28 = arith.constant 125 : i32
        %mul3A_29 = arith.muli %arg0, %mul3A_28 : i32
        %add3A_30 = arith.addi %mul3A_29, %add3A_23 : i32
        "tpu.region"() ({
          %run_scoped3A = tpu.sem_alloc : memref<!tpu.dma_semaphore, #tpu.memory_space<semaphore_mem>>
          %dma_start3A = arith.constant 0 : i32
          %dma_start3A_31 = arith.constant 0 : i32
          %dma_start3A_32 = tpu.memref_slice %arg5[%add3A_30, %dma_start3A, %dma_start3A_31] : memref<250x80x128xf32, #tpu.memory_space<hbm>> -> memref<1x80x128xf32, #tpu.memory_space<hbm>>
          %dma_start3A_33 = tpu.memref_squeeze %dma_start3A_32 : memref<1x80x128xf32, #tpu.memory_space<hbm>> -> memref<80x128xf32, #tpu.memory_space<hbm>>
          %dma_start3A_34 = arith.constant 0 : i32
          %dma_start3A_35 = arith.constant 0 : i32
          %dma_start3A_36 = tpu.memref_slice %arg5[%add3A_30, %dma_start3A_34, %dma_start3A_35] : memref<250x80x128xf32, #tpu.memory_space<hbm>> -> memref<1x80x128xf32, #tpu.memory_space<hbm>>
          %dma_start3A_37 = tpu.memref_squeeze %dma_start3A_36 : memref<1x80x128xf32, #tpu.memory_space<hbm>> -> memref<80x128xf32, #tpu.memory_space<hbm>>
          tpu.enqueue_dma source(%arg8 : memref<80x128xf32, #tpu.memory_space<vmem>>) target(%dma_start3A_37 : memref<80x128xf32, #tpu.memory_space<hbm>>) target_semaphore(%run_scoped3A : memref<!tpu.dma_semaphore, #tpu.memory_space<semaphore_mem>>)
          %dma_wait3A = arith.constant 0 : i32
          %dma_wait3A_38 = arith.constant 0 : i32
          %dma_wait3A_39 = tpu.memref_slice %arg5[%add3A_30, %dma_wait3A, %dma_wait3A_38] : memref<250x80x128xf32, #tpu.memory_space<hbm>> -> memref<1x80x128xf32, #tpu.memory_space<hbm>>
          %dma_wait3A_40 = tpu.memref_squeeze %dma_wait3A_39 : memref<1x80x128xf32, #tpu.memory_space<hbm>> -> memref<80x128xf32, #tpu.memory_space<hbm>>
          %dma_wait3A_41 = arith.constant 0 : i32
          %dma_wait3A_42 = arith.constant 0 : i32
          %dma_wait3A_43 = tpu.memref_slice %arg5[%add3A_30, %dma_wait3A_41, %dma_wait3A_42] : memref<250x80x128xf32, #tpu.memory_space<hbm>> -> memref<1x80x128xf32, #tpu.memory_space<hbm>>
          %dma_wait3A_44 = tpu.memref_squeeze %dma_wait3A_43 : memref<1x80x128xf32, #tpu.memory_space<hbm>> -> memref<80x128xf32, #tpu.memory_space<hbm>>
          tpu.wait_dma2 semaphore(%run_scoped3A : memref<!tpu.dma_semaphore, #tpu.memory_space<semaphore_mem>>) src(%arg8 : memref<80x128xf32, #tpu.memory_space<vmem>>) dst(%dma_wait3A_44 : memref<80x128xf32, #tpu.memory_space<hbm>>)
          tpu.yield
        }) : () -> ()
      } else {
      }
    }
    %scan3A_19 = arith.constant 8 : i32
    return
  }
}

module attributes {stable_mosaic.version = 14 : i64} {
  func.func @_dense_body(%arg0: i32, %arg1: memref<1000x128xf32, #tpu.memory_space<vmem>>, %arg2: memref<128x128xf32, #tpu.memory_space<vmem>>, %arg3: memref<1x128xf32, #tpu.memory_space<vmem>>, %arg4: memref<128x128xf32, #tpu.memory_space<vmem>>, %arg5: memref<1x128xf32, #tpu.memory_space<vmem>>, %arg6: memref<1000x128xf32, #tpu.memory_space<vmem>>, %arg7: memref<1000x128xf32, #tpu.memory_space<vmem>>) attributes {dimension_semantics = [#tpu.dimension_semantics<arbitrary>], iteration_bounds = array<i64: 10>, scalar_prefetch = 0 : i64, scratch_operands = 0 : i64, tpu.core_type = #tpu.core_type<tc>, window_params = [{transform_indices = @transform_0, window_bounds = array<i64: 1000, 128>}, {pipeline_mode = #tpu.pipeline_mode<synchronous>, transform_indices = @transform_1, window_bounds = array<i64: 128, 128>}, {pipeline_mode = #tpu.pipeline_mode<synchronous>, transform_indices = @transform_2, window_bounds = array<i64: 1, 128>}, {pipeline_mode = #tpu.pipeline_mode<synchronous>, transform_indices = @transform_3, window_bounds = array<i64: 128, 128>}, {pipeline_mode = #tpu.pipeline_mode<synchronous>, transform_indices = @transform_4, window_bounds = array<i64: 1, 128>}, {transform_indices = @transform_5, window_bounds = array<i64: 1000, 128>}, {transform_indices = @transform_6, window_bounds = array<i64: 1000, 128>}]} {
    %get3A = arith.constant 0 : index
    %get3A_0 = arith.constant 0 : index
    %get3A_1 = vector.load %arg1[%get3A, %get3A_0] : memref<1000x128xf32, #tpu.memory_space<vmem>>, vector<1000x128xf32>
    %get3A_2 = arith.constant 0 : index
    %get3A_3 = arith.constant 0 : index
    %get3A_4 = vector.load %arg2[%get3A_2, %get3A_3] : memref<128x128xf32, #tpu.memory_space<vmem>>, vector<128x128xf32>
    %dot_general3A = arith.constant dense<0.000000e+00> : vector<1000x128xf32>
    %dot_general3A_5 = tpu.matmul %get3A_1, %get3A_4, %dot_general3A {dimension_numbers = #tpu.dot_dimension_numbers<[1], [1], [0], [0], [0, 0, 1, 0], [], []>, transpose_lhs_hint = false} : vector<1000x128xf32>, vector<128x128xf32>, vector<1000x128xf32> -> vector<1000x128xf32>
    %get3A_6 = arith.constant 0 : index
    %get3A_7 = arith.constant 0 : index
    %get3A_8 = vector.load %arg3[%get3A_6, %get3A_7] : memref<1x128xf32, #tpu.memory_space<vmem>>, vector<1x128xf32>
    %add3A = vector.broadcast %get3A_8 : vector<1x128xf32> to vector<1000x128xf32>
    %add3A_9 = arith.addf %dot_general3A_5, %add3A : vector<1000x128xf32>
    %get3A_10 = arith.constant 0 : index
    %get3A_11 = arith.constant 0 : index
    %get3A_12 = vector.load %arg4[%get3A_10, %get3A_11] : memref<128x128xf32, #tpu.memory_space<vmem>>, vector<128x128xf32>
    %dot_general3A_13 = arith.constant dense<0.000000e+00> : vector<1000x128xf32>
    %dot_general3A_14 = tpu.matmul %get3A_1, %get3A_12, %dot_general3A_13 {dimension_numbers = #tpu.dot_dimension_numbers<[1], [1], [0], [0], [0, 0, 1, 0], [], []>, transpose_lhs_hint = false} : vector<1000x128xf32>, vector<128x128xf32>, vector<1000x128xf32> -> vector<1000x128xf32>
    %get3A_15 = arith.constant 0 : index
    %get3A_16 = arith.constant 0 : index
    %get3A_17 = vector.load %arg5[%get3A_15, %get3A_16] : memref<1x128xf32, #tpu.memory_space<vmem>>, vector<1x128xf32>
    %add3A_18 = vector.broadcast %get3A_17 : vector<1x128xf32> to vector<1000x128xf32>
    %add3A_19 = arith.addf %dot_general3A_14, %add3A_18 : vector<1000x128xf32>
    %mul3A = arith.mulf %add3A_19, %add3A_19 : vector<1000x128xf32>
    %reduce_sum3A = arith.constant dense<0.000000e+00> : vector<1000xf32>
    %reduce_sum3A_20 = vector.multi_reduction <add>, %mul3A, %reduce_sum3A [1] : vector<1000x128xf32> to vector<1000xf32>
    %broadcast_in_dim3A = vector.shape_cast %reduce_sum3A_20 : vector<1000xf32> to vector<1000x1xf32>
    %sqrt3A = math.sqrt %broadcast_in_dim3A : vector<1000x1xf32>
    %max3A = arith.constant 9.99999996E-13 : f32
    %max3A_21 = vector.broadcast %max3A : f32 to vector<1000x1xf32>
    %max3A_22 = arith.maximumf %sqrt3A, %max3A_21 : vector<1000x1xf32>
    %div3A = arith.constant 1.800000e+00 : f32
    %div3A_23 = vector.broadcast %div3A : f32 to vector<1000x1xf32>
    %div3A_24 = arith.divf %div3A_23, %max3A_22 : vector<1000x1xf32>
    %mul3A_25 = vector.broadcast %div3A_24 : vector<1000x1xf32> to vector<1000x128xf32>
    %mul3A_26 = arith.mulf %add3A_19, %mul3A_25 : vector<1000x128xf32>
    %swap3A = arith.constant 0 : index
    %swap3A_27 = arith.constant 0 : index
    %swap3A_28 = vector.load %arg6[%swap3A, %swap3A_27] : memref<1000x128xf32, #tpu.memory_space<vmem>>, vector<1000x128xf32>
    tpu.vector_store %arg6[%swap3A, %swap3A_27], %mul3A_26 {strides = array<i32>} : memref<1000x128xf32, #tpu.memory_space<vmem>>, vector<1000x128xf32>,
    %swap3A_29 = arith.constant 0 : index
    %swap3A_30 = arith.constant 0 : index
    %swap3A_31 = vector.load %arg7[%swap3A_29, %swap3A_30] : memref<1000x128xf32, #tpu.memory_space<vmem>>, vector<1000x128xf32>
    tpu.vector_store %arg7[%swap3A_29, %swap3A_30], %add3A_9 {strides = array<i32>} : memref<1000x128xf32, #tpu.memory_space<vmem>>, vector<1000x128xf32>,
    return
  }
  func.func @transform_0(%arg0: i32) -> (i32, i32) {
    %c0_i32 = arith.constant 0 : i32
    %c0_i32_0 = arith.constant 0 : i32
    return %arg0, %c0_i32 : i32, i32
  }
  func.func @transform_1(%arg0: i32) -> (i32, i32) {
    %c0_i32 = arith.constant 0 : i32
    %c0_i32_0 = arith.constant 0 : i32
    %c0_i32_1 = arith.constant 0 : i32
    return %c0_i32, %c0_i32_0 : i32, i32
  }
  func.func @transform_2(%arg0: i32) -> (i32, i32) {
    %c0_i32 = arith.constant 0 : i32
    %c0_i32_0 = arith.constant 0 : i32
    %c0_i32_1 = arith.constant 0 : i32
    return %c0_i32, %c0_i32_0 : i32, i32
  }
  func.func @transform_3(%arg0: i32) -> (i32, i32) {
    %c0_i32 = arith.constant 0 : i32
    %c0_i32_0 = arith.constant 0 : i32
    %c0_i32_1 = arith.constant 0 : i32
    return %c0_i32, %c0_i32_0 : i32, i32
  }
  func.func @transform_4(%arg0: i32) -> (i32, i32) {
    %c0_i32 = arith.constant 0 : i32
    %c0_i32_0 = arith.constant 0 : i32
    %c0_i32_1 = arith.constant 0 : i32
    return %c0_i32, %c0_i32_0 : i32, i32
  }
  func.func @transform_5(%arg0: i32) -> (i32, i32) {
    %c0_i32 = arith.constant 0 : i32
    %c0_i32_0 = arith.constant 0 : i32
    return %arg0, %c0_i32 : i32, i32
  }
  func.func @transform_6(%arg0: i32) -> (i32, i32) {
    %c0_i32 = arith.constant 0 : i32
    %c0_i32_0 = arith.constant 0 : i32
    return %arg0, %c0_i32 : i32, i32
  }
}

module attributes {stable_mosaic.version = 14 : i64} {
  func.func @_scale_body(%arg0: i32, %arg1: memref<2x1000x128xf32, #tpu.memory_space<vmem>>, %arg2: memref<1000x128xf32, #tpu.memory_space<vmem>>, %arg3: memref<1000x128xf32, #tpu.memory_space<vmem>>, %arg4: memref<2x1000x128xf32, #tpu.memory_space<vmem>>) attributes {dimension_semantics = [#tpu.dimension_semantics<arbitrary>], iteration_bounds = array<i64: 10>, scalar_prefetch = 0 : i64, scratch_operands = 0 : i64, tpu.core_type = #tpu.core_type<tc>, window_params = [{transform_indices = @transform_0, window_bounds = array<i64: 2, 1000, 128>}, {transform_indices = @transform_1, window_bounds = array<i64: 1000, 128>}, {transform_indices = @transform_2, window_bounds = array<i64: 1000, 128>}, {transform_indices = @transform_3, window_bounds = array<i64: 2, 1000, 128>}]} {
    %get3A = arith.constant 0 : index
    %get3A_0 = arith.constant 0 : index
    %get3A_1 = arith.constant 0 : index
    %get3A_2 = vector.load %arg1[%get3A, %get3A_0, %get3A_1] : memref<2x1000x128xf32, #tpu.memory_space<vmem>>, vector<1x1000x1xf32>
    %get3A_3 = vector.shape_cast %get3A_2 : vector<1x1000x1xf32> to vector<1000xf32>
    %get3A_4 = arith.constant 1 : index
    %get3A_5 = arith.constant 0 : index
    %get3A_6 = arith.constant 0 : index
    %get3A_7 = vector.load %arg1[%get3A_4, %get3A_5, %get3A_6] : memref<2x1000x128xf32, #tpu.memory_space<vmem>>, vector<1x1000x1xf32>
    %get3A_8 = vector.shape_cast %get3A_7 : vector<1x1000x1xf32> to vector<1000xf32>
    %add3A = arith.addf %get3A_3, %get3A_8 : vector<1000xf32>
    %add3A_9 = arith.constant 1.000000e+00 : f32
    %add3A_10 = vector.broadcast %add3A_9 : f32 to vector<1000xf32>
    %add3A_11 = arith.addf %add3A, %add3A_10 : vector<1000xf32>
    %sqrt3A = math.sqrt %add3A_11 : vector<1000xf32>
    %div3A = arith.constant 1.000000e+00 : f32
    %div3A_12 = vector.broadcast %div3A : f32 to vector<1000xf32>
    %div3A_13 = arith.divf %div3A_12, %sqrt3A : vector<1000xf32>
    %broadcast_in_dim3A = vector.shape_cast %div3A_13 : vector<1000xf32> to vector<1000x1xf32>
    %get3A_14 = arith.constant 0 : index
    %get3A_15 = arith.constant 0 : index
    %get3A_16 = vector.load %arg2[%get3A_14, %get3A_15] : memref<1000x128xf32, #tpu.memory_space<vmem>>, vector<1000x128xf32>
    %mul3A = vector.broadcast %broadcast_in_dim3A : vector<1000x1xf32> to vector<1000x128xf32>
    %mul3A_17 = arith.mulf %mul3A, %get3A_16 : vector<1000x128xf32>
    %swap3A = arith.constant 0 : index
    %swap3A_18 = arith.constant 0 : index
    %swap3A_19 = arith.constant 0 : index
    %swap3A_20 = vector.load %arg4[%swap3A, %swap3A_18, %swap3A_19] : memref<2x1000x128xf32, #tpu.memory_space<vmem>>, vector<1x1000x128xf32>
    %swap3A_21 = vector.shape_cast %swap3A_20 : vector<1x1000x128xf32> to vector<1000x128xf32>
    %swap3A_22 = vector.shape_cast %mul3A_17 : vector<1000x128xf32> to vector<1x1000x128xf32>
    tpu.vector_store %arg4[%swap3A, %swap3A_18, %swap3A_19], %swap3A_22 {strides = array<i32>} : memref<2x1000x128xf32, #tpu.memory_space<vmem>>, vector<1x1000x128xf32>,
    %get3A_23 = arith.constant 0 : index
    %get3A_24 = arith.constant 0 : index
    %get3A_25 = vector.load %arg3[%get3A_23, %get3A_24] : memref<1000x128xf32, #tpu.memory_space<vmem>>, vector<1000x128xf32>
    %mul3A_26 = vector.broadcast %broadcast_in_dim3A : vector<1000x1xf32> to vector<1000x128xf32>
    %mul3A_27 = arith.mulf %mul3A_26, %get3A_25 : vector<1000x128xf32>
    %swap3A_28 = arith.constant 1 : index
    %swap3A_29 = arith.constant 0 : index
    %swap3A_30 = arith.constant 0 : index
    %swap3A_31 = vector.load %arg4[%swap3A_28, %swap3A_29, %swap3A_30] : memref<2x1000x128xf32, #tpu.memory_space<vmem>>, vector<1x1000x128xf32>
    %swap3A_32 = vector.shape_cast %swap3A_31 : vector<1x1000x128xf32> to vector<1000x128xf32>
    %swap3A_33 = vector.shape_cast %mul3A_27 : vector<1000x128xf32> to vector<1x1000x128xf32>
    tpu.vector_store %arg4[%swap3A_28, %swap3A_29, %swap3A_30], %swap3A_33 {strides = array<i32>} : memref<2x1000x128xf32, #tpu.memory_space<vmem>>, vector<1x1000x128xf32>,
    return
  }
  func.func @transform_0(%arg0: i32) -> (i32, i32, i32) {
    %c0_i32 = arith.constant 0 : i32
    %c0_i32_0 = arith.constant 0 : i32
    %c0_i32_1 = arith.constant 0 : i32
    return %c0_i32, %arg0, %c0_i32_0 : i32, i32, i32
  }
  func.func @transform_1(%arg0: i32) -> (i32, i32) {
    %c0_i32 = arith.constant 0 : i32
    %c0_i32_0 = arith.constant 0 : i32
    return %arg0, %c0_i32 : i32, i32
  }
  func.func @transform_2(%arg0: i32) -> (i32, i32) {
    %c0_i32 = arith.constant 0 : i32
    %c0_i32_0 = arith.constant 0 : i32
    return %arg0, %c0_i32 : i32, i32
  }
  func.func @transform_3(%arg0: i32) -> (i32, i32, i32) {
    %c0_i32 = arith.constant 0 : i32
    %c0_i32_0 = arith.constant 0 : i32
    %c0_i32_1 = arith.constant 0 : i32
    return %c0_i32, %arg0, %c0_i32_0 : i32, i32, i32
  }
}

module attributes {stable_mosaic.version = 14 : i64} {
  func.func @_final_body(%arg0: i32, %arg1: memref<2x1000x128xf32, #tpu.memory_space<vmem>>, %arg2: memref<2x1000x128xf32, #tpu.memory_space<vmem>>, %arg3: memref<2x1000x128xf32, #tpu.memory_space<vmem>>, %arg4: memref<1000x128xf32, #tpu.memory_space<vmem>>, %arg5: memref<1000x128xf32, #tpu.memory_space<vmem>>) attributes {dimension_semantics = [#tpu.dimension_semantics<arbitrary>], iteration_bounds = array<i64: 10>, scalar_prefetch = 0 : i64, scratch_operands = 0 : i64, tpu.core_type = #tpu.core_type<tc>, window_params = [{transform_indices = @transform_0, window_bounds = array<i64: 2, 1000, 128>}, {transform_indices = @transform_1, window_bounds = array<i64: 2, 1000, 128>}, {transform_indices = @transform_2, window_bounds = array<i64: 2, 1000, 128>}, {transform_indices = @transform_3, window_bounds = array<i64: 1000, 128>}, {transform_indices = @transform_4, window_bounds = array<i64: 1000, 128>}]} {
    %get3A = arith.constant 0 : index
    %get3A_0 = arith.constant 0 : index
    %get3A_1 = arith.constant 0 : index
    %get3A_2 = vector.load %arg1[%get3A, %get3A_0, %get3A_1] : memref<2x1000x128xf32, #tpu.memory_space<vmem>>, vector<1x1000x1xf32>
    %get3A_3 = vector.shape_cast %get3A_2 : vector<1x1000x1xf32> to vector<1000xf32>
    %get3A_4 = arith.constant 1 : index
    %get3A_5 = arith.constant 0 : index
    %get3A_6 = arith.constant 0 : index
    %get3A_7 = vector.load %arg1[%get3A_4, %get3A_5, %get3A_6] : memref<2x1000x128xf32, #tpu.memory_space<vmem>>, vector<1x1000x1xf32>
    %get3A_8 = vector.shape_cast %get3A_7 : vector<1x1000x1xf32> to vector<1000xf32>
    %add3A = arith.addf %get3A_3, %get3A_8 : vector<1000xf32>
    %add3A_9 = arith.constant 1.000000e+00 : f32
    %add3A_10 = vector.broadcast %add3A_9 : f32 to vector<1000xf32>
    %add3A_11 = arith.addf %add3A, %add3A_10 : vector<1000xf32>
    %sqrt3A = math.sqrt %add3A_11 : vector<1000xf32>
    %div3A = arith.constant 1.000000e+00 : f32
    %div3A_12 = vector.broadcast %div3A : f32 to vector<1000xf32>
    %div3A_13 = arith.divf %div3A_12, %sqrt3A : vector<1000xf32>
    %broadcast_in_dim3A = vector.shape_cast %div3A_13 : vector<1000xf32> to vector<1000x1xf32>
    %get3A_14 = arith.constant 0 : index
    %get3A_15 = arith.constant 0 : index
    %get3A_16 = arith.constant 0 : index
    %get3A_17 = vector.load %arg2[%get3A_14, %get3A_15, %get3A_16] : memref<2x1000x128xf32, #tpu.memory_space<vmem>>, vector<1x1000x128xf32>
    %get3A_18 = vector.shape_cast %get3A_17 : vector<1x1000x128xf32> to vector<1000x128xf32>
    %get3A_19 = arith.constant 0 : index
    %get3A_20 = arith.constant 0 : index
    %get3A_21 = arith.constant 0 : index
    %get3A_22 = vector.load %arg3[%get3A_19, %get3A_20, %get3A_21] : memref<2x1000x128xf32, #tpu.memory_space<vmem>>, vector<1x1000x128xf32>
    %get3A_23 = vector.shape_cast %get3A_22 : vector<1x1000x128xf32> to vector<1000x128xf32>
    %add3A_24 = arith.addf %get3A_18, %get3A_23 : vector<1000x128xf32>
    %mul3A = vector.broadcast %broadcast_in_dim3A : vector<1000x1xf32> to vector<1000x128xf32>
    %mul3A_25 = arith.mulf %mul3A, %add3A_24 : vector<1000x128xf32>
    %swap3A = arith.constant 0 : index
    %swap3A_26 = arith.constant 0 : index
    %swap3A_27 = vector.load %arg4[%swap3A, %swap3A_26] : memref<1000x128xf32, #tpu.memory_space<vmem>>, vector<1000x128xf32>
    tpu.vector_store %arg4[%swap3A, %swap3A_26], %mul3A_25 {strides = array<i32>} : memref<1000x128xf32, #tpu.memory_space<vmem>>, vector<1000x128xf32>,
    %get3A_28 = arith.constant 1 : index
    %get3A_29 = arith.constant 0 : index
    %get3A_30 = arith.constant 0 : index
    %get3A_31 = vector.load %arg2[%get3A_28, %get3A_29, %get3A_30] : memref<2x1000x128xf32, #tpu.memory_space<vmem>>, vector<1x1000x128xf32>
    %get3A_32 = vector.shape_cast %get3A_31 : vector<1x1000x128xf32> to vector<1000x128xf32>
    %get3A_33 = arith.constant 1 : index
    %get3A_34 = arith.constant 0 : index
    %get3A_35 = arith.constant 0 : index
    %get3A_36 = vector.load %arg3[%get3A_33, %get3A_34, %get3A_35] : memref<2x1000x128xf32, #tpu.memory_space<vmem>>, vector<1x1000x128xf32>
    %get3A_37 = vector.shape_cast %get3A_36 : vector<1x1000x128xf32> to vector<1000x128xf32>
    %add3A_38 = arith.addf %get3A_32, %get3A_37 : vector<1000x128xf32>
    %mul3A_39 = vector.broadcast %broadcast_in_dim3A : vector<1000x1xf32> to vector<1000x128xf32>
    %mul3A_40 = arith.mulf %mul3A_39, %add3A_38 : vector<1000x128xf32>
    %swap3A_41 = arith.constant 0 : index
    %swap3A_42 = arith.constant 0 : index
    %swap3A_43 = vector.load %arg5[%swap3A_41, %swap3A_42] : memref<1000x128xf32, #tpu.memory_space<vmem>>, vector<1000x128xf32>
    tpu.vector_store %arg5[%swap3A_41, %swap3A_42], %mul3A_40 {strides = array<i32>} : memref<1000x128xf32, #tpu.memory_space<vmem>>, vector<1000x128xf32>,
    return
  }
  func.func @transform_0(%arg0: i32) -> (i32, i32, i32) {
    %c0_i32 = arith.constant 0 : i32
    %c0_i32_0 = arith.constant 0 : i32
    %c0_i32_1 = arith.constant 0 : i32
    return %c0_i32, %arg0, %c0_i32_0 : i32, i32, i32
  }
  func.func @transform_1(%arg0: i32) -> (i32, i32, i32) {
    %c0_i32 = arith.constant 0 : i32
    %c0_i32_0 = arith.constant 0 : i32
    %c0_i32_1 = arith.constant 0 : i32
    return %c0_i32, %arg0, %c0_i32_0 : i32, i32, i32
  }
  func.func @transform_2(%arg0: i32) -> (i32, i32, i32) {
    %c0_i32 = arith.constant 0 : i32
    %c0_i32_0 = arith.constant 0 : i32
    %c0_i32_1 = arith.constant 0 : i32
    return %c0_i32, %arg0, %c0_i32_0 : i32, i32, i32
  }
  func.func @transform_3(%arg0: i32) -> (i32, i32) {
    %c0_i32 = arith.constant 0 : i32
    %c0_i32_0 = arith.constant 0 : i32
    return %arg0, %c0_i32 : i32, i32
  }
  func.func @transform_4(%arg0: i32) -> (i32, i32) {
    %c0_i32 = arith.constant 0 : i32
    %c0_i32_0 = arith.constant 0 : i32
    return %arg0, %c0_i32 : i32, i32
  }
}

</mosaic_0001>

<sc_bundles>
// kernel: kernel.10.cloned.1.call-start
scs
__scs_entry_jumppad:
0x0: {  	(pc) =	sbr.rel $0x88, $3  }
0x1: {  	(tag) =	ssettag $0x0;
	lr =	simm.s32 $0x1  }
0x2: {  	[smem:$0x3F9B] =	sst lr;
	_ =	strace $0xD0000000  }
0x3: {  	_ = 	snop  }
0x4: {  	_ = 	snop  }
0x5: {  	_ = 	snop  }
0x6: {  	_ = 	snop  }
0x7: {  	_ = 	snop  }
__scs_overlays_trampoline_lowered:
0x8: {  	[smem:$0x3FAA] =	sst s0  }
0x9: {  	[smem:$0x3FAB] =	sst s1  }
0xa: {  	[smem:$0x3FAC] =	sst s2  }
0xb: {  	[smem:$0x3FAD] =	sst s3  }
0xc: {  	[smem:$0x3FAE] =	sst s4  }
0xd: {  	[smem:$0x3FAF] =	sst s5  }
0xe: {  	[smem:$0x3FB0] =	sst s6  }
0xf: {  	[smem:$0x3FB1] =	sst s7  }
0x10: {  	[smem:$0x3FB2] =	sst s8  }
0x11: {  	[smem:$0x3FB3] =	sst s9;
	s0 =	simm.s32 @!p0 $0x0  }
0x12: {  	s1 =	sld [smem:$0x3F99];
	s0 =	simm.s32 @p0 $0x1  }
0x13: {  	[smem:$0x3FB4] =	sst s0;
	s0 =	simm.s32 @!p1 $0x0  }
0x14: {  	s2 =	sld [smem:$0x3F98];
	s0 =	simm.s32 @p1 $0x1  }
0x15: {  	[smem:$0x3FB5] =	sst s0;
	s0 =	simm.s32 @!p2 $0x0  }
0x16: {  	s3 =	sld [smem:$0x3FDB];
	s0 =	simm.s32 @p2 $0x1  }
0x17: {  	s4 =	simm.s32 $0x1BF5;
	[smem:$0x3FB7] =	sst s0  }
0x18: {  	s0 =	sld [smem:$0x3F9A];
	_ =	swait.ge [sflag:s4], $0x0  }
0x19: {  	s7 =	sld [smem:$0x3F9B]  }
0x1a: {  	s8 =	sadd.s32 $0xFFFFE003, lr  }
0x1b: {  	s9 =	sadd.s32 $0xFFFFFEF7, lr;
	s5 =	simm.s32 $0xFFFFFFFF;
	p2 =	slt.u32 s8, $0xFFFFF086  }
0x1c: {  	p1 =	slt.u32 s9, $0xF7A;
	s5 =	simm.s32 @!p2 $0x0  }
0x1d: {  	s5 =	simm.s32 @p1 $0x1;
	p0 =	seq.s32 s7, s2  }
0x1e: {  	s7 =	smul.u32 @!p0 $0xF7A, s2;
	p2 =	seq.s32 @!p0 s5, $0x0  }
0x1f: {  	s9 =	smul.u32 $0xF7A, s1;
	s8 =	simm.s32 @!p0 $0x1BF5;
	p2 =	por !p2, p0  }
0x20: {  	[sflag:s8] =	ssyncset.s32 @!p0 $0xFFFFF086;
	s6 =	sadd.s32 @!p0 s3, s7;
	s7 =	simm.s32 @!p0 $0x108  }
0x21: {  	s3 =	sadd.s32 s3, s9;
	s6 =	sadd.s32 @!p0 $0x88, s6;
	s7 =	simm.s32 @p2 $0x1082  }
0x22: {  	[simem:s7], [sflag:s8] =	dma.local @!p0 [hbm:s6], $0xF7A  }
0x23: {  	s9 =	sor.u32 $0xD0000000, s2;
	s6 =	simm.s32 $0x108;
	_ =	swait.ge @!p0 [sflag:s8], $0x0  }
0x24: {  	s3 =	sadd.s32 $0x88, s3;
	s6 =	simm.s32 @!p1 $0x1082;
	[sflag:s4] =	ssyncset.s32 $0xFFFFF086  }
0x25: {  	[simem:s6], [sflag:s4] =	dma.local [hbm:s3], $0xF7A  }
0x26: {  	[smem:$0x3F9B] =	sst s1;
	(tag) =	ssettag s2;
	_ =	strace s9  }
0x27: {  	s1 =	sld [smem:$0x3FAB]  }
0x28: {  	s2 =	sld [smem:$0x3FAC]  }
0x29: {  	s4 =	sld [smem:$0x3FAE]  }
0x2a: {  	p0 =	seq.s32 s5, $0x0;
	s5 =	sld [smem:$0x3FAF]  }
0x2b: {  	s6 =	sld [smem:$0x3FB0]  }
0x2c: {  	s7 =	sld [smem:$0x3FB1]  }
0x2d: {  	s3 =	simm.s32 $0x108;
	s8 =	sld [smem:$0x3FB2]  }
0x2e: {  	s3 =	simm.s32 @!p0 $0x1082;
	s9 =	sld [smem:$0x3FB3]  }
0x2f: {  	lr =	sadd.s32 s0, s3;
	s0 =	sld [smem:$0x3FAA]  }
0x30: {  	s3 =	sld [smem:$0x3FAD]  }
0x31: {  	[smem:$0x3FB6] =	sst s10  }
0x32: {  	s10 =	sld [smem:$0x3FB4];
	_ =	sdelay $0x3  }
0x33: {  	p0 =	seq.s32 s10, $0x1;
	s10 =	sld [smem:$0x3FB6];
	_ =	sdelay $0x3  }
0x34: {  	[smem:$0x3FB6] =	sst s10  }
0x35: {  	s10 =	sld [smem:$0x3FB5];
	_ =	sdelay $0x3  }
0x36: {  	p1 =	seq.s32 s10, $0x1;
	s10 =	sld [smem:$0x3FB6];
	_ =	sdelay $0x3  }
0x37: {  	[smem:$0x3FB6] =	sst s10  }
0x38: {  	s10 =	sld [smem:$0x3FB7]  }
0x39: {  	_ = 	snop;
	(pc) =	sbr.ind lr, $3  }
0x3a: {  	_ = 	snop  }
0x3b: {  	_ = 	snop  }
0x3c: {  	p2 =	seq.s32 s10, $0x1;
	s10 =	sld [smem:$0x3FB6]  }
0x3d: {  	_ =	shalt  }
0x3e: {  	_ =	shalt  }
0x3f: {  	_ =	shalt  }
0x40: {  	_ =	shalt  }
0x41: {  	_ =	shalt  }
0x42: {  	_ =	shalt  }
0x43: {  	_ =	shalt  }
0x44: {  	_ =	shalt  }
0x45: {  	_ =	shalt  }
0x46: {  	_ =	shalt  }
0x47: {  	_ =	shalt  }
0x48: {  	_ =	shalt  }
0x49: {  	_ =	shalt  }
0x4a: {  	_ =	shalt  }
0x4b: {  	_ =	shalt  }
0x4c: {  	_ =	shalt  }
0x4d: {  	_ =	shalt  }
0x4e: {  	_ =	shalt  }
0x4f: {  	_ =	shalt  }
0x50: {  	_ =	shalt  }
0x51: {  	_ =	shalt  }
0x52: {  	_ =	shalt  }
0x53: {  	_ =	shalt  }
0x54: {  	_ =	shalt  }
0x55: {  	_ =	shalt  }
0x56: {  	_ =	shalt  }
0x57: {  	_ =	shalt  }
0x58: {  	_ =	shalt  }
0x59: {  	_ =	shalt  }
0x5a: {  	_ =	shalt  }
0x5b: {  	_ =	shalt  }
0x5c: {  	_ =	shalt  }
0x5d: {  	_ =	shalt  }
0x5e: {  	_ =	shalt  }
0x5f: {  	_ =	shalt  }
0x60: {  	_ =	shalt  }
0x61: {  	_ =	shalt  }
0x62: {  	_ =	shalt  }
0x63: {  	_ =	shalt  }
0x64: {  	_ =	shalt  }
0x65: {  	_ =	shalt  }
0x66: {  	_ =	shalt  }
0x67: {  	_ =	shalt  }
0x68: {  	_ =	shalt  }
0x69: {  	_ =	shalt  }
0x6a: {  	_ =	shalt  }
0x6b: {  	_ =	shalt  }
0x6c: {  	_ =	shalt  }
0x6d: {  	_ =	shalt  }
0x6e: {  	_ =	shalt  }
0x6f: {  	_ =	shalt  }
0x70: {  	_ =	shalt  }
0x71: {  	_ =	shalt  }
0x72: {  	_ =	shalt  }
0x73: {  	_ =	shalt  }
0x74: {  	_ =	shalt  }
0x75: {  	_ =	shalt  }
0x76: {  	_ =	shalt  }
0x77: {  	_ =	shalt  }
0x78: {  	_ =	shalt  }
0x79: {  	_ =	shalt  }
0x7a: {  	_ =	shalt  }
0x7b: {  	_ =	shalt  }
0x7c: {  	_ =	shalt  }
0x7d: {  	_ =	shalt  }
0x7e: {  	_ =	shalt  }
0x7f: {  	_ =	shalt  }
0x80: {  	_ =	shalt  }
0x81: {  	_ =	shalt  }
0x82: {  	_ =	shalt  }
0x83: {  	_ =	shalt  }
0x84: {  	_ =	shalt  }
0x85: {  	_ =	shalt  }
0x86: {  	_ =	shalt  }
0x87: {  	_ =	shalt  }
.Lfunc_end0:
.L_simem_size_0:
called_computation.1_lowered:
.L_overlay_start_0:
0x88: {  	s2 =	sld [smem:$0x3FD9]  }
0x89: {  	s3 =	sld [smem:$0x3FFE];
	_ =	sdelay $0x1  }
0x8a: {  	s1 =	srdreg.scid  }
0x8b: {  	s0 =	sand.u32 $0x1, s1  }
0x8c: {  	s14 =	sshll.u32 s0, $0xA;
	s2 =	sadd.s32 s3, s2  }
0x8d: {  	s2 =	sadd.s32 s2, s14  }
0x8e: {  	[smem:$0x3FC2] =	sst s2  }
0x8f: {  	_ = 	snop  }
0x90: {  	s2 =	sld [smem:$0x3FD0];
	_ =	sdelay $0x2  }
0x91: {  	s15 =	simm.s32 $0xA;
	s4 =	simm.s32 $0x10  }
0x92: {  	[smem:s4], [sflag:s15] =	dma.local [hbm:s2], $0x1  }
0x93: {  	_ =	swait.eq [sflag:s15], $0x1  }
0x94: {  	[sflag:s15] =	ssyncset.done $0x0  }
0x95: {  	s16 =	sld [smem:$0x10];
	[sflag:s15] =	ssyncadd.s32 $0xFFFFFFFF  }
0x96: {  	s17 =	sld [smem:$0x11];
	(tm) =	ssettm $0x1  }
0x97: {  	s18 =	sld [smem:$0x3FFB];
	_ =	sdelay $0x3  }
0x98: {  	_ =	strace s18  }
0x99: {  	s4 =	sld [smem:$0x3FFC];
	_ =	sdelay $0x3  }
0x9a: {  	_ =	strace s4  }
0x9b: {  	s4 =	sld [smem:$0x3FFD];
	_ =	sdelay $0x3  }
0x9c: {  	_ =	strace s4  }
0x9d: {  	_ =	strace $0x8FFFFFFF  }
0x9e: {  	s19 =	sld [smem:$0x3FDB];
	_ =	sdelay $0x1  }
0x9f: {  	s5 =	simm.s32 $_scs_section_size  }
0xa0: {  	s6 =	simm.s32 $_size__tile_overlayer_lowered;
	s7 =	simm.s32 $_tile_overlayer_lowered  }
0xa1: {  	s22 =	simm.s32 $0x1BFF;
	s21 =	sshll.u32 s7, $0x1;
	s4 =	sadd.s32 s5, s19  }
0xa2: {  	s8 =	simm.s32 $0x0;
	s20 =	sshll.u32 s6, $0x1;
	s6 =	sadd.s32 s21, s4  }
0xa3: {  	[timem:s8], [sflag:s22] =	dma.local [hbm:s6], s20  }
0xa4: {  	_ =	swait.ge [sflag:s22], s20  }
0xa5: {  	s5 =	ssub.s32 $0x0, s20;
	[sflag:s22] =	ssyncset.done $0x0  }
0xa6: {  	[sflag:s22] =	ssyncadd.s32 s5;
	_ =	sdelay $0x1  }
0xa7: {  	s23 =	simm.s32 $0x1B8B  }
0xa8: {  	_ =	swait.ge [sflag:s23], $0x1  }
0xa9: {  	[sflag:s23] =	ssyncset.done $0x0  }
0xaa: {  	s25 =	simm.s32 $0x1B8E;
	s24 =	sld [smem:$0x3FFE];
	[sflag:s23] =	ssyncadd.s32 $0xFFFFFFFF  }
0xab: {  	s26 =	simm.s32 $execute0_lowered;
	[smem:$0x3FD2] =	sst s25  }
0xac: {  	s6 =	sshll.u32 s26, $0x1;
	_ =	strace $0x80000049;
	[dreg:$0x1] =	wrdreg $0xFFFFFFFF  }
0xad: {  	s28 =	simm.s32 $_size_execute0_lowered;
	s4 =	sadd.s32 s4, s6;
	[dreg:$0x0] =	wrdreg $0x0  }
0xae: {  	s6 =	sshll.u32 s28, $0x1;
	[dreg:$0x2] =	wrdreg s4  }
0xaf: {  	[dreg:$0x3] =	wrdreg s6  }
0xb0: {  	[dreg:$0x4] =	wrdreg $0xC0  }
0xb1: {  	_ =	task [dreg:s8], $0x5FFFF  }
0xb2: {  	[dreg:$0x1] =	wrdreg $0xFFFFFFFF  }
0xb3: {  	[dreg:$0x0] =	wrdreg $0x60  }
0xb4: {  	[dreg:$0x2] =	wrdreg s17  }
0xb5: {  	[dreg:$0x3] =	wrdreg s16  }
0xb6: {  	[dreg:$0x4] =	wrdreg s24  }
0xb7: {  	[dreg:$0x5] =	wrdreg $0xC0000  }
0xb8: {  	[dreg:$0x6] =	wrdreg $0x9  }
0xb9: {  	_ =	task.clear_ibuf [dreg:s8], $0x7FFFF;
	_ =	strace $0x90000049  }
0xba: {  	s29 =	simm.s32 $0x9;
	_ =	strace $0x8000004B  }
0xbb: {  	_ =	swait.ge [sflag:s29], $0x1  }
0xbc: {  	[sflag:s29] =	ssyncadd.s32 $0xFFFFFFFF  }
0xbd: {  	_ =	strace $0x9000004B  }
0xbe: {  	_ =	sfence  }
0xbf: {  	s30 =	sld [smem:$0x0];
	_ =	sdelay $0x2  }
0xc0: {  	s31 =	sshll.u32 s1, $0xD;
	s1 =	sshrl.u32 s1, $0x2  }
0xc1: {  	s3 =	sand.u32 $0x4000, s31;
	s1 =	sadd.s32 s1, s30  }
0xc2: {  	s0 =	sor.u32 s3, s0;
	s1 =	sshll.u32 s1, $0x11  }
0xc3: {  	s0 =	sor.u32 s1, s0  }
0xc4: {  	s0 =	sadd.s32 $0x8F2B, s0  }
0xc5: {  	[sflag:s0] =	ssyncadd.remote.s32 $0x1  }
0xc6: {  	_ =	sfence.sel $0xFFFF  }
0xc7: {  	[dreg:$0x0] =	wrdreg $0xFFFFFFFF;
	(pc) =	sbr.abs _section_cstart, $3  }
0xc8: {  	[dreg:$0x1] =	wrdreg $0xFFFFFFFF  }
0xc9: {  	_ =	task.clear_ibuf [dreg:s8], $0x2FFFF;
	_ =	strace $0x9FFFFFFF  }
0xca: {  	(tm) =	ssettm $0x7FFFFFFF  }
0xcb: {  	_ =	shalt  }
tec
execute0_lowered:
.L_overlay_start_1:
0x0: {  	(tag) =	ssettag $0x1  }
0x1: {  	s0 =	rddreg [dreg:$0x0]  }
0x2: {  	s2 =	rddreg [dreg:$0x1]  }
0x3: {  	s5 =	rddreg [dreg:$0x2]  }
0x4: {  	s1 =	rddreg [dreg:$0x3];
	s4 =	srdreg.scid;
	s3 =	simm.s32 $0x0  }
0x5: {  	s20 =	stileid.u32;
	s28 =	simm.s32 $0x6;
	s29 =	simm.s32 $0x4  }
0x6: {  	s30 =	simm.s32 $0xF80;
	s31 =	simm.s32 $0x2F00;
	s8 =	smul.u32 $0xFFFFFF60, s20  }
0x7: {  	s6 =	sand.u32 $0x1, s4;
	[smem:$0x7FF] =	sst s3;
	s11 =	smul.u32 $0x5000, s20  }
0x8: {  	s12 =	sadd.s32 $0x9F600, s5;
	s13 =	sor.u32 $0x40, s20;
	s15 =	sor.u32 $0x50, s20  }
0x9: {  	s18 =	sor.u32 $0x60, s20;
	s4 =	sshll.u32 s6, $0x4;
	_ =	strace $0x8000004A  }
0xa: {  	s9 =	ssub.s32 $0x2, s6;
	s6 =	smul.u32 $0x7D, s6;
	s7 =	sor.u32 s20, s4  }
0xb: {  	s4 =	sadd.s32 $0x51400, s5;
	s10 =	sshrl.u32 s9, $0x1;
	p0 =	slt.s32 s8, $0xFFFFF6DC  }
0xc: {  	s19 =	sshrl.u32 s11, $0x3;
	s5 =	sadd.s32 $0x2400, s5;
	s7 =	smul.u32 $0x5000, s7  }
0xd: {  	s9 =	ssub.s32 s9, s10;
	s8 =	simm.s32 @!p0 $0xFFFFF6DC;
	s23 =	sadd.s32 s2, s19  }
0xe: {  	s2 =	sor.u32 $0x20, s20;
	s21 =	sadd.s32 s6, s20;
	s17 =	sadd.s32 s6, s13  }
0xf: {  	s10 =	sor.u32 $0x30, s20;
	s25 =	sadd.s32 s6, s18;
	s17 =	smul.u32 $0x500, s17  }
0x10: {  	s19 =	sadd.s32 s6, s15;
	[dreg:$0xf] =	wrdreg s5;
	s26 =	smul.u32 $0x500, s25  }
0x11: {  	s8 =	sadd.s32 $0x9C4, s8;
	s14 =	sadd.s32 s6, s2;
	s2 =	smul.u32 $0xA000, s2  }
0x12: {  	s16 =	sadd.s32 s6, s10;
	[dreg:$0x6] =	wrdreg s23;
	s14 =	smul.u32 $0x500, s14  }
0x13: {  	s7 =	sshrl.u32 s7, $0x3;
	s16 =	smul.u32 $0x500, s16;
	p0 =	slt.u32 s8, $0x81  }
0x14: {  	s22 =	sadd.s32 s0, s7;
	s0 =	sor.u32 $0x10, s20;
	s7 =	smul.u32 $0x500, s21  }
0x15: {  	s21 =	sor.u32 $0x70, s20;
	s25 =	sadd.s32 s12, s26;
	s26 =	smin.u32 s8, $0x80  }
0x16: {  	s2 =	sshrl.u32 s2, $0x2;
	s24 =	sadd.s32 s6, s0;
	s0 =	smul.u32 $0xA000, s0  }
0x17: {  	s6 =	sadd.s32 s6, s21;
	p1 =	sgt.u32 s21, $0x7C;
	s21 =	smul.u32 $0xA000, s21  }
0x18: {  	s14 =	sadd.s32 s12, s14;
	[dreg:$0xd] =	wrdreg s25;
	s11 =	smul.u32 $0x500, s24  }
0x19: {  	[dreg:$0x5] =	wrdreg s22;
	s7 =	sadd.s32 s12, s7;
	s6 =	smul.u32 $0x500, s6  }
0x1a: {  	[dreg:$0x9] =	wrdreg s14;
	s24 =	sadd.s32 s12, s17;
	s14 =	smul.u32 $0xA000, s13  }
0x1b: {  	s13 =	sadd.s32 $0x200, s23;
	[dreg:$0x7] =	wrdreg s7;
	s7 =	smul.u32 $0x500, s19  }
0x1c: {  	s19 =	sadd.s32 s12, s16;
	[dreg:$0xb] =	wrdreg s24;
	s16 =	sadd.s32 $0xFFFFFFA0, s26  }
0x1d: {  	s0 =	sshrl.u32 s0, $0x2;
	s26 =	sadd.s32 s2, s1;
	[dreg:$0x16] =	wrdreg s13  }
0x1e: {  	s13 =	simm.s32 $0x5;
	s2 =	simm.s32 $0x2;
	s11 =	sadd.s32 s12, s11  }
0x1f: {  	[dreg:$0xa] =	wrdreg s19;
	s6 =	sadd.s32 s12, s6;
	s25 =	sadd.s32 s0, s1  }
0x20: {  	s19 =	smul.u32 $0xA000, s15;
	s15 =	sadd.s32 $0x400, s23;
	[dreg:$0x8] =	wrdreg s11  }
0x21: {  	s7 =	sadd.s32 s12, s7;
	[dreg:$0xe] =	wrdreg s6;
	s11 =	smax.u32 s9, $0x1  }
0x22: {  	s12 =	smul.u32 $0xA000, s10;
	[dreg:$0x18] =	wrdreg s15;
	s15 =	simm.s32 $0x80  }
0x23: {  	[dreg:$0xc] =	wrdreg s7;
	s7 =	smax.u32 s8, $0x80;
	s8 =	smul.u32 $0xA000, s20  }
0x24: {  	[dreg:$0x10] =	wrdreg s11;
	s20 =	smul.u32 $0xA000, s18;
	s0 =	sshrl.u32 s19, $0x2  }
0x25: {  	s11 =	sshrl.u32 s21, $0x2;
	s18 =	sadd.s32 $0x600, s22;
	s21 =	sadd.s32 $0x600, s23  }
0x26: {  	s23 =	sadd.s32 $0x800, s23;
	s17 =	sadd.s32 $0xFFFFFF80, s7;
	s5 =	sshrl.u32 s12, $0x2  }
0x27: {  	s7 =	sshrl.u32 s14, $0x2;
	s12 =	sadd.s32 $0x200, s22;
	[dreg:$0x19] =	wrdreg s18  }
0x28: {  	s14 =	sadd.s32 $0x400, s22;
	[dreg:$0x1a] =	wrdreg s21;
	s22 =	sadd.s32 $0x800, s22  }
0x29: {  	[dreg:$0x1c] =	wrdreg s23;
	s21 =	simm.s32 $0x2000;
	s23 =	simm.s32 $0x3000  }
0x2a: {  	s18 =	simm.s32 $0x8000;
	s6 =	sshrl.u32 s8, $0x2;
	[dreg:$0x15] =	wrdreg s12  }
0x2b: {  	s10 =	sadd.s32 s5, s1;
	s24 =	sadd.s32 s7, s1;
	[dreg:$0x17] =	wrdreg s14  }
0x2c: {  	s7 =	sshrl.u32 s20, $0x2;
	s8 =	sadd.s32 s0, s1;
	[dreg:$0x1b] =	wrdreg s22  }
0x2d: {  	s20 =	sadd.s32 s11, s1;
	s22 =	simm.s32 $0x1000;
	[dreg:$0x12] =	wrdreg s8  }
0x2e: {  	s12 =	simm.s32 $0x4000;
	s9 =	sadd.s32 s6, s1;
	[dreg:$0x14] =	wrdreg s20  }
0x2f: {  	s14 =	simm.s32 $0x1;
	s19 =	sadd.s32 s7, s1;
	[dreg:$0x11] =	wrdreg s9  }
0x30: {  	s11 =	simm.s32 $0x3;
	s7 =	simm.s32 $0x0;
	[dreg:$0x13] =	wrdreg s19  }
.LBB2_1:
0x31: {  	s0 =	rddreg [dreg:$0x5]  }
0x32: {  	[tilespmem:s3], [sflag:$0x1] =	stream.linear.gather [hbm4b:s0+s3], $0x1000, $0x38;
	[tilespmem:$0x1F880] =	vst v63  }
0x33: {  	s5 =	rddreg [dreg:$0x6]  }
0x34: {  	[tilespmem:s21], [sflag:$0x1] =	stream.linear.gather [hbm4b:s5+s3], $0x1000, $0x38;
	[tilespmem:$0x1F880] =	vst v63  }
0x35: {  	s6 =	rddreg [dreg:$0x15]  }
0x36: {  	[tilespmem:s22], [sflag:$0x2] =	stream.linear.gather [hbm4b:s6+s3], $0x1000, $0x38;
	[tilespmem:$0x1F880] =	vst v63  }
0x37: {  	s5 =	rddreg [dreg:$0x16]  }
0x38: {  	[tilespmem:s23], [sflag:$0x2] =	stream.linear.gather [hbm4b:s5+s3], $0x1000, $0x38;
	[tilespmem:$0x1F880] =	vst v63  }
0x39: {  	s6 =	rddreg [dreg:$0xf]  }
0x3a: {  	[tilespmem:s12], [sflag:$0x5] =	stream.linear.gather [hbm4b:s6+s3], $0x2800, $0x38;
	[tilespmem:$0x1F880] =	vst v63  }
0x3b: {  	_ =	swait.ge [sflag:s13], $0x2800  }
0x3c: {  	[sflag:s13] =	ssyncset.done $0x0  }
0x3d: {  	[sflag:s13] =	ssyncadd.s32 $0xFFFFD800  }
0x3e: {  	[spmem:s9] =	stream.linear.scatter [tilespmem:s12], [sflag:$0x5], $0x2800, $0x38;
	[tilespmem:$0x1F880] =	vst v63  }
0x3f: {  	_ =	swait.ge [sflag:s13], $0x2800  }
0x40: {  	[sflag:s13] =	ssyncset.done $0x0  }
0x41: {  	[sflag:s13] =	ssyncadd.s32 $0xFFFFD800  }
0x42: {  	[spmem:s25] =	stream.linear.scatter [tilespmem:s12], [sflag:$0x5], $0x2800, $0x38;
	[tilespmem:$0x1F880] =	vst v63  }
0x43: {  	_ =	swait.ge [sflag:s13], $0x2800  }
0x44: {  	[sflag:s13] =	ssyncset.done $0x0  }
0x45: {  	[sflag:s13] =	ssyncadd.s32 $0xFFFFD800  }
0x46: {  	[spmem:s26] =	stream.linear.scatter [tilespmem:s12], [sflag:$0x5], $0x2800, $0x38;
	[tilespmem:$0x1F880] =	vst v63  }
0x47: {  	_ =	swait.ge [sflag:s13], $0x2800  }
0x48: {  	[sflag:s13] =	ssyncset.done $0x0  }
0x49: {  	[sflag:s13] =	ssyncadd.s32 $0xFFFFD800  }
0x4a: {  	[spmem:s10] =	stream.linear.scatter [tilespmem:s12], [sflag:$0x5], $0x2800, $0x38;
	[tilespmem:$0x1F880] =	vst v63  }
0x4b: {  	_ =	swait.ge [sflag:s13], $0x2800  }
0x4c: {  	[sflag:s13] =	ssyncset.done $0x0  }
0x4d: {  	[sflag:s13] =	ssyncadd.s32 $0xFFFFD800  }
0x4e: {  	[spmem:s24] =	stream.linear.scatter [tilespmem:s12], [sflag:$0x5], $0x2800, $0x38;
	[tilespmem:$0x1F880] =	vst v63  }
0x4f: {  	_ =	swait.ge [sflag:s13], $0x2800  }
0x50: {  	[sflag:s13] =	ssyncset.done $0x0  }
0x51: {  	[sflag:s13] =	ssyncadd.s32 $0xFFFFD800  }
0x52: {  	[spmem:s8] =	stream.linear.scatter [tilespmem:s12], [sflag:$0x5], $0x2800, $0x38;
	[tilespmem:$0x1F880] =	vst v63  }
0x53: {  	_ =	swait.ge [sflag:s13], $0x2800  }
0x54: {  	[sflag:s13] =	ssyncset.done $0x0  }
0x55: {  	[sflag:s13] =	ssyncadd.s32 $0xFFFFD800  }
0x56: {  	[spmem:s19] =	stream.linear.scatter [tilespmem:s12], [sflag:$0x5], $0x2800, $0x38;
	[tilespmem:$0x1F880] =	vst v63  }
0x57: {  	_ =	swait.ge [sflag:s13], $0x2800  }
0x58: {  	[sflag:s13] =	ssyncset.done $0x0  }
0x59: {  	s0 =	simm.s32 @!p1 $0x4000;
	[sflag:s13] =	ssyncadd.s32 $0xFFFFD800  }
0x5a: {  	[spmem:s20] =	stream.linear.scatter @!p1 [tilespmem:s0], [sflag:$0x5], $0x2800, $0x38;
	[tilespmem:$0x1F880] =	vst v63  }
0x5b: {  	s0 =	simm.s32 @!p1 $0x5  }
0x5c: {  	_ =	swait.ge @!p1 [sflag:s0], $0x2800  }
0x5d: {  	[sflag:s0] =	ssyncset.done @!p1 $0x0  }
0x5e: {  	[sflag:s0] =	ssyncadd.s32 @!p1 $0xFFFFD800  }
0x5f: {  	[bflag:$0x0] =	sbarrier.arrive $0xFFFF  }
0x60: {  	_ =	swait.ge [sflag:s14], $0x1000  }
0x61: {  	[sflag:s14] =	ssyncset.done $0x0  }
0x62: {  	[sflag:s14] =	ssyncadd.s32 $0xFFFFF000  }
0x63: {  	_ =	swait.ge [sflag:s14], $0x1000  }
0x64: {  	[sflag:s14] =	ssyncset.done $0x0  }
0x65: {  	[sflag:s14] =	ssyncadd.s32 $0xFFFFF000  }
0x66: {  	[tilespmem:s12], [sflag:$0x3] =	stream.indirect.gather [hbm4b:s4+s15], $0x80, s3, s15, $0xb8;
	[tilespmem:$0x1F880] =	vst v63  }
0x67: {  	s8 =	simm.s32 $0x80  }
0x68: {  	[tilespmem:s18], [sflag:$0x4] =	stream.indirect.gather [hbm4b:s4+s15], $0x80, s8, s15, $0xb8;
	[tilespmem:$0x1F880] =	vst v63  }
0x69: {  	_ =	swait.ge [sflag:s11], $0x4000  }
0x6a: {  	[sflag:s11] =	ssyncset.done $0x0  }
0x6b: {  	s9 =	simm.s32 $0x2000;
	[sflag:s11] =	ssyncadd.s32 $0xFFFFC000  }
0x6c: {  	[spmem:s1] =	stream.indirect.scatter.add.f32 [tilespmem:s12], [sflag:$0x6], $0x80, s9, s15, $0xb8;
	[tilespmem:$0x1F880] =	vst v63  }
0x6d: {  	_ =	swait.ge [sflag:s28], $0x4000  }
0x6e: {  	[sflag:s28] =	ssyncset.done $0x0  }
0x6f: {  	s19 =	simm.s32 $0x100;
	[sflag:s28] =	ssyncadd.s32 $0xFFFFC000  }
0x70: {  	[tilespmem:s12], [sflag:$0x3] =	stream.indirect.gather [hbm4b:s4+s15], $0x80, s19, s15, $0xb8;
	[tilespmem:$0x1F880] =	vst v63  }
0x71: {  	_ =	swait.ge [sflag:s29], $0x4000  }
0x72: {  	[sflag:s29] =	ssyncset.done $0x0  }
0x73: {  	s20 =	simm.s32 $0x2080;
	[sflag:s29] =	ssyncadd.s32 $0xFFFFC000  }
0x74: {  	[spmem:s1] =	stream.indirect.scatter.add.f32 [tilespmem:s18], [sflag:$0x5], $0x80, s20, s15, $0xb8;
	[tilespmem:$0x1F880] =	vst v63  }
0x75: {  	_ =	swait.ge [sflag:s13], $0x4000  }
0x76: {  	s0 =	simm.s32 $0x800;
	s8 =	simm.s32 $0x100;
	[sflag:s13] =	ssyncset.done $0x0  }
.LBB2_2:
0x77: {  	s5 =	sadd.s32 $0x80, s8  }
0x78: {  	[sflag:s13] =	ssyncadd.s32 $0xFFFFC000;
	s6 =	smov.u32 s0;
	s9 =	sadd.s32 $0x400, s0  }
0x79: {  	[tilespmem:s18], [sflag:$0x4] =	stream.indirect.gather [hbm4b:s4+s15], $0x80, s5, s15, $0xb8;
	[tilespmem:$0x1F880] =	vst v63  }
0x7a: {  	p2 =	sne.s32 s0, $0x3800;
	_ =	swait.ge [sflag:s11], $0x4000  }
0x7b: {  	[sflag:s11] =	ssyncset.done $0x0  }
0x7c: {  	s0 =	sadd.s32 $0x2000, s8;
	[sflag:s11] =	ssyncadd.s32 $0xFFFFC000  }
0x7d: {  	[spmem:s1] =	stream.indirect.scatter.add.f32 [tilespmem:s12], [sflag:$0x6], $0x80, s0, s15, $0xb8;
	[tilespmem:$0x1F880] =	vst v63  }
0x7e: {  	_ =	swait.ge [sflag:s28], $0x4000  }
0x7f: {  	[sflag:s28] =	ssyncset.done $0x0  }
0x80: {  	s0 =	sadd.s32 $0x100, s8;
	[sflag:s28] =	ssyncadd.s32 $0xFFFFC000  }
0x81: {  	[tilespmem:s12], [sflag:$0x3] =	stream.indirect.gather [hbm4b:s4+s15], $0x80, s0, s15, $0xb8;
	[tilespmem:$0x1F880] =	vst v63  }
0x82: {  	_ =	swait.ge [sflag:s29], $0x4000  }
.Ltmp0:
0x83: {  	[sflag:s29] =	ssyncset.done $0x0;
	(pc) =	sbr.rel @p2 .LBB2_2-.Ltmp0, $4  }
0x84: {  	s0 =	sadd.s32 $0x2080, s8;
	[sflag:s29] =	ssyncadd.s32 $0xFFFFC000  }
0x85: {  	[spmem:s1] =	stream.indirect.scatter.add.f32 [tilespmem:s18], [sflag:$0x5], $0x80, s0, s15, $0xb8;
	[tilespmem:$0x1F880] =	vst v63  }
0x86: {  	_ =	swait.ge [sflag:s13], $0x4000  }
0x87: {  	s8 =	sshra.s32 s6, $0x2;
	s0 =	smov.u32 s9;
	[sflag:s13] =	ssyncset.done $0x0  }
0x88: {  	s0 =	sadd.s32 $0x80, s8;
	[sflag:s13] =	ssyncadd.s32 $0xFFFFC000  }
0x89: {  	[tilespmem:s18], [sflag:$0x4] =	stream.indirect.gather [hbm4b:s4+s15], $0x80, s0, s15, $0xb8;
	[tilespmem:$0x1F880] =	vst v63  }
0x8a: {  	_ =	swait.ge [sflag:s11], $0x4000  }
0x8b: {  	[sflag:s11] =	ssyncset.done $0x0  }
0x8c: {  	s5 =	sadd.s32 $0x2000, s8;
	[sflag:s11] =	ssyncadd.s32 $0xFFFFC000  }
0x8d: {  	[spmem:s1] =	stream.indirect.scatter.add.f32 [tilespmem:s12], [sflag:$0x6], $0x80, s5, s15, $0xb8;
	[tilespmem:$0x1F880] =	vst v63  }
0x8e: {  	_ =	swait.ge [sflag:s28], $0x4000  }
0x8f: {  	[sflag:s28] =	ssyncset.done $0x0  }
0x90: {  	s6 =	sadd.s32 $0x100, s8;
	[sflag:s28] =	ssyncadd.s32 $0xFFFFC000  }
0x91: {  	[tilespmem:s12], [sflag:$0x3] =	stream.indirect.gather [hbm4b:s4+s15], $0x80, s6, s15, $0xb8;
	[tilespmem:$0x1F880] =	vst v63  }
0x92: {  	_ =	swait.ge [sflag:s29], $0x4000  }
0x93: {  	[sflag:s29] =	ssyncset.done $0x0  }
0x94: {  	s9 =	sadd.s32 $0x2080, s8;
	[sflag:s29] =	ssyncadd.s32 $0xFFFFC000  }
0x95: {  	[spmem:s1] =	stream.indirect.scatter.add.f32 [tilespmem:s18], [sflag:$0x5], $0x80, s9, s15, $0xb8;
	[tilespmem:$0x1F880] =	vst v63  }
0x96: {  	_ =	swait.ge [sflag:s13], $0x4000  }
0x97: {  	[sflag:s13] =	ssyncset.done $0x0  }
0x98: {  	[sflag:s13] =	ssyncadd.s32 $0xFFFFC000  }
0x99: {  	[tilespmem:s18], [sflag:$0x4] =	stream.indirect.gather [hbm4b:s4+s15], $0x80, s30, s15, $0xb8;
	[tilespmem:$0x1F880] =	vst v63  }
0x9a: {  	_ =	swait.ge [sflag:s11], $0x4000  }
0x9b: {  	[sflag:s11] =	ssyncset.done $0x0  }
0x9c: {  	[sflag:s11] =	ssyncadd.s32 $0xFFFFC000  }
0x9d: {  	[spmem:s1] =	stream.indirect.scatter.add.f32 [tilespmem:s12], [sflag:$0x6], $0x80, s31, s15, $0xb8;
	[tilespmem:$0x1F880] =	vst v63  }
0x9e: {  	_ =	swait.ge [sflag:s28], $0x4000  }
0x9f: {  	[sflag:s28] =	ssyncset.done $0x0  }
0xa0: {  	[sflag:s28] =	ssyncadd.s32 $0xFFFFC000  }
0xa1: {  	_ =	swait.ge [sflag:s29], $0x4000  }
0xa2: {  	[sflag:s29] =	ssyncset.done $0x0  }
0xa3: {  	s19 =	simm.s32 $0x2F80;
	[sflag:s29] =	ssyncadd.s32 $0xFFFFC000  }
0xa4: {  	[spmem:s1] =	stream.indirect.scatter.add.f32 [tilespmem:s18], [sflag:$0x5], $0x80, s19, s15, $0xb8;
	[tilespmem:$0x1F880] =	vst v63  }
0xa5: {  	_ =	swait.ge [sflag:s13], $0x4000  }
0xa6: {  	[sflag:s13] =	ssyncset.done $0x0  }
0xa7: {  	s20 =	simm.s32 $0x0;
	s5 =	rddreg [dreg:$0x17];
	[sflag:s13] =	ssyncadd.s32 $0xFFFFC000  }
0xa8: {  	[tilespmem:s20], [sflag:$0x1] =	stream.linear.gather [hbm4b:s5+s20], $0x1000, $0x38;
	[tilespmem:$0x1F880] =	vst v63  }
0xa9: {  	s6 =	rddreg [dreg:$0x18]  }
0xaa: {  	[tilespmem:s21], [sflag:$0x1] =	stream.linear.gather [hbm4b:s6+s20], $0x1000, $0x38;
	[tilespmem:$0x1F880] =	vst v63  }
0xab: {  	_ =	swait.ge [sflag:s2], $0x1000  }
0xac: {  	[sflag:s2] =	ssyncset.done $0x0  }
0xad: {  	[sflag:s2] =	ssyncadd.s32 $0xFFFFF000  }
0xae: {  	_ =	swait.ge [sflag:s2], $0x1000  }
0xaf: {  	[sflag:s2] =	ssyncset.done $0x0  }
0xb0: {  	[sflag:s2] =	ssyncadd.s32 $0xFFFFF000  }
0xb1: {  	[tilespmem:s12], [sflag:$0x3] =	stream.indirect.gather [hbm4b:s4+s15], $0x80, s22, s15, $0xb8;
	[tilespmem:$0x1F880] =	vst v63  }
0xb2: {  	s8 =	simm.s32 $0x1080  }
0xb3: {  	[tilespmem:s18], [sflag:$0x4] =	stream.indirect.gather [hbm4b:s4+s15], $0x80, s8, s15, $0xb8;
	[tilespmem:$0x1F880] =	vst v63  }
0xb4: {  	_ =	swait.ge [sflag:s11], $0x4000  }
0xb5: {  	[sflag:s11] =	ssyncset.done $0x0  }
0xb6: {  	s9 =	simm.s32 $0x3000;
	[sflag:s11] =	ssyncadd.s32 $0xFFFFC000  }
0xb7: {  	[spmem:s1] =	stream.indirect.scatter.add.f32 [tilespmem:s12], [sflag:$0x6], $0x80, s9, s15, $0xb8;
	[tilespmem:$0x1F880] =	vst v63  }
0xb8: {  	_ =	swait.ge [sflag:s28], $0x4000  }
0xb9: {  	[sflag:s28] =	ssyncset.done $0x0  }
0xba: {  	s19 =	simm.s32 $0x1100;
	[sflag:s28] =	ssyncadd.s32 $0xFFFFC000  }
0xbb: {  	[tilespmem:s12], [sflag:$0x3] =	stream.indirect.gather [hbm4b:s4+s15], $0x80, s19, s15, $0xb8;
	[tilespmem:$0x1F880] =	vst v63  }
0xbc: {  	_ =	swait.ge [sflag:s29], $0x4000  }
0xbd: {  	[sflag:s29] =	ssyncset.done $0x0  }
0xbe: {  	s20 =	simm.s32 $0x3080;
	[sflag:s29] =	ssyncadd.s32 $0xFFFFC000  }
0xbf: {  	[spmem:s1] =	stream.indirect.scatter.add.f32 [tilespmem:s18], [sflag:$0x5], $0x80, s20, s15, $0xb8;
	[tilespmem:$0x1F880] =	vst v63  }
0xc0: {  	_ =	swait.ge [sflag:s13], $0x4000  }
0xc1: {  	s0 =	simm.s32 $0x800;
	s8 =	simm.s32 $0x100;
	[sflag:s13] =	ssyncset.done $0x0  }
.LBB2_4:
0xc2: {  	s5 =	sadd.s32 $0x1080, s8  }
0xc3: {  	[sflag:s13] =	ssyncadd.s32 $0xFFFFC000;
	s6 =	smov.u32 s0;
	s9 =	sadd.s32 $0x400, s0  }
0xc4: {  	[tilespmem:s18], [sflag:$0x4] =	stream.indirect.gather [hbm4b:s4+s15], $0x80, s5, s15, $0xb8;
	[tilespmem:$0x1F880] =	vst v63  }
0xc5: {  	p2 =	sne.s32 s0, $0x3800;
	_ =	swait.ge [sflag:s11], $0x4000  }
0xc6: {  	[sflag:s11] =	ssyncset.done $0x0  }
0xc7: {  	s0 =	sadd.s32 $0x3000, s8;
	[sflag:s11] =	ssyncadd.s32 $0xFFFFC000  }
0xc8: {  	[spmem:s1] =	stream.indirect.scatter.add.f32 [tilespmem:s12], [sflag:$0x6], $0x80, s0, s15, $0xb8;
	[tilespmem:$0x1F880] =	vst v63  }
0xc9: {  	_ =	swait.ge [sflag:s28], $0x4000  }
0xca: {  	[sflag:s28] =	ssyncset.done $0x0  }
0xcb: {  	s0 =	sadd.s32 $0x1100, s8;
	[sflag:s28] =	ssyncadd.s32 $0xFFFFC000  }
0xcc: {  	[tilespmem:s12], [sflag:$0x3] =	stream.indirect.gather [hbm4b:s4+s15], $0x80, s0, s15, $0xb8;
	[tilespmem:$0x1F880] =	vst v63  }
0xcd: {  	_ =	swait.ge [sflag:s29], $0x4000  }
.Ltmp1:
0xce: {  	[sflag:s29] =	ssyncset.done $0x0;
	(pc) =	sbr.rel @p2 .LBB2_4-.Ltmp1, $4  }
0xcf: {  	s0 =	sadd.s32 $0x3080, s8;
	[sflag:s29] =	ssyncadd.s32 $0xFFFFC000  }
0xd0: {  	[spmem:s1] =	stream.indirect.scatter.add.f32 [tilespmem:s18], [sflag:$0x5], $0x80, s0, s15, $0xb8;
	[tilespmem:$0x1F880] =	vst v63  }
0xd1: {  	_ =	swait.ge [sflag:s13], $0x4000  }
0xd2: {  	s8 =	sshra.s32 s6, $0x2;
	s0 =	smov.u32 s9;
	[sflag:s13] =	ssyncset.done $0x0  }
0xd3: {  	s0 =	sadd.s32 $0x1080, s8;
	[sflag:s13] =	ssyncadd.s32 $0xFFFFC000  }
0xd4: {  	[tilespmem:s18], [sflag:$0x4] =	stream.indirect.gather [hbm4b:s4+s15], $0x80, s0, s15, $0xb8;
	[tilespmem:$0x1F880] =	vst v63  }
0xd5: {  	_ =	swait.ge [sflag:s11], $0x4000  }
0xd6: {  	[sflag:s11] =	ssyncset.done $0x0  }
0xd7: {  	s5 =	sadd.s32 $0x3000, s8;
	[sflag:s11] =	ssyncadd.s32 $0xFFFFC000  }
0xd8: {  	[spmem:s1] =	stream.indirect.scatter.add.f32 [tilespmem:s12], [sflag:$0x6], $0x80, s5, s15, $0xb8;
	[tilespmem:$0x1F880] =	vst v63  }
0xd9: {  	_ =	swait.ge [sflag:s28], $0x4000  }
0xda: {  	[sflag:s28] =	ssyncset.done $0x0  }
0xdb: {  	s6 =	sadd.s32 $0x1100, s8;
	[sflag:s28] =	ssyncadd.s32 $0xFFFFC000  }
0xdc: {  	[tilespmem:s12], [sflag:$0x3] =	stream.indirect.gather [hbm4b:s4+s15], $0x80, s6, s15, $0xb8;
	[tilespmem:$0x1F880] =	vst v63  }
0xdd: {  	_ =	swait.ge [sflag:s29], $0x4000  }
0xde: {  	[sflag:s29] =	ssyncset.done $0x0  }
0xdf: {  	s9 =	sadd.s32 $0x3080, s8;
	[sflag:s29] =	ssyncadd.s32 $0xFFFFC000  }
0xe0: {  	[spmem:s1] =	stream.indirect.scatter.add.f32 [tilespmem:s18], [sflag:$0x5], $0x80, s9, s15, $0xb8;
	[tilespmem:$0x1F880] =	vst v63  }
0xe1: {  	_ =	swait.ge [sflag:s13], $0x4000  }
0xe2: {  	[sflag:s13] =	ssyncset.done $0x0  }
0xe3: {  	s19 =	simm.s32 $0x1F80;
	[sflag:s13] =	ssyncadd.s32 $0xFFFFC000  }
0xe4: {  	[tilespmem:s18], [sflag:$0x4] =	stream.indirect.gather [hbm4b:s4+s15], $0x80, s19, s15, $0xb8;
	[tilespmem:$0x1F880] =	vst v63  }
0xe5: {  	_ =	swait.ge [sflag:s11], $0x4000  }
0xe6: {  	[sflag:s11] =	ssyncset.done $0x0  }
0xe7: {  	s20 =	simm.s32 $0x3F00;
	[sflag:s11] =	ssyncadd.s32 $0xFFFFC000  }
0xe8: {  	[spmem:s1] =	stream.indirect.scatter.add.f32 [tilespmem:s12], [sflag:$0x6], $0x80, s20, s15, $0xb8;
	[tilespmem:$0x1F880] =	vst v63  }
0xe9: {  	_ =	swait.ge [sflag:s28], $0x4000  }
0xea: {  	[sflag:s28] =	ssyncset.done $0x0  }
0xeb: {  	[sflag:s28] =	ssyncadd.s32 $0xFFFFC000  }
0xec: {  	_ =	swait.ge [sflag:s29], $0x4000  }
0xed: {  	[sflag:s29] =	ssyncset.done $0x0  }
0xee: {  	s5 =	simm.s32 $0x3F80;
	[sflag:s29] =	ssyncadd.s32 $0xFFFFC000  }
0xef: {  	[spmem:s1] =	stream.indirect.scatter.add.f32 [tilespmem:s18], [sflag:$0x5], $0x80, s5, s15, $0xb8;
	[tilespmem:$0x1F880] =	vst v63  }
0xf0: {  	_ =	swait.ge [sflag:s13], $0x4000  }
0xf1: {  	[sflag:s13] =	ssyncset.done $0x0  }
0xf2: {  	s6 =	simm.s32 $0x0;
	s5 =	rddreg [dreg:$0x19];
	[sflag:s13] =	ssyncadd.s32 $0xFFFFC000  }
0xf3: {  	[tilespmem:s22], [sflag:$0x2] =	stream.linear.gather [hbm4b:s5+s6], $0x1000, $0x38;
	[tilespmem:$0x1F880] =	vst v63  }
0xf4: {  	s8 =	rddreg [dreg:$0x1a]  }
0xf5: {  	[tilespmem:s23], [sflag:$0x2] =	stream.linear.gather [hbm4b:s8+s6], $0x1000, $0x38;
	[tilespmem:$0x1F880] =	vst v63  }
0xf6: {  	_ =	swait.ge [sflag:s14], $0x1000  }
0xf7: {  	[sflag:s14] =	ssyncset.done $0x0  }
0xf8: {  	[sflag:s14] =	ssyncadd.s32 $0xFFFFF000  }
0xf9: {  	_ =	swait.ge [sflag:s14], $0x1000  }
0xfa: {  	[sflag:s14] =	ssyncset.done $0x0  }
0xfb: {  	[sflag:s14] =	ssyncadd.s32 $0xFFFFF000  }
0xfc: {  	[tilespmem:s12], [sflag:$0x3] =	stream.indirect.gather [hbm4b:s4+s15], $0x80, s6, s15, $0xb8;
	[tilespmem:$0x1F880] =	vst v63  }
0xfd: {  	s9 =	simm.s32 $0x80  }
0xfe: {  	[tilespmem:s18], [sflag:$0x4] =	stream.indirect.gather [hbm4b:s4+s15], $0x80, s9, s15, $0xb8;
	[tilespmem:$0x1F880] =	vst v63  }
0xff: {  	_ =	swait.ge [sflag:s11], $0x4000  }
0x100: {  	[sflag:s11] =	ssyncset.done $0x0  }
0x101: {  	s19 =	simm.s32 $0x2000;
	[sflag:s11] =	ssyncadd.s32 $0xFFFFC000  }
0x102: {  	[spmem:s1] =	stream.indirect.scatter.add.f32 [tilespmem:s12], [sflag:$0x6], $0x80, s19, s15, $0xb8;
	[tilespmem:$0x1F880] =	vst v63  }
0x103: {  	_ =	swait.ge [sflag:s28], $0x4000  }
0x104: {  	[sflag:s28] =	ssyncset.done $0x0  }
0x105: {  	s20 =	simm.s32 $0x100;
	[sflag:s28] =	ssyncadd.s32 $0xFFFFC000  }
0x106: {  	[tilespmem:s12], [sflag:$0x3] =	stream.indirect.gather [hbm4b:s4+s15], $0x80, s20, s15, $0xb8;
	[tilespmem:$0x1F880] =	vst v63  }
0x107: {  	_ =	swait.ge [sflag:s29], $0x4000  }
0x108: {  	[sflag:s29] =	ssyncset.done $0x0  }
0x109: {  	s23 =	simm.s32 $0x2080;
	[sflag:s29] =	ssyncadd.s32 $0xFFFFC000  }
0x10a: {  	[spmem:s1] =	stream.indirect.scatter.add.f32 [tilespmem:s18], [sflag:$0x5], $0x80, s23, s15, $0xb8;
	[tilespmem:$0x1F880] =	vst v63  }
0x10b: {  	_ =	swait.ge [sflag:s13], $0x4000  }
0x10c: {  	s0 =	simm.s32 $0x800;
	s8 =	simm.s32 $0x100;
	[sflag:s13] =	ssyncset.done $0x0  }
.LBB2_6:
0x10d: {  	s5 =	sadd.s32 $0x80, s8  }
0x10e: {  	[sflag:s13] =	ssyncadd.s32 $0xFFFFC000;
	s6 =	smov.u32 s0;
	s9 =	sadd.s32 $0x400, s0  }
0x10f: {  	[tilespmem:s18], [sflag:$0x4] =	stream.indirect.gather [hbm4b:s4+s15], $0x80, s5, s15, $0xb8;
	[tilespmem:$0x1F880] =	vst v63  }
0x110: {  	p2 =	sne.s32 s0, $0x3800;
	_ =	swait.ge [sflag:s11], $0x4000  }
0x111: {  	[sflag:s11] =	ssyncset.done $0x0  }
0x112: {  	s0 =	sadd.s32 $0x2000, s8;
	[sflag:s11] =	ssyncadd.s32 $0xFFFFC000  }
0x113: {  	[spmem:s1] =	stream.indirect.scatter.add.f32 [tilespmem:s12], [sflag:$0x6], $0x80, s0, s15, $0xb8;
	[tilespmem:$0x1F880] =	vst v63  }
0x114: {  	_ =	swait.ge [sflag:s28], $0x4000  }
0x115: {  	[sflag:s28] =	ssyncset.done $0x0  }
0x116: {  	s0 =	sadd.s32 $0x100, s8;
	[sflag:s28] =	ssyncadd.s32 $0xFFFFC000  }
0x117: {  	[tilespmem:s12], [sflag:$0x3] =	stream.indirect.gather [hbm4b:s4+s15], $0x80, s0, s15, $0xb8;
	[tilespmem:$0x1F880] =	vst v63  }
0x118: {  	_ =	swait.ge [sflag:s29], $0x4000  }
.Ltmp2:
0x119: {  	[sflag:s29] =	ssyncset.done $0x0;
	(pc) =	sbr.rel @p2 .LBB2_6-.Ltmp2, $4  }
0x11a: {  	s0 =	sadd.s32 $0x2080, s8;
	[sflag:s29] =	ssyncadd.s32 $0xFFFFC000  }
0x11b: {  	[spmem:s1] =	stream.indirect.scatter.add.f32 [tilespmem:s18], [sflag:$0x5], $0x80, s0, s15, $0xb8;
	[tilespmem:$0x1F880] =	vst v63  }
0x11c: {  	_ =	swait.ge [sflag:s13], $0x4000  }
0x11d: {  	s8 =	sshra.s32 s6, $0x2;
	s0 =	smov.u32 s9;
	[sflag:s13] =	ssyncset.done $0x0  }
0x11e: {  	s0 =	sadd.s32 $0x80, s8;
	[sflag:s13] =	ssyncadd.s32 $0xFFFFC000  }
0x11f: {  	[tilespmem:s18], [sflag:$0x4] =	stream.indirect.gather [hbm4b:s4+s15], $0x80, s0, s15, $0xb8;
	[tilespmem:$0x1F880] =	vst v63  }
0x120: {  	_ =	swait.ge [sflag:s11], $0x4000  }
0x121: {  	[sflag:s11] =	ssyncset.done $0x0  }
0x122: {  	s5 =	sadd.s32 $0x2000, s8;
	[sflag:s11] =	ssyncadd.s32 $0xFFFFC000  }
0x123: {  	[spmem:s1] =	stream.indirect.scatter.add.f32 [tilespmem:s12], [sflag:$0x6], $0x80, s5, s15, $0xb8;
	[tilespmem:$0x1F880] =	vst v63  }
0x124: {  	_ =	swait.ge [sflag:s28], $0x4000  }
0x125: {  	[sflag:s28] =	ssyncset.done $0x0  }
0x126: {  	s6 =	sadd.s32 $0x100, s8;
	[sflag:s28] =	ssyncadd.s32 $0xFFFFC000  }
0x127: {  	[tilespmem:s12], [sflag:$0x3] =	stream.indirect.gather [hbm4b:s4+s15], $0x80, s6, s15, $0xb8;
	[tilespmem:$0x1F880] =	vst v63  }
0x128: {  	_ =	swait.ge [sflag:s29], $0x4000  }
0x129: {  	[sflag:s29] =	ssyncset.done $0x0  }
0x12a: {  	s9 =	sadd.s32 $0x2080, s8;
	[sflag:s29] =	ssyncadd.s32 $0xFFFFC000  }
0x12b: {  	[spmem:s1] =	stream.indirect.scatter.add.f32 [tilespmem:s18], [sflag:$0x5], $0x80, s9, s15, $0xb8;
	[tilespmem:$0x1F880] =	vst v63  }
0x12c: {  	_ =	swait.ge [sflag:s13], $0x4000  }
0x12d: {  	[sflag:s13] =	ssyncset.done $0x0  }
0x12e: {  	[sflag:s13] =	ssyncadd.s32 $0xFFFFC000  }
0x12f: {  	[tilespmem:s18], [sflag:$0x4] =	stream.indirect.gather [hbm4b:s4+s15], $0x80, s30, s15, $0xb8;
	[tilespmem:$0x1F880] =	vst v63  }
0x130: {  	_ =	swait.ge [sflag:s11], $0x4000  }
0x131: {  	[sflag:s11] =	ssyncset.done $0x0  }
0x132: {  	[sflag:s11] =	ssyncadd.s32 $0xFFFFC000  }
0x133: {  	[spmem:s1] =	stream.indirect.scatter.add.f32 [tilespmem:s12], [sflag:$0x6], $0x80, s31, s15, $0xb8;
	[tilespmem:$0x1F880] =	vst v63  }
0x134: {  	_ =	swait.ge [sflag:s28], $0x4000  }
0x135: {  	[sflag:s28] =	ssyncset.done $0x0  }
0x136: {  	[sflag:s28] =	ssyncadd.s32 $0xFFFFC000  }
0x137: {  	_ =	swait.ge [sflag:s29], $0x4000  }
0x138: {  	[sflag:s29] =	ssyncset.done $0x0  }
0x139: {  	s19 =	simm.s32 $0x2F80;
	[sflag:s29] =	ssyncadd.s32 $0xFFFFC000  }
0x13a: {  	[spmem:s1] =	stream.indirect.scatter.add.f32 [tilespmem:s18], [sflag:$0x5], $0x80, s19, s15, $0xb8;
	[tilespmem:$0x1F880] =	vst v63  }
0x13b: {  	_ =	swait.ge [sflag:s13], $0x4000  }
0x13c: {  	[sflag:s13] =	ssyncset.done $0x0  }
0x13d: {  	s20 =	simm.s32 $0x0;
	s5 =	rddreg [dreg:$0x1b];
	[sflag:s13] =	ssyncadd.s32 $0xFFFFC000  }
0x13e: {  	[tilespmem:s20], [sflag:$0x1] =	stream.linear.gather [hbm4b:s5+s20], $0x1000, $0x38;
	[tilespmem:$0x1F880] =	vst v63  }
0x13f: {  	s23 =	rddreg [dreg:$0x1c]  }
0x140: {  	[tilespmem:s21], [sflag:$0x1] =	stream.linear.gather [hbm4b:s23+s20], $0x1000, $0x38;
	[tilespmem:$0x1F880] =	vst v63  }
0x141: {  	_ =	swait.ge [sflag:s2], $0x1000  }
0x142: {  	[sflag:s2] =	ssyncset.done $0x0  }
0x143: {  	[sflag:s2] =	ssyncadd.s32 $0xFFFFF000  }
0x144: {  	_ =	swait.ge [sflag:s2], $0x1000  }
0x145: {  	p3 =	sle.u32 s16, $0x1;
	[sflag:s2] =	ssyncset.done $0x0  }
0x146: {  	p2 =	sle.u32 s16, $0x0;
	s0 =	simm.s32 @!p3 $0x80;
	[sflag:s2] =	ssyncadd.s32 $0xFFFFF000  }
0x147: {  	[tilespmem:s12], [sflag:$0x3] =	stream.indirect.gather [hbm4b:s4+s15], $0x80, s22, s15, $0xb8;
	[tilespmem:$0x1F880] =	vst v63  }
0x148: {  	s8 =	simm.s32 @!p2 $0x3;
	s6 =	simm.s32 @!p3 $0x8000;
	s5 =	simm.s32 @!p3 $0x1080  }
0x149: {  	[tilespmem:s6], [sflag:$0x4] =	stream.indirect.gather @!p3 [hbm4b:s4+s0], $0x80, s5, s0, $0xb8;
	[tilespmem:$0x1F880] =	vst v63  }
0x14a: {  	_ =	swait.ge @!p2 [sflag:s8], $0x4000  }
0x14b: {  	s9 =	simm.s32 @!p2 $0x80;
	[sflag:s8] =	ssyncset.done @!p2 $0x0  }
0x14c: {  	s5 =	simm.s32 @!p2 $0x3000;
	[sflag:s8] =	ssyncadd.s32 @!p2 $0xFFFFC000;
	s8 =	simm.s32 @!p2 $0x4000  }
0x14d: {  	[spmem:s1] =	stream.indirect.scatter.add.f32 @!p2 [tilespmem:s8], [sflag:$0x6], $0x80, s5, s9, $0xb8;
	[tilespmem:$0x1F880] =	vst v63  }
0x14e: {  	s5 =	simm.s32 @!p2 $0x6  }
0x14f: {  	p4 =	sle.u32 s16, $0x2;
	_ =	swait.ge @!p2 [sflag:s5], $0x4000  }
0x150: {  	s8 =	simm.s32 @!p4 $0x4000;
	[sflag:s5] =	ssyncset.done @!p2 $0x0  }
0x151: {  	s9 =	simm.s32 @!p4 $0x80;
	[sflag:s5] =	ssyncadd.s32 @!p2 $0xFFFFC000;
	s5 =	simm.s32 @!p4 $0x1100  }
0x152: {  	[tilespmem:s8], [sflag:$0x3] =	stream.indirect.gather @!p4 [hbm4b:s4+s9], $0x80, s5, s9, $0xb8;
	[tilespmem:$0x1F880] =	vst v63  }
0x153: {  	p2 =	por p3, p3;
	s5 =	simm.s32 @!p3 $0x4  }
0x154: {  	_ =	swait.ge @!p2 [sflag:s5], $0x4000  }
0x155: {  	s30 =	simm.s32 $0x2;
	[sflag:s5] =	ssyncset.done @!p2 $0x0  }
0x156: {  	s31 =	simm.s32 $0x800;
	s8 =	simm.s32 @!p3 $0x3080;
	[sflag:s5] =	ssyncadd.s32 @!p2 $0xFFFFC000  }
0x157: {  	[spmem:s1] =	stream.indirect.scatter.add.f32 @!p2 [tilespmem:s6], [sflag:$0x5], $0x80, s8, s0, $0xb8;
	[tilespmem:$0x1F880] =	vst v63  }
0x158: {  	s9 =	simm.s32 $0x3;
	s5 =	simm.s32 @!p2 $0x5;
	s8 =	simm.s32 $0x400  }
.LBB2_8:
0x159: {  	p4 =	sge.u32 s9, s16  }
0x15a: {  	p5 =	sge.u32 s30, s16;
	_ =	swait.ge @!p2 [sflag:s5], $0x4000;
	s6 =	smov.u32 s31  }
0x15b: {  	s0 =	sshra.s32 @!p4 s8, $0x2;
	s19 =	simm.s32 @!p4 $0x80;
	[sflag:s5] =	ssyncset.done @!p2 $0x0  }
0x15c: {  	s20 =	simm.s32 @!p4 $0x8000;
	s9 =	sadd.s32 @!p4 $0x1080, s0;
	s21 =	sadd.s32 @!p4 $0x3080, s0  }
0x15d: {  	s22 =	sshra.s32 @!p5 s8, $0x2;
	s0 =	simm.s32 @!p5 $0x3;
	[sflag:s5] =	ssyncadd.s32 @!p2 $0xFFFFC000  }
0x15e: {  	[tilespmem:s20], [sflag:$0x4] =	stream.indirect.gather @!p4 [hbm4b:s4+s19], $0x80, s9, s19, $0xb8;
	[tilespmem:$0x1F880] =	vst v63  }
0x15f: {  	s31 =	sadd.s32 $0x400, s31;
	s5 =	sadd.s32 @!p5 $0x3000, s22;
	_ =	swait.ge @!p5 [sflag:s0], $0x4000  }
0x160: {  	s22 =	simm.s32 @!p5 $0x4000;
	s9 =	simm.s32 @!p5 $0x80;
	[sflag:s0] =	ssyncset.done @!p5 $0x0  }
0x161: {  	s30 =	sadd.s32 $0x2, s30;
	s23 =	simm.s32 @!p5 $0x6;
	[sflag:s0] =	ssyncadd.s32 @!p5 $0xFFFFC000  }
0x162: {  	[spmem:s1] =	stream.indirect.scatter.add.f32 @!p5 [tilespmem:s22], [sflag:$0x6], $0x80, s5, s9, $0xb8;
	[tilespmem:$0x1F880] =	vst v63  }
0x163: {  	p6 =	sne.s32 s31, $0x4000;
	p3 =	sge.u32 s30, s16;
	_ =	swait.ge @!p5 [sflag:s23], $0x4000  }
0x164: {  	s0 =	simm.s32 @!p3 $0x4000;
	s22 =	simm.s32 @!p4 $0x4;
	[sflag:s23] =	ssyncset.done @!p5 $0x0  }
0x165: {  	s5 =	sshra.s32 @!p3 s8, $0x2;
	s8 =	smov.u32 s6;
	[sflag:s23] =	ssyncadd.s32 @!p5 $0xFFFFC000  }
0x166: {  	p2 =	por p4, p4;
	s6 =	simm.s32 @!p3 $0x80;
	s5 =	sadd.s32 @!p3 $0x1100, s5  }
0x167: {  	[tilespmem:s0], [sflag:$0x3] =	stream.indirect.gather @!p3 [hbm4b:s4+s6], $0x80, s5, s6, $0xb8;
	[tilespmem:$0x1F880] =	vst v63  }
.Ltmp3:
0x168: {  	_ = 	snop;
	(pc) =	sbr.rel @p6 .LBB2_8-.Ltmp3, $4  }
0x169: {  	s5 =	simm.s32 @!p2 $0x5;
	_ =	swait.ge @!p2 [sflag:s22], $0x4000  }
0x16a: {  	[sflag:s22] =	ssyncset.done @!p2 $0x0  }
0x16b: {  	s9 =	sadd.s32 $0x1, s30;
	[sflag:s22] =	ssyncadd.s32 @!p2 $0xFFFFC000  }
0x16c: {  	[spmem:s1] =	stream.indirect.scatter.add.f32 @!p2 [tilespmem:s20], [sflag:$0x5], $0x80, s21, s19, $0xb8;
	[tilespmem:$0x1F880] =	vst v63  }
0x16d: {  	p4 =	sge.u32 s9, s16;
	_ =	swait.ge @!p2 [sflag:s5], $0x4000;
	s22 =	simm.s32 @!p3 $0x3  }
0x16e: {  	s9 =	sshra.s32 @!p4 s8, $0x2;
	s19 =	simm.s32 @!p4 $0x80;
	[sflag:s5] =	ssyncset.done @!p2 $0x0  }
0x16f: {  	s21 =	simm.s32 @!p4 $0x8000;
	s20 =	sadd.s32 @!p4 $0x1080, s9;
	[sflag:s5] =	ssyncadd.s32 @!p2 $0xFFFFC000  }
0x170: {  	[tilespmem:s21], [sflag:$0x4] =	stream.indirect.gather @!p4 [hbm4b:s4+s19], $0x80, s20, s19, $0xb8;
	[tilespmem:$0x1F880] =	vst v63  }
0x171: {  	s23 =	sadd.s32 $0x2, s30;
	_ =	swait.ge @!p3 [sflag:s22], $0x4000  }
0x172: {  	s5 =	sshra.s32 @!p3 s8, $0x2;
	p2 =	sge.u32 s23, s16;
	[sflag:s22] =	ssyncset.done @!p3 $0x0  }
0x173: {  	s5 =	sadd.s32 @!p3 $0x3000, s5;
	s20 =	simm.s32 @!p3 $0x6;
	[sflag:s22] =	ssyncadd.s32 @!p3 $0xFFFFC000  }
0x174: {  	[spmem:s1] =	stream.indirect.scatter.add.f32 @!p3 [tilespmem:s0], [sflag:$0x6], $0x80, s5, s6, $0xb8;
	[tilespmem:$0x1F880] =	vst v63  }
0x175: {  	s0 =	simm.s32 @!p2 $0x4000;
	s5 =	simm.s32 @!p4 $0x4;
	_ =	swait.ge @!p3 [sflag:s20], $0x4000  }
0x176: {  	s6 =	sshra.s32 @!p2 s8, $0x2;
	s8 =	simm.s32 @!p2 $0x80;
	[sflag:s20] =	ssyncset.done @!p3 $0x0  }
0x177: {  	s6 =	sadd.s32 @!p2 $0x1100, s6;
	[sflag:s20] =	ssyncadd.s32 @!p3 $0xFFFFC000;
	p3 =	por p4, p4  }
0x178: {  	[tilespmem:s0], [sflag:$0x3] =	stream.indirect.gather @!p2 [hbm4b:s4+s8], $0x80, s6, s8, $0xb8;
	[tilespmem:$0x1F880] =	vst v63  }
0x179: {  	_ =	swait.ge @!p3 [sflag:s5], $0x4000  }
0x17a: {  	[sflag:s5] =	ssyncset.done @!p3 $0x0  }
0x17b: {  	s0 =	sadd.s32 @!p4 $0x3080, s9;
	s6 =	simm.s32 @!p3 $0x5;
	[sflag:s5] =	ssyncadd.s32 @!p3 $0xFFFFC000  }
0x17c: {  	[spmem:s1] =	stream.indirect.scatter.add.f32 @!p3 [tilespmem:s21], [sflag:$0x5], $0x80, s0, s19, $0xb8;
	[tilespmem:$0x1F880] =	vst v63  }
0x17d: {  	_ =	swait.ge @!p3 [sflag:s6], $0x4000  }
0x17e: {  	[sflag:s6] =	ssyncset.done @!p3 $0x0  }
0x17f: {  	[sflag:s6] =	ssyncadd.s32 @!p3 $0xFFFFC000  }
0x180: {  	_ =	swait.ge [sflag:s14], $0x1000  }
0x181: {  	[sflag:s14] =	ssyncset.done $0x0  }
0x182: {  	p2 =	sle.u32 s17, $0x0;
	[sflag:s14] =	ssyncadd.s32 $0xFFFFF000  }
0x183: {  	s8 =	simm.s32 @!p2 $0x3;
	_ =	swait.ge [sflag:s14], $0x1000  }
0x184: {  	s5 =	simm.s32 @!p0 $0x0;
	s0 =	simm.s32 @!p0 $0x80;
	[sflag:s14] =	ssyncset.done $0x0  }
0x185: {  	s6 =	simm.s32 @!p0 $0x4000;
	p3 =	sle.u32 s17, $0x1;
	[sflag:s14] =	ssyncadd.s32 $0xFFFFF000  }
0x186: {  	[tilespmem:s6], [sflag:$0x3] =	stream.indirect.gather @!p0 [hbm4b:s4+s0], $0x80, s5, s0, $0xb8;
	[tilespmem:$0x1F880] =	vst v63  }
0x187: {  	s0 =	simm.s32 @!p3 $0x80;
	s5 =	simm.s32 @!p3 $0x80;
	s6 =	simm.s32 @!p3 $0x8000  }
0x188: {  	[tilespmem:s6], [sflag:$0x4] =	stream.indirect.gather @!p3 [hbm4b:s4+s0], $0x80, s5, s0, $0xb8;
	[tilespmem:$0x1F880] =	vst v63  }
0x189: {  	p4 =	sle.u32 s17, $0x2;
	_ =	swait.ge @!p2 [sflag:s8], $0x4000  }
0x18a: {  	s9 =	simm.s32 @!p2 $0x80;
	s19 =	simm.s32 @!p2 $0x4000;
	[sflag:s8] =	ssyncset.done @!p2 $0x0  }
0x18b: {  	s5 =	simm.s32 @!p2 $0x2000;
	[sflag:s8] =	ssyncadd.s32 @!p2 $0xFFFFC000;
	s8 =	simm.s32 @!p2 $0x6  }
0x18c: {  	[spmem:s1] =	stream.indirect.scatter.add.f32 @!p2 [tilespmem:s19], [sflag:$0x6], $0x80, s5, s9, $0xb8;
	[tilespmem:$0x1F880] =	vst v63  }
0x18d: {  	s5 =	simm.s32 @!p4 $0x4000;
	_ =	swait.ge @!p2 [sflag:s8], $0x4000  }
0x18e: {  	s9 =	simm.s32 @!p3 $0x4;
	s19 =	simm.s32 @!p4 $0x80;
	[sflag:s8] =	ssyncset.done @!p2 $0x0  }
0x18f: {  	[sflag:s8] =	ssyncadd.s32 @!p2 $0xFFFFC000;
	s8 =	simm.s32 @!p4 $0x100;
	p2 =	por p3, p3  }
0x190: {  	[tilespmem:s5], [sflag:$0x3] =	stream.indirect.gather @!p4 [hbm4b:s4+s19], $0x80, s8, s19, $0xb8;
	[tilespmem:$0x1F880] =	vst v63  }
0x191: {  	_ =	swait.ge @!p2 [sflag:s9], $0x4000  }
0x192: {  	s31 =	simm.s32 $0x800;
	[sflag:s9] =	ssyncset.done @!p2 $0x0  }
0x193: {  	s30 =	simm.s32 $0x2;
	s5 =	simm.s32 @!p3 $0x2080;
	[sflag:s9] =	ssyncadd.s32 @!p2 $0xFFFFC000  }
0x194: {  	[spmem:s1] =	stream.indirect.scatter.add.f32 @!p2 [tilespmem:s6], [sflag:$0x5], $0x80, s5, s0, $0xb8;
	[tilespmem:$0x1F880] =	vst v63  }
0x195: {  	s8 =	simm.s32 $0x400;
	s9 =	simm.s32 $0x3;
	s5 =	simm.s32 @!p2 $0x5  }
.LBB2_10:
0x196: {  	p4 =	sge.u32 s9, s17  }
0x197: {  	p5 =	sge.u32 s30, s17;
	_ =	swait.ge @!p2 [sflag:s5], $0x4000;
	s6 =	smov.u32 s31  }
0x198: {  	s0 =	sshra.s32 @!p4 s8, $0x2;
	s19 =	simm.s32 @!p4 $0x80;
	[sflag:s5] =	ssyncset.done @!p2 $0x0  }
0x199: {  	s20 =	simm.s32 @!p4 $0x8000;
	s9 =	sadd.s32 @!p4 $0x80, s0;
	s21 =	sadd.s32 @!p4 $0x2080, s0  }
0x19a: {  	s22 =	sshra.s32 @!p5 s8, $0x2;
	s0 =	simm.s32 @!p5 $0x3;
	[sflag:s5] =	ssyncadd.s32 @!p2 $0xFFFFC000  }
0x19b: {  	[tilespmem:s20], [sflag:$0x4] =	stream.indirect.gather @!p4 [hbm4b:s4+s19], $0x80, s9, s19, $0xb8;
	[tilespmem:$0x1F880] =	vst v63  }
0x19c: {  	s31 =	sadd.s32 $0x400, s31;
	s5 =	sadd.s32 @!p5 $0x2000, s22;
	_ =	swait.ge @!p5 [sflag:s0], $0x4000  }
0x19d: {  	s22 =	simm.s32 @!p5 $0x4000;
	s9 =	simm.s32 @!p5 $0x80;
	[sflag:s0] =	ssyncset.done @!p5 $0x0  }
0x19e: {  	s30 =	sadd.s32 $0x2, s30;
	s23 =	simm.s32 @!p5 $0x6;
	[sflag:s0] =	ssyncadd.s32 @!p5 $0xFFFFC000  }
0x19f: {  	[spmem:s1] =	stream.indirect.scatter.add.f32 @!p5 [tilespmem:s22], [sflag:$0x6], $0x80, s5, s9, $0xb8;
	[tilespmem:$0x1F880] =	vst v63  }
0x1a0: {  	p6 =	sne.s32 s31, $0x4000;
	p3 =	sge.u32 s30, s17;
	_ =	swait.ge @!p5 [sflag:s23], $0x4000  }
0x1a1: {  	s0 =	simm.s32 @!p3 $0x4000;
	s22 =	simm.s32 @!p4 $0x4;
	[sflag:s23] =	ssyncset.done @!p5 $0x0  }
0x1a2: {  	s5 =	sshra.s32 @!p3 s8, $0x2;
	s8 =	smov.u32 s6;
	[sflag:s23] =	ssyncadd.s32 @!p5 $0xFFFFC000  }
0x1a3: {  	p2 =	por p4, p4;
	s6 =	simm.s32 @!p3 $0x80;
	s5 =	sadd.s32 @!p3 $0x100, s5  }
0x1a4: {  	[tilespmem:s0], [sflag:$0x3] =	stream.indirect.gather @!p3 [hbm4b:s4+s6], $0x80, s5, s6, $0xb8;
	[tilespmem:$0x1F880] =	vst v63  }
.Ltmp4:
0x1a5: {  	_ = 	snop;
	(pc) =	sbr.rel @p6 .LBB2_10-.Ltmp4, $4  }
0x1a6: {  	s5 =	simm.s32 @!p2 $0x5;
	_ =	swait.ge @!p2 [sflag:s22], $0x4000  }
0x1a7: {  	[sflag:s22] =	ssyncset.done @!p2 $0x0  }
0x1a8: {  	s9 =	sadd.s32 $0x1, s30;
	[sflag:s22] =	ssyncadd.s32 @!p2 $0xFFFFC000  }
0x1a9: {  	[spmem:s1] =	stream.indirect.scatter.add.f32 @!p2 [tilespmem:s20], [sflag:$0x5], $0x80, s21, s19, $0xb8;
	[tilespmem:$0x1F880] =	vst v63  }
0x1aa: {  	p4 =	sge.u32 s9, s17  }
0x1ab: {  	_ =	swait.ge @!p2 [sflag:s5], $0x4000;
	s9 =	sshra.s32 @!p4 s8, $0x2  }
0x1ac: {  	s19 =	simm.s32 @!p4 $0x80;
	[sflag:s5] =	ssyncset.done @!p2 $0x0;
	s21 =	simm.s32 @!p4 $0x8000  }
0x1ad: {  	s20 =	sadd.s32 @!p4 $0x80, s9;
	[sflag:s5] =	ssyncadd.s32 @!p2 $0xFFFFC000;
	s5 =	simm.s32 @!p3 $0x3  }
0x1ae: {  	[tilespmem:s21], [sflag:$0x4] =	stream.indirect.gather @!p4 [hbm4b:s4+s19], $0x80, s20, s19, $0xb8;
	[tilespmem:$0x1F880] =	vst v63  }
0x1af: {  	_ =	swait.ge @!p3 [sflag:s5], $0x4000  }
0x1b0: {  	s20 =	sshra.s32 @!p3 s8, $0x2;
	[sflag:s5] =	ssyncset.done @!p3 $0x0  }
0x1b1: {  	[sflag:s5] =	ssyncadd.s32 @!p3 $0xFFFFC000;
	s5 =	sadd.s32 @!p3 $0x2000, s20  }
0x1b2: {  	[spmem:s1] =	stream.indirect.scatter.add.f32 @!p3 [tilespmem:s0], [sflag:$0x6], $0x80, s5, s6, $0xb8;
	[tilespmem:$0x1F880] =	vst v63  }
0x1b3: {  	s23 =	sadd.s32 $0x2, s30;
	s0 =	simm.s32 @!p3 $0x6  }
0x1b4: {  	p2 =	sge.u32 s23, s17;
	_ =	swait.ge @!p3 [sflag:s0], $0x4000  }
0x1b5: {  	s5 =	simm.s32 @!p2 $0x4000;
	s6 =	sshra.s32 @!p2 s8, $0x2;
	[sflag:s0] =	ssyncset.done @!p3 $0x0  }
0x1b6: {  	[sflag:s0] =	ssyncadd.s32 @!p3 $0xFFFFC000;
	s0 =	sadd.s32 @!p2 $0x100, s6;
	s6 =	simm.s32 @!p2 $0x80  }
0x1b7: {  	[tilespmem:s5], [sflag:$0x3] =	stream.indirect.gather @!p2 [hbm4b:s4+s6], $0x80, s0, s6, $0xb8;
	[tilespmem:$0x1F880] =	vst v63  }
0x1b8: {  	s0 =	simm.s32 @!p4 $0x4;
	p2 =	por p4, p4  }
0x1b9: {  	_ =	swait.ge @!p2 [sflag:s0], $0x4000  }
0x1ba: {  	[sflag:s0] =	ssyncset.done @!p2 $0x0  }
0x1bb: {  	[sflag:s0] =	ssyncadd.s32 @!p2 $0xFFFFC000;
	s0 =	sadd.s32 @!p4 $0x2080, s9  }
0x1bc: {  	[spmem:s1] =	stream.indirect.scatter.add.f32 @!p2 [tilespmem:s21], [sflag:$0x5], $0x80, s0, s19, $0xb8;
	[tilespmem:$0x1F880] =	vst v63  }
0x1bd: {  	s0 =	simm.s32 @!p2 $0x5  }
0x1be: {  	_ =	swait.ge @!p2 [sflag:s0], $0x4000  }
0x1bf: {  	[sflag:s0] =	ssyncset.done @!p2 $0x0  }
0x1c0: {  	[sflag:s0] =	ssyncadd.s32 @!p2 $0xFFFFC000  }
0x1c1: {  	[bflag:$0x0] =	sbarrier.arrive $0xFFFF  }
0x1c2: {  	s9 =	rddreg [dreg:$0x11]  }
0x1c3: {  	[tilespmem:s12], [sflag:$0x6] =	stream.linear.gather [spmem:s9], $0x2800, $0x38;
	[tilespmem:$0x1F880] =	vst v63  }
0x1c4: {  	_ =	swait.ge [sflag:s28], $0x2800  }
0x1c5: {  	[sflag:s28] =	ssyncset.done $0x0  }
0x1c6: {  	s5 =	rddreg [dreg:$0x7];
	[sflag:s28] =	ssyncadd.s32 $0xFFFFD800  }
0x1c7: {  	[hbm4b:s5+s3] =	stream.linear.scatter [tilespmem:s12], [sflag:$0x5], $0x2800, $0x38;
	[tilespmem:$0x1F880] =	vst v63  }
0x1c8: {  	_ =	swait.ge [sflag:s13], $0x2800  }
0x1c9: {  	[sflag:s13] =	ssyncset.done $0x0  }
0x1ca: {  	[sflag:s13] =	ssyncadd.s32 $0xFFFFD800  }
0x1cb: {  	[tilespmem:s12], [sflag:$0x6] =	stream.linear.gather [spmem:s25], $0x2800, $0x38;
	[tilespmem:$0x1F880] =	vst v63  }
0x1cc: {  	_ =	swait.ge [sflag:s28], $0x2800  }
0x1cd: {  	[sflag:s28] =	ssyncset.done $0x0  }
0x1ce: {  	s6 =	rddreg [dreg:$0x8];
	[sflag:s28] =	ssyncadd.s32 $0xFFFFD800  }
0x1cf: {  	[hbm4b:s6+s3] =	stream.linear.scatter [tilespmem:s12], [sflag:$0x5], $0x2800, $0x38;
	[tilespmem:$0x1F880] =	vst v63  }
0x1d0: {  	_ =	swait.ge [sflag:s13], $0x2800  }
0x1d1: {  	[sflag:s13] =	ssyncset.done $0x0  }
0x1d2: {  	[sflag:s13] =	ssyncadd.s32 $0xFFFFD800  }
0x1d3: {  	[tilespmem:s12], [sflag:$0x6] =	stream.linear.gather [spmem:s26], $0x2800, $0x38;
	[tilespmem:$0x1F880] =	vst v63  }
0x1d4: {  	_ =	swait.ge [sflag:s28], $0x2800  }
0x1d5: {  	[sflag:s28] =	ssyncset.done $0x0  }
0x1d6: {  	s8 =	rddreg [dreg:$0x9];
	[sflag:s28] =	ssyncadd.s32 $0xFFFFD800  }
0x1d7: {  	[hbm4b:s8+s3] =	stream.linear.scatter [tilespmem:s12], [sflag:$0x5], $0x2800, $0x38;
	[tilespmem:$0x1F880] =	vst v63  }
0x1d8: {  	_ =	swait.ge [sflag:s13], $0x2800  }
0x1d9: {  	[sflag:s13] =	ssyncset.done $0x0  }
0x1da: {  	[sflag:s13] =	ssyncadd.s32 $0xFFFFD800  }
0x1db: {  	[tilespmem:s12], [sflag:$0x6] =	stream.linear.gather [spmem:s10], $0x2800, $0x38;
	[tilespmem:$0x1F880] =	vst v63  }
0x1dc: {  	_ =	swait.ge [sflag:s28], $0x2800  }
0x1dd: {  	[sflag:s28] =	ssyncset.done $0x0  }
0x1de: {  	s19 =	rddreg [dreg:$0xa];
	[sflag:s28] =	ssyncadd.s32 $0xFFFFD800  }
0x1df: {  	[hbm4b:s19+s3] =	stream.linear.scatter [tilespmem:s12], [sflag:$0x5], $0x2800, $0x38;
	[tilespmem:$0x1F880] =	vst v63  }
0x1e0: {  	_ =	swait.ge [sflag:s13], $0x2800  }
0x1e1: {  	[sflag:s13] =	ssyncset.done $0x0  }
0x1e2: {  	[sflag:s13] =	ssyncadd.s32 $0xFFFFD800  }
0x1e3: {  	[tilespmem:s12], [sflag:$0x6] =	stream.linear.gather [spmem:s24], $0x2800, $0x38;
	[tilespmem:$0x1F880] =	vst v63  }
0x1e4: {  	_ =	swait.ge [sflag:s28], $0x2800  }
0x1e5: {  	[sflag:s28] =	ssyncset.done $0x0  }
0x1e6: {  	s20 =	rddreg [dreg:$0xb];
	[sflag:s28] =	ssyncadd.s32 $0xFFFFD800  }
0x1e7: {  	[hbm4b:s20+s3] =	stream.linear.scatter [tilespmem:s12], [sflag:$0x5], $0x2800, $0x38;
	[tilespmem:$0x1F880] =	vst v63  }
0x1e8: {  	_ =	swait.ge [sflag:s13], $0x2800  }
0x1e9: {  	[sflag:s13] =	ssyncset.done $0x0  }
0x1ea: {  	s8 =	rddreg [dreg:$0x12];
	[sflag:s13] =	ssyncadd.s32 $0xFFFFD800  }
0x1eb: {  	[tilespmem:s12], [sflag:$0x6] =	stream.linear.gather [spmem:s8], $0x2800, $0x38;
	[tilespmem:$0x1F880] =	vst v63  }
0x1ec: {  	_ =	swait.ge [sflag:s28], $0x2800  }
0x1ed: {  	[sflag:s28] =	ssyncset.done $0x0  }
0x1ee: {  	s21 =	rddreg [dreg:$0xc];
	[sflag:s28] =	ssyncadd.s32 $0xFFFFD800  }
0x1ef: {  	[hbm4b:s21+s3] =	stream.linear.scatter [tilespmem:s12], [sflag:$0x5], $0x2800, $0x38;
	[tilespmem:$0x1F880] =	vst v63  }
0x1f0: {  	_ =	swait.ge [sflag:s13], $0x2800  }
0x1f1: {  	[sflag:s13] =	ssyncset.done $0x0  }
0x1f2: {  	s19 =	rddreg [dreg:$0x13];
	[sflag:s13] =	ssyncadd.s32 $0xFFFFD800  }
0x1f3: {  	[tilespmem:s12], [sflag:$0x6] =	stream.linear.gather [spmem:s19], $0x2800, $0x38;
	[tilespmem:$0x1F880] =	vst v63  }
0x1f4: {  	_ =	swait.ge [sflag:s28], $0x2800  }
0x1f5: {  	[sflag:s28] =	ssyncset.done $0x0  }
0x1f6: {  	s22 =	rddreg [dreg:$0xd];
	[sflag:s28] =	ssyncadd.s32 $0xFFFFD800  }
0x1f7: {  	[hbm4b:s22+s3] =	stream.linear.scatter [tilespmem:s12], [sflag:$0x5], $0x2800, $0x38;
	[tilespmem:$0x1F880] =	vst v63  }
0x1f8: {  	_ =	swait.ge [sflag:s13], $0x2800  }
0x1f9: {  	s0 =	simm.s32 @!p1 $0x4000;
	[sflag:s13] =	ssyncset.done $0x0  }
0x1fa: {  	s5 =	simm.s32 @!p1 $0x6;
	s20 =	rddreg [dreg:$0x14];
	[sflag:s13] =	ssyncadd.s32 $0xFFFFD800  }
0x1fb: {  	[tilespmem:s0], [sflag:$0x6] =	stream.linear.gather @!p1 [spmem:s20], $0x2800, $0x38;
	[tilespmem:$0x1F880] =	vst v63  }
0x1fc: {  	_ =	swait.ge @!p1 [sflag:s5], $0x2800  }
0x1fd: {  	[sflag:s5] =	ssyncset.done @!p1 $0x0  }
0x1fe: {  	s6 =	rddreg [dreg:$0xe];
	[sflag:s5] =	ssyncadd.s32 @!p1 $0xFFFFD800;
	s5 =	simm.s32 @!p1 $0x0  }
0x1ff: {  	[hbm4b:s6+s5] =	stream.linear.scatter @!p1 [tilespmem:s0], [sflag:$0x5], $0x2800, $0x38;
	[tilespmem:$0x1F880] =	vst v63  }
0x200: {  	s0 =	simm.s32 @!p1 $0x5  }
0x201: {  	_ =	swait.ge @!p1 [sflag:s0], $0x2800  }
0x202: {  	s7 =	sadd.s32 $0x1, s7;
	s23 =	rddreg [dreg:$0x10]  }
0x203: {  	p2 =	sne.s32 s7, s23  }
.Ltmp5:
0x204: {  	_ = 	snop;
	(pc) =	sbr.rel @p2 .LBB2_1-.Ltmp5, $4  }
0x205: {  	_ = 	snop  }
0x206: {  	s30 =	simm.s32 $0xF80  }
0x207: {  	s31 =	simm.s32 $0x2F00;
	s21 =	simm.s32 $0x2000;
	[sflag:s0] =	ssyncset.done @!p1 $0x0  }
0x208: {  	s22 =	simm.s32 $0x1000;
	[sflag:s0] =	ssyncadd.s32 @!p1 $0xFFFFD800;
	s23 =	simm.s32 $0x3000  }
0x209: {  	_ =	sfence.sel $0x180000  }
0x20a: {  	[bflag:$0x0] =	sbarrier.arrive $0xFFFF  }
0x20b: {  	_ =	strace $0x9000004A  }
0x20c: {  	s0 =	stileid.u32;
	[bflag:$0x2] =	sbarrier.arrive $0xFFFF  }
0x20d: {  	p0 =	sne.s32 s0, $0x0;
	s0 =	rddreg [dreg:$0x4]  }
0x20e: {  	s0 =	sadd.s32 @!p0 $0x100000, s0  }
0x20f: {  	[sflag:s0] =	ssyncadd.tile.s32 @!p0 $0x1;
	_ =	shalt  }
.Lfunc_end2:
_tile_overlayer_lowered:
.L_overlay_start_2:
0x210: {  	(tag) =	ssettag $0x2  }
0x211: {  	s0 =	rddreg [dreg:$0x0];
	s2 =	stileid.u32  }
0x212: {  	s1 =	rddreg [dreg:$0x1];
	p0 =	sne.s32 s2, $0x0  }
0x213: {  	s3 =	rddreg [dreg:$0x2];
	[bflag:$0x3] =	sbarrier.arrive $0xFFFF;
	s2 =	simm.s32 @!p0 $0x1C05  }
0x214: {  	[timem:s3], [sflag:s2] =	dma.local @!p0 [hbm:s0], s1  }
0x215: {  	s0 =	simm.s32 @!p0 $0x5  }
0x216: {  	_ =	swait.ge @!p0 [sflag:s0], s1  }
0x217: {  	s1 =	ssub.s32 @!p0 $0x0, s1;
	[sflag:s0] =	ssyncset.done @!p0 $0x0  }
0x218: {  	[sflag:s0] =	ssyncadd.s32 @!p0 s1  }
0x219: {  	[bflag:$0x3] =	sbarrier.arrive $0xFFFF  }
0x21a: {  	_ =	shalt  }

// kernel: kernel.7.cloned.1.call-start
scs
__scs_entry_jumppad:
0x0: {  	(pc) =	sbr.rel $0x88, $3  }
0x1: {  	(tag) =	ssettag $0x0;
	lr =	simm.s32 $0x1  }
0x2: {  	[smem:$0x3F9B] =	sst lr;
	_ =	strace $0xD0000000  }
0x3: {  	_ = 	snop  }
0x4: {  	_ = 	snop  }
0x5: {  	_ = 	snop  }
0x6: {  	_ = 	snop  }
0x7: {  	_ = 	snop  }
__scs_overlays_trampoline_lowered:
0x8: {  	[smem:$0x3FAA] =	sst s0  }
0x9: {  	[smem:$0x3FAB] =	sst s1  }
0xa: {  	[smem:$0x3FAC] =	sst s2  }
0xb: {  	[smem:$0x3FAD] =	sst s3  }
0xc: {  	[smem:$0x3FAE] =	sst s4  }
0xd: {  	[smem:$0x3FAF] =	sst s5  }
0xe: {  	[smem:$0x3FB0] =	sst s6  }
0xf: {  	[smem:$0x3FB1] =	sst s7  }
0x10: {  	[smem:$0x3FB2] =	sst s8  }
0x11: {  	[smem:$0x3FB3] =	sst s9;
	s0 =	simm.s32 @!p0 $0x0  }
0x12: {  	s1 =	sld [smem:$0x3F99];
	s0 =	simm.s32 @p0 $0x1  }
0x13: {  	[smem:$0x3FB4] =	sst s0;
	s0 =	simm.s32 @!p1 $0x0  }
0x14: {  	s2 =	sld [smem:$0x3F98];
	s0 =	simm.s32 @p1 $0x1  }
0x15: {  	[smem:$0x3FB5] =	sst s0;
	s0 =	simm.s32 @!p2 $0x0  }
0x16: {  	s3 =	sld [smem:$0x3FDB];
	s0 =	simm.s32 @p2 $0x1  }
0x17: {  	s4 =	simm.s32 $0x1BF5;
	[smem:$0x3FB7] =	sst s0  }
0x18: {  	s0 =	sld [smem:$0x3F9A];
	_ =	swait.ge [sflag:s4], $0x0  }
0x19: {  	s7 =	sld [smem:$0x3F9B]  }
0x1a: {  	s8 =	sadd.s32 $0xFFFFE003, lr  }
0x1b: {  	s9 =	sadd.s32 $0xFFFFFEF7, lr;
	s5 =	simm.s32 $0xFFFFFFFF;
	p2 =	slt.u32 s8, $0xFFFFF086  }
0x1c: {  	p1 =	slt.u32 s9, $0xF7A;
	s5 =	simm.s32 @!p2 $0x0  }
0x1d: {  	s5 =	simm.s32 @p1 $0x1;
	p0 =	seq.s32 s7, s2  }
0x1e: {  	s7 =	smul.u32 @!p0 $0xF7A, s2;
	p2 =	seq.s32 @!p0 s5, $0x0  }
0x1f: {  	s9 =	smul.u32 $0xF7A, s1;
	s8 =	simm.s32 @!p0 $0x1BF5;
	p2 =	por !p2, p0  }
0x20: {  	[sflag:s8] =	ssyncset.s32 @!p0 $0xFFFFF086;
	s6 =	sadd.s32 @!p0 s3, s7;
	s7 =	simm.s32 @!p0 $0x108  }
0x21: {  	s3 =	sadd.s32 s3, s9;
	s6 =	sadd.s32 @!p0 $0x88, s6;
	s7 =	simm.s32 @p2 $0x1082  }
0x22: {  	[simem:s7], [sflag:s8] =	dma.local @!p0 [hbm:s6], $0xF7A  }
0x23: {  	s9 =	sor.u32 $0xD0000000, s2;
	s6 =	simm.s32 $0x108;
	_ =	swait.ge @!p0 [sflag:s8], $0x0  }
0x24: {  	s3 =	sadd.s32 $0x88, s3;
	s6 =	simm.s32 @!p1 $0x1082;
	[sflag:s4] =	ssyncset.s32 $0xFFFFF086  }
0x25: {  	[simem:s6], [sflag:s4] =	dma.local [hbm:s3], $0xF7A  }
0x26: {  	[smem:$0x3F9B] =	sst s1;
	(tag) =	ssettag s2;
	_ =	strace s9  }
0x27: {  	s1 =	sld [smem:$0x3FAB]  }
0x28: {  	s2 =	sld [smem:$0x3FAC]  }
0x29: {  	s4 =	sld [smem:$0x3FAE]  }
0x2a: {  	p0 =	seq.s32 s5, $0x0;
	s5 =	sld [smem:$0x3FAF]  }
0x2b: {  	s6 =	sld [smem:$0x3FB0]  }
0x2c: {  	s7 =	sld [smem:$0x3FB1]  }
0x2d: {  	s3 =	simm.s32 $0x108;
	s8 =	sld [smem:$0x3FB2]  }
0x2e: {  	s3 =	simm.s32 @!p0 $0x1082;
	s9 =	sld [smem:$0x3FB3]  }
0x2f: {  	lr =	sadd.s32 s0, s3;
	s0 =	sld [smem:$0x3FAA]  }
0x30: {  	s3 =	sld [smem:$0x3FAD]  }
0x31: {  	[smem:$0x3FB6] =	sst s10  }
0x32: {  	s10 =	sld [smem:$0x3FB4];
	_ =	sdelay $0x3  }
0x33: {  	p0 =	seq.s32 s10, $0x1;
	s10 =	sld [smem:$0x3FB6];
	_ =	sdelay $0x3  }
0x34: {  	[smem:$0x3FB6] =	sst s10  }
0x35: {  	s10 =	sld [smem:$0x3FB5];
	_ =	sdelay $0x3  }
0x36: {  	p1 =	seq.s32 s10, $0x1;
	s10 =	sld [smem:$0x3FB6];
	_ =	sdelay $0x3  }
0x37: {  	[smem:$0x3FB6] =	sst s10  }
0x38: {  	s10 =	sld [smem:$0x3FB7]  }
0x39: {  	_ = 	snop;
	(pc) =	sbr.ind lr, $3  }
0x3a: {  	_ = 	snop  }
0x3b: {  	_ = 	snop  }
0x3c: {  	p2 =	seq.s32 s10, $0x1;
	s10 =	sld [smem:$0x3FB6]  }
0x3d: {  	_ =	shalt  }
0x3e: {  	_ =	shalt  }
0x3f: {  	_ =	shalt  }
0x40: {  	_ =	shalt  }
0x41: {  	_ =	shalt  }
0x42: {  	_ =	shalt  }
0x43: {  	_ =	shalt  }
0x44: {  	_ =	shalt  }
0x45: {  	_ =	shalt  }
0x46: {  	_ =	shalt  }
0x47: {  	_ =	shalt  }
0x48: {  	_ =	shalt  }
0x49: {  	_ =	shalt  }
0x4a: {  	_ =	shalt  }
0x4b: {  	_ =	shalt  }
0x4c: {  	_ =	shalt  }
0x4d: {  	_ =	shalt  }
0x4e: {  	_ =	shalt  }
0x4f: {  	_ =	shalt  }
0x50: {  	_ =	shalt  }
0x51: {  	_ =	shalt  }
0x52: {  	_ =	shalt  }
0x53: {  	_ =	shalt  }
0x54: {  	_ =	shalt  }
0x55: {  	_ =	shalt  }
0x56: {  	_ =	shalt  }
0x57: {  	_ =	shalt  }
0x58: {  	_ =	shalt  }
0x59: {  	_ =	shalt  }
0x5a: {  	_ =	shalt  }
0x5b: {  	_ =	shalt  }
0x5c: {  	_ =	shalt  }
0x5d: {  	_ =	shalt  }
0x5e: {  	_ =	shalt  }
0x5f: {  	_ =	shalt  }
0x60: {  	_ =	shalt  }
0x61: {  	_ =	shalt  }
0x62: {  	_ =	shalt  }
0x63: {  	_ =	shalt  }
0x64: {  	_ =	shalt  }
0x65: {  	_ =	shalt  }
0x66: {  	_ =	shalt  }
0x67: {  	_ =	shalt  }
0x68: {  	_ =	shalt  }
0x69: {  	_ =	shalt  }
0x6a: {  	_ =	shalt  }
0x6b: {  	_ =	shalt  }
0x6c: {  	_ =	shalt  }
0x6d: {  	_ =	shalt  }
0x6e: {  	_ =	shalt  }
0x6f: {  	_ =	shalt  }
0x70: {  	_ =	shalt  }
0x71: {  	_ =	shalt  }
0x72: {  	_ =	shalt  }
0x73: {  	_ =	shalt  }
0x74: {  	_ =	shalt  }
0x75: {  	_ =	shalt  }
0x76: {  	_ =	shalt  }
0x77: {  	_ =	shalt  }
0x78: {  	_ =	shalt  }
0x79: {  	_ =	shalt  }
0x7a: {  	_ =	shalt  }
0x7b: {  	_ =	shalt  }
0x7c: {  	_ =	shalt  }
0x7d: {  	_ =	shalt  }
0x7e: {  	_ =	shalt  }
0x7f: {  	_ =	shalt  }
0x80: {  	_ =	shalt  }
0x81: {  	_ =	shalt  }
0x82: {  	_ =	shalt  }
0x83: {  	_ =	shalt  }
0x84: {  	_ =	shalt  }
0x85: {  	_ =	shalt  }
0x86: {  	_ =	shalt  }
0x87: {  	_ =	shalt  }
.Lfunc_end0:
.L_simem_size_0:
called_computation_lowered:
.L_overlay_start_0:
0x88: {  	s2 =	sld [smem:$0x3FD9]  }
0x89: {  	s3 =	sld [smem:$0x3FFE];
	_ =	sdelay $0x1  }
0x8a: {  	s1 =	srdreg.scid  }
0x8b: {  	s0 =	sand.u32 $0x1, s1  }
0x8c: {  	s14 =	sshll.u32 s0, $0xA;
	s2 =	sadd.s32 s3, s2  }
0x8d: {  	s2 =	sadd.s32 s2, s14  }
0x8e: {  	[smem:$0x3FC2] =	sst s2  }
0x8f: {  	_ = 	snop  }
0x90: {  	s2 =	sld [smem:$0x3FD0];
	_ =	sdelay $0x2  }
0x91: {  	s15 =	simm.s32 $0xA;
	s4 =	simm.s32 $0x10  }
0x92: {  	[smem:s4], [sflag:s15] =	dma.local [hbm:s2], $0x1  }
0x93: {  	_ =	swait.eq [sflag:s15], $0x1  }
0x94: {  	[sflag:s15] =	ssyncset.done $0x0  }
0x95: {  	[sflag:s15] =	ssyncadd.s32 $0xFFFFFFFF  }
0x96: {  	s16 =	sld [smem:$0x10];
	(tm) =	ssettm $0x1  }
0x97: {  	s17 =	sld [smem:$0x3FFB];
	_ =	sdelay $0x3  }
0x98: {  	_ =	strace s17  }
0x99: {  	s3 =	sld [smem:$0x3FFC];
	_ =	sdelay $0x3  }
0x9a: {  	_ =	strace s3  }
0x9b: {  	s3 =	sld [smem:$0x3FFD];
	_ =	sdelay $0x3  }
0x9c: {  	_ =	strace s3  }
0x9d: {  	_ =	strace $0x8FFFFFFF  }
0x9e: {  	s18 =	sld [smem:$0x3FDB];
	_ =	sdelay $0x1  }
0x9f: {  	s19 =	simm.s32 $_scs_section_size  }
0xa0: {  	s5 =	simm.s32 $_size__tile_overlayer_lowered;
	s6 =	simm.s32 $_tile_overlayer_lowered  }
0xa1: {  	s22 =	simm.s32 $0x1BFF;
	s21 =	sshll.u32 s6, $0x1;
	s3 =	sadd.s32 s19, s18  }
0xa2: {  	s7 =	simm.s32 $0x0;
	s20 =	sshll.u32 s5, $0x1;
	s5 =	sadd.s32 s21, s3  }
0xa3: {  	[timem:s7], [sflag:s22] =	dma.local [hbm:s5], s20  }
0xa4: {  	_ =	swait.ge [sflag:s22], s20  }
0xa5: {  	s4 =	ssub.s32 $0x0, s20;
	[sflag:s22] =	ssyncset.done $0x0  }
0xa6: {  	[sflag:s22] =	ssyncadd.s32 s4;
	_ =	sdelay $0x1  }
0xa7: {  	s23 =	simm.s32 $0x1B8B  }
0xa8: {  	_ =	swait.ge [sflag:s23], $0x1  }
0xa9: {  	[sflag:s23] =	ssyncset.done $0x0  }
0xaa: {  	s25 =	simm.s32 $0x1B8E;
	s24 =	sld [smem:$0x3FFE];
	[sflag:s23] =	ssyncadd.s32 $0xFFFFFFFF  }
0xab: {  	s26 =	simm.s32 $execute0_lowered;
	[smem:$0x3FD2] =	sst s25  }
0xac: {  	s5 =	sshll.u32 s26, $0x1;
	_ =	strace $0x80000046;
	[dreg:$0x1] =	wrdreg $0xFFFFFFFF  }
0xad: {  	s28 =	simm.s32 $_size_execute0_lowered;
	s3 =	sadd.s32 s3, s5;
	[dreg:$0x0] =	wrdreg $0x0  }
0xae: {  	s5 =	sshll.u32 s28, $0x1;
	[dreg:$0x2] =	wrdreg s3  }
0xaf: {  	[dreg:$0x3] =	wrdreg s5  }
0xb0: {  	[dreg:$0x4] =	wrdreg $0xC0  }
0xb1: {  	_ =	task [dreg:s7], $0x5FFFF  }
0xb2: {  	[dreg:$0x1] =	wrdreg $0xFFFFFFFF  }
0xb3: {  	[dreg:$0x0] =	wrdreg $0x60  }
0xb4: {  	[dreg:$0x2] =	wrdreg s16  }
0xb5: {  	[dreg:$0x3] =	wrdreg s24  }
0xb6: {  	[dreg:$0x4] =	wrdreg $0x90000  }
0xb7: {  	[dreg:$0x5] =	wrdreg $0x9  }
0xb8: {  	_ =	task.clear_ibuf [dreg:s7], $0x6FFFF;
	_ =	strace $0x90000046  }
0xb9: {  	s29 =	simm.s32 $0x9;
	_ =	strace $0x80000048  }
0xba: {  	_ =	swait.ge [sflag:s29], $0x1  }
0xbb: {  	[sflag:s29] =	ssyncadd.s32 $0xFFFFFFFF  }
0xbc: {  	_ =	strace $0x90000048  }
0xbd: {  	_ =	sfence  }
0xbe: {  	s30 =	sld [smem:$0x0];
	_ =	sdelay $0x2  }
0xbf: {  	s31 =	sshll.u32 s1, $0xD;
	s1 =	sshrl.u32 s1, $0x2  }
0xc0: {  	s3 =	sand.u32 $0x4000, s31;
	s1 =	sadd.s32 s1, s30  }
0xc1: {  	s0 =	sor.u32 s3, s0;
	s1 =	sshll.u32 s1, $0x11  }
0xc2: {  	s0 =	sor.u32 s1, s0  }
0xc3: {  	s0 =	sadd.s32 $0x8F2B, s0  }
0xc4: {  	[sflag:s0] =	ssyncadd.remote.s32 $0x1  }
0xc5: {  	_ =	sfence.sel $0xFFFF  }
0xc6: {  	[dreg:$0x0] =	wrdreg $0xFFFFFFFF;
	(pc) =	sbr.abs _section_cstart, $3  }
0xc7: {  	[dreg:$0x1] =	wrdreg $0xFFFFFFFF  }
0xc8: {  	_ =	task.clear_ibuf [dreg:s7], $0x2FFFF;
	_ =	strace $0x9FFFFFFF  }
0xc9: {  	(tm) =	ssettm $0x7FFFFFFF  }
tec
execute0_lowered:
.L_overlay_start_1:
0x0: {  	(tag) =	ssettag $0x1  }
0x1: {  	s0 =	rddreg [dreg:$0x0]  }
0x2: {  	s1 =	srdreg.scid;
	s4 =	rddreg [dreg:$0x1]  }
0x3: {  	s2 =	rddreg [dreg:$0x2];
	s20 =	stileid.u32  }
0x4: {  	s3 =	simm.s32 $0x0;
	s28 =	simm.s32 $0x6800;
	s29 =	simm.s32 $0x3  }
0x5: {  	s30 =	simm.s32 $0x0;
	s1 =	sand.u32 $0x1, s1;
	[smem:$0x7FF] =	sst s3  }
0x6: {  	s6 =	sadd.s32 $0x2A00, s4;
	s8 =	sadd.s32 $0x2400, s4;
	s4 =	sadd.s32 $0x3200, s4  }
0x7: {  	s25 =	smul.u32 $0xA000, s20;
	s10 =	sor.u32 $0x10, s20;
	s11 =	sor.u32 $0x20, s20  }
0x8: {  	s13 =	sor.u32 $0x30, s20;
	s14 =	sor.u32 $0x40, s20;
	s26 =	smul.u32 $0xA000, s10  }
0x9: {  	s15 =	sor.u32 $0x50, s20;
	s5 =	sshll.u32 s1, $0x4;
	s12 =	smul.u32 $0xA000, s11  }
0xa: {  	s16 =	sor.u32 $0x60, s20;
	s31 =	smul.u32 $0xA000, s13;
	s5 =	sor.u32 s20, s5  }
0xb: {  	_ =	strace $0x80000047;
	s19 =	ssub.s32 $0x2, s1;
	s7 =	smul.u32 $0xFFFFFFB0, s5  }
0xc: {  	[dreg:$0x9] =	wrdreg s6;
	s21 =	sshrl.u32 s19, $0x1;
	s5 =	smul.u32 $0x500, s5  }
0xd: {  	[dreg:$0xa] =	wrdreg s8;
	s8 =	ssub.s32 s19, s21;
	s19 =	smul.u32 $0xA000, s14  }
0xe: {  	s12 =	sshrl.u32 s12, $0x2;
	s8 =	smax.u32 s8, $0x1;
	p0 =	slt.s32 s7, $0xFFFFF68C  }
0xf: {  	s0 =	sadd.s32 s0, s5;
	[dreg:$0xc] =	wrdreg s8;
	s5 =	sshrl.u32 s25, $0x2  }
0x10: {  	s8 =	sshrl.u32 s19, $0x2;
	s25 =	sor.u32 $0x70, s20;
	s7 =	simm.s32 @!p0 $0xFFFFF68C  }
0x11: {  	[dreg:$0xb] =	wrdreg s0;
	s0 =	smul.u32 $0x7D, s1;
	s22 =	sadd.s32 $0x9CC, s7  }
0x12: {  	s1 =	sshrl.u32 s26, $0x2;
	s9 =	sadd.s32 $0x9CB, s7;
	[dreg:$0x4] =	wrdreg s22  }
0x13: {  	p1 =	sgt.u32 s25, $0x7C;
	s23 =	sadd.s32 $0x9CA, s7;
	[dreg:$0x5] =	wrdreg s9  }
0x14: {  	s6 =	sadd.s32 $0x9C4, s7;
	s24 =	sadd.s32 $0x9C9, s7;
	[dreg:$0x6] =	wrdreg s23  }
0x15: {  	s7 =	sadd.s32 $0x9C7, s7;
	[dreg:$0x7] =	wrdreg s24;
	s22 =	smul.u32 $0xA000, s15  }
0x16: {  	[dreg:$0x8] =	wrdreg s7;
	s9 =	sadd.s32 s5, s2;
	s5 =	smul.u32 $0xA000, s16  }
0x17: {  	s17 =	sadd.s32 s0, s20;
	s18 =	sadd.s32 s0, s10;
	s10 =	sadd.s32 s1, s2  }
0x18: {  	s11 =	sadd.s32 s0, s11;
	s13 =	sadd.s32 s0, s13;
	s17 =	smul.u32 $0x500, s17  }
0x19: {  	s7 =	sshrl.u32 s31, $0x2;
	s21 =	sadd.s32 s0, s14;
	s1 =	smul.u32 $0x500, s18  }
0x1a: {  	s23 =	sadd.s32 s0, s15;
	s26 =	sadd.s32 s0, s16;
	s11 =	smul.u32 $0x500, s11  }
0x1b: {  	s0 =	sadd.s32 s0, s25;
	s18 =	smul.u32 $0x500, s13;
	s31 =	sadd.s32 s4, s17  }
0x1c: {  	s19 =	smul.u32 $0x500, s21;
	s1 =	sadd.s32 s4, s1;
	[dreg:$0xd] =	wrdreg s31  }
0x1d: {  	s24 =	smul.u32 $0x500, s23;
	s16 =	sadd.s32 s4, s11;
	[dreg:$0xe] =	wrdreg s1  }
0x1e: {  	s15 =	smul.u32 $0x500, s26;
	s18 =	sadd.s32 s4, s18;
	[dreg:$0xf] =	wrdreg s16  }
0x1f: {  	s0 =	smul.u32 $0x500, s0;
	s19 =	sadd.s32 s4, s19;
	[dreg:$0x10] =	wrdreg s18  }
0x20: {  	s26 =	sshrl.u32 s22, $0x2;
	s21 =	sadd.s32 s4, s24;
	[dreg:$0x11] =	wrdreg s19  }
0x21: {  	s23 =	sadd.s32 s4, s15;
	s0 =	sadd.s32 s4, s0;
	[dreg:$0x12] =	wrdreg s21  }
0x22: {  	s24 =	smul.u32 $0xA000, s25;
	s11 =	sadd.s32 s12, s2;
	[dreg:$0x13] =	wrdreg s23  }
0x23: {  	[dreg:$0x14] =	wrdreg s0;
	s31 =	sshrl.u32 s5, $0x2;
	s5 =	sadd.s32 s26, s2  }
0x24: {  	s0 =	sshrl.u32 s24, $0x2;
	s12 =	sadd.s32 s31, s2;
	[dreg:$0x15] =	wrdreg s5  }
0x25: {  	s13 =	sadd.s32 s0, s2;
	[dreg:$0x16] =	wrdreg s12;
	s0 =	simm.s32 @!p1 $0x0  }
0x26: {  	s8 =	sadd.s32 s8, s2;
	[dreg:$0x17] =	wrdreg s13;
	s0 =	simm.s32 @p1 $0x1  }
0x27: {  	s7 =	sadd.s32 s7, s2;
	s25 =	simm.s32 $0x2;
	[smem:$0x7FD] =	sst s0  }
.LBB2_1:
0x28: {  	s0 =	rddreg [dreg:$0xb]  }
0x29: {  	[tilespmem:s3], [sflag:$0x2] =	stream.linear.gather [hbm4b:s0+s3], $0x2800, $0x38;
	[tilespmem:$0x1C880] =	vst v63  }
0x2a: {  	_ =	swait.ge [sflag:s25], $0x2800  }
0x2b: {  	[sflag:s25] =	ssyncset.done $0x0  }
0x2c: {  	s1 =	simm.s32 $0x2800;
	s24 =	rddreg [dreg:$0x9];
	[sflag:s25] =	ssyncadd.s32 $0xFFFFD800  }
0x2d: {  	[tilespmem:s1], [sflag:$0x2] =	stream.linear.gather [hbm4b:s24+s3], $0x4000, $0x38;
	[tilespmem:$0x1C880] =	vst v63  }
0x2e: {  	_ =	swait.ge [sflag:s25], $0x4000  }
0x2f: {  	[sflag:s25] =	ssyncset.done $0x0  }
0x30: {  	s26 =	rddreg [dreg:$0xa];
	[sflag:s25] =	ssyncadd.s32 $0xFFFFC000  }
0x31: {  	[tilespmem:s28], [sflag:$0x2] =	stream.linear.gather [hbm4b:s26+s3], $0x2800, $0x38;
	[tilespmem:$0x1C880] =	vst v63  }
0x32: {  	_ =	swait.ge [sflag:s25], $0x2800  }
0x33: {  	[sflag:s25] =	ssyncset.done $0x0  }
0x34: {  	[sflag:s25] =	ssyncadd.s32 $0xFFFFD800  }
0x35: {  	[spmem:s9] =	stream.linear.scatter [tilespmem:s28], [sflag:$0x2], $0x2800, $0x38;
	[tilespmem:$0x1C880] =	vst v63  }
0x36: {  	_ =	swait.ge [sflag:s25], $0x2800  }
0x37: {  	[sflag:s25] =	ssyncset.done $0x0  }
0x38: {  	[sflag:s25] =	ssyncadd.s32 $0xFFFFD800  }
0x39: {  	[spmem:s10] =	stream.linear.scatter [tilespmem:s28], [sflag:$0x2], $0x2800, $0x38;
	[tilespmem:$0x1C880] =	vst v63  }
0x3a: {  	_ =	swait.ge [sflag:s25], $0x2800  }
0x3b: {  	[sflag:s25] =	ssyncset.done $0x0  }
0x3c: {  	[sflag:s25] =	ssyncadd.s32 $0xFFFFD800  }
0x3d: {  	[spmem:s11] =	stream.linear.scatter [tilespmem:s28], [sflag:$0x2], $0x2800, $0x38;
	[tilespmem:$0x1C880] =	vst v63  }
0x3e: {  	_ =	swait.ge [sflag:s25], $0x2800  }
0x3f: {  	[sflag:s25] =	ssyncset.done $0x0  }
0x40: {  	[sflag:s25] =	ssyncadd.s32 $0xFFFFD800  }
0x41: {  	[spmem:s7] =	stream.linear.scatter [tilespmem:s28], [sflag:$0x2], $0x2800, $0x38;
	[tilespmem:$0x1C880] =	vst v63  }
0x42: {  	_ =	swait.ge [sflag:s25], $0x2800  }
0x43: {  	[sflag:s25] =	ssyncset.done $0x0  }
0x44: {  	[sflag:s25] =	ssyncadd.s32 $0xFFFFD800  }
0x45: {  	[spmem:s8] =	stream.linear.scatter [tilespmem:s28], [sflag:$0x2], $0x2800, $0x38;
	[tilespmem:$0x1C880] =	vst v63  }
0x46: {  	_ =	swait.ge [sflag:s25], $0x2800  }
0x47: {  	[sflag:s25] =	ssyncset.done $0x0  }
0x48: {  	[sflag:s25] =	ssyncadd.s32 $0xFFFFD800  }
0x49: {  	[spmem:s5] =	stream.linear.scatter [tilespmem:s28], [sflag:$0x2], $0x2800, $0x38;
	[tilespmem:$0x1C880] =	vst v63  }
0x4a: {  	_ =	swait.ge [sflag:s25], $0x2800  }
0x4b: {  	[sflag:s25] =	ssyncset.done $0x0  }
0x4c: {  	[sflag:s25] =	ssyncadd.s32 $0xFFFFD800  }
0x4d: {  	[spmem:s12] =	stream.linear.scatter [tilespmem:s28], [sflag:$0x2], $0x2800, $0x38;
	[tilespmem:$0x1C880] =	vst v63  }
0x4e: {  	s20 =	smov.u32 s9;
	s21 =	smov.u32 s10;
	_ =	swait.ge [sflag:s25], $0x2800  }
0x4f: {  	s22 =	smov.u32 s11;
	s23 =	smov.u32 s7;
	[sflag:s25] =	ssyncset.done $0x0  }
0x50: {  	s31 =	simm.s32 $0x10;
	s0 =	simm.s32 @!p1 $0x6800;
	[sflag:s25] =	ssyncadd.s32 $0xFFFFD800  }
0x51: {  	[spmem:s13] =	stream.linear.scatter @!p1 [tilespmem:s0], [sflag:$0x2], $0x2800, $0x38;
	[tilespmem:$0x1C880] =	vst v63  }
0x52: {  	p3 =	sle.u32 s6, $0x1;
	p0 =	sle.u32 s6, $0x2;
	s0 =	simm.s32 @!p1 $0x2  }
0x53: {  	p2 =	sle.u32 s6, $0x0;
	p5 =	por $0x1, $0x1;
	_ =	swait.ge @!p1 [sflag:s0], $0x2800  }
0x54: {  	p4 =	sle.u32 s6, $0x9;
	s4 =	simm.s32 @!p0 $0x80;
	[sflag:s0] =	ssyncset.done @!p1 $0x0  }
0x55: {  	s24 =	smov.u32 s8;
	s1 =	simm.s32 @!p3 $0x2800;
	[sflag:s0] =	ssyncadd.s32 @!p1 $0xFFFFD800  }
0x56: {  	s7 =	simm.s32 @!p2 $0x80;
	s5 =	simm.s32 @!p2 $0x2800;
	[bflag:$0x0] =	sbarrier.arrive $0xFFFF  }
0x57: {  	[spmem:s2] =	stream.indirect.scatter.add.f32 @!p2 [tilespmem:s5], [sflag:$0x1], $0x80, s3, s7, $0xb8;
	[tilespmem:$0x1C880] =	vst v63  }
0x58: {  	s26 =	simm.s32 $0x400;
	p1 =	sle.u32 s6, $0x3;
	p2 =	sle.u32 s6, $0x4  }
0x59: {  	s5 =	simm.s32 @!p3 $0x80;
	s7 =	simm.s32 @!p3 $0x80;
	s8 =	simm.s32 @!p2 $0x2800  }
0x5a: {  	[spmem:s2] =	stream.indirect.scatter.add.f32 @!p3 [tilespmem:s1], [sflag:$0x1], $0x80, s7, s5, $0xb8;
	[tilespmem:$0x1C880] =	vst v63  }
0x5b: {  	s1 =	simm.s32 @!p0 $0x2800;
	s5 =	simm.s32 @!p0 $0x100;
	s7 =	simm.s32 @!p1 $0x180  }
0x5c: {  	[spmem:s2] =	stream.indirect.scatter.add.f32 @!p0 [tilespmem:s1], [sflag:$0x1], $0x80, s5, s4, $0xb8;
	[tilespmem:$0x1C880] =	vst v63  }
0x5d: {  	p3 =	sle.u32 s6, $0x6;
	s1 =	simm.s32 @!p1 $0x80;
	s4 =	simm.s32 @!p1 $0x2800  }
0x5e: {  	[spmem:s2] =	stream.indirect.scatter.add.f32 @!p1 [tilespmem:s4], [sflag:$0x1], $0x80, s7, s1, $0xb8;
	[tilespmem:$0x1C880] =	vst v63  }
0x5f: {  	s5 =	simm.s32 @!p2 $0x80;
	s1 =	simm.s32 @!p2 $0x200;
	p1 =	sle.u32 s6, $0x5  }
0x60: {  	[spmem:s2] =	stream.indirect.scatter.add.f32 @!p2 [tilespmem:s8], [sflag:$0x1], $0x80, s1, s5, $0xb8;
	[tilespmem:$0x1C880] =	vst v63  }
0x61: {  	s7 =	simm.s32 @!p1 $0x2800;
	s1 =	simm.s32 @!p1 $0x280;
	s5 =	simm.s32 @!p1 $0x80  }
0x62: {  	[spmem:s2] =	stream.indirect.scatter.add.f32 @!p1 [tilespmem:s7], [sflag:$0x1], $0x80, s1, s5, $0xb8;
	[tilespmem:$0x1C880] =	vst v63  }
0x63: {  	p0 =	sle.u32 s6, $0x7;
	s4 =	simm.s32 @!p3 $0x2800;
	s1 =	rddreg [dreg:$0x4]  }
0x64: {  	s5 =	simm.s32 @!p3 $0x300;
	s7 =	simm.s32 @!p3 $0x80;
	p2 =	sle.u32 @!p5 s1, $0x0  }
0x65: {  	[spmem:s2] =	stream.indirect.scatter.add.f32 @!p3 [tilespmem:s4], [sflag:$0x1], $0x80, s5, s7, $0xb8;
	[tilespmem:$0x1C880] =	vst v63  }
0x66: {  	s1 =	simm.s32 @!p0 $0x380;
	s4 =	simm.s32 @!p0 $0x2800;
	s7 =	simm.s32 @!p0 $0x80  }
0x67: {  	[spmem:s2] =	stream.indirect.scatter.add.f32 @!p0 [tilespmem:s4], [sflag:$0x1], $0x80, s1, s7, $0xb8;
	[tilespmem:$0x1C880] =	vst v63  }
0x68: {  	s0 =	simm.s32 $0x8;
	s5 =	simm.s32 $0x18;
	p0 =	por p2, p5  }
0x69: {  	s1 =	simm.s32 $0x400;
	s4 =	simm.s32 $0x0;
	s12 =	simm.s32 @!p0 $0x1  }
.LBB2_2:
0x6a: {  	s8 =	sadd.s32 $0x2, s0;
	_ =	swait.ge @!p0 [sflag:s12], $0x4000  }
0x6b: {  	s11 =	smov.u32 s5;
	s5 =	sadd.s32 $0x8, s5;
	p1 =	sge.u32 s8, s6  }
0x6c: {  	s13 =	rddreg [dreg:$0x5];
	p2 =	sne.s32 s5, $0x58;
	[sflag:s12] =	ssyncset.done @!p0 $0x0  }
0x6d: {  	s8 =	simm.s32 @!p2 $0x0;
	[sflag:s12] =	ssyncadd.s32 @!p0 $0xFFFFC000;
	p0 =	sge.u32 @!p5 s4, s13  }
0x6e: {  	s8 =	simm.s32 @p2 $0x1;
	p0 =	por p0, p5  }
0x6f: {  	[smem:$0x7FC] =	sst s8;
	s12 =	simm.s32 @!p0 $0x1  }
0x70: {  	_ =	swait.ge @!p0 [sflag:s12], $0x4000  }
0x71: {  	[sflag:s12] =	ssyncset.done @!p0 $0x0;
	s13 =	rddreg [dreg:$0x6]  }
0x72: {  	[sflag:s12] =	ssyncadd.s32 @!p0 $0xFFFFC000;
	p0 =	sge.u32 @!p5 s4, s13  }
0x73: {  	p0 =	por p0, p5  }
0x74: {  	s13 =	simm.s32 @!p0 $0x1  }
0x75: {  	_ =	swait.ge @!p0 [sflag:s13], $0x4000  }
0x76: {  	[sflag:s13] =	ssyncset.done @!p0 $0x0;
	s15 =	rddreg [dreg:$0x7]  }
0x77: {  	s14 =	sadd.s32 $0x3, s0;
	[sflag:s13] =	ssyncadd.s32 @!p0 $0xFFFFC000;
	p0 =	sge.u32 @!p5 s4, s15  }
0x78: {  	p6 =	sne.s32 s4, $0x0;
	p3 =	sle.u32 s4, s6;
	p2 =	por p0, p5  }
0x79: {  	p0 =	por !p6, !p3;
	p3 =	sge.u32 s14, s6;
	s13 =	simm.s32 @!p2 $0x1  }
0x7a: {  	s9 =	simm.s32 @!p3 $0x0;
	_ =	swait.ge @!p2 [sflag:s13], $0x4000  }
0x7b: {  	p0 =	por !p0, !p0;
	s9 =	simm.s32 @p3 $0x1;
	[sflag:s13] =	ssyncset.done @!p2 $0x0  }
0x7c: {  	s15 =	simm.s32 @p0 $0x1;
	[smem:$0x7FB] =	sst s9;
	[sflag:s13] =	ssyncadd.s32 @!p2 $0xFFFFC000  }
0x7d: {  	_ =	swait.ge @p0 [sflag:s15], $0x4000  }
0x7e: {  	s13 =	rddreg [dreg:$0x8]  }
0x7f: {  	p3 =	sge.u32 @!p5 s4, s13  }
0x80: {  	[sflag:s15] =	ssyncset.done @p0 $0x0;
	p3 =	por p3, p5  }
0x81: {  	[sflag:s15] =	ssyncadd.s32 @p0 $0xFFFFC000;
	s12 =	simm.s32 @!p3 $0x1  }
0x82: {  	_ =	swait.ge @!p3 [sflag:s12], $0x4000  }
0x83: {  	s7 =	simm.s32 @!p4 $0x2800;
	[sflag:s12] =	ssyncset.done @!p3 $0x0  }
0x84: {  	s10 =	sadd.s32 $0x4, s0;
	s17 =	simm.s32 @!p4 $0x80;
	[sflag:s12] =	ssyncadd.s32 @!p3 $0xFFFFC000  }
0x85: {  	s19 =	sadd.s32 @!p1 $0x100, s26;
	s8 =	simm.s32 @!p1 $0x80;
	_ =	swait.ge @p0 [sflag:s15], $0x4000  }
0x86: {  	p6 =	sge.u32 s10, s6;
	s10 =	simm.s32 @!p1 $0x2800;
	[sflag:s15] =	ssyncset.done @p0 $0x0  }
0x87: {  	s9 =	sadd.s32 @!p4 $0x80, s1;
	p2 =	sge.u32 s0, s6;
	[sflag:s15] =	ssyncadd.s32 @p0 $0xFFFFC000  }
0x88: {  	s14 =	simm.s32 @!p2 $0x2800;
	s16 =	simm.s32 @!p2 $0x80;
	_ =	swait.ge @p0 [sflag:s15], $0x4000  }
0x89: {  	s4 =	smov.u32 s0;
	s0 =	smov.u32 s31;
	[sflag:s15] =	ssyncset.done @p0 $0x0  }
0x8a: {  	s31 =	smov.u32 s11;
	s11 =	sadd.s32 $0x5, s4;
	[sflag:s15] =	ssyncadd.s32 @p0 $0xFFFFC000  }
0x8b: {  	[spmem:s2] =	stream.indirect.scatter.add.f32 @!p2 [tilespmem:s14], [sflag:$0x1], $0x80, s26, s16, $0xb8;
	[tilespmem:$0x1C880] =	vst v63  }
0x8c: {  	s13 =	sadd.s32 $0x7, s4;
	s18 =	sadd.s32 $0x6, s4;
	s16 =	sld [smem:$0x7FB]  }
0x8d: {  	p3 =	por p1, p1;
	p0 =	sge.u32 s18, s6;
	p2 =	sge.u32 s13, s6  }
0x8e: {  	[spmem:s2] =	stream.indirect.scatter.add.f32 @!p4 [tilespmem:s7], [sflag:$0x1], $0x80, s9, s17, $0xb8;
	[tilespmem:$0x1C880] =	vst v63  }
0x8f: {  	s7 =	simm.s32 @!p6 $0x80;
	s9 =	simm.s32 @!p6 $0x2800;
	p1 =	seq.s32 s16, $0x1  }
0x90: {  	[spmem:s2] =	stream.indirect.scatter.add.f32 @!p3 [tilespmem:s10], [sflag:$0x1], $0x80, s19, s8, $0xb8;
	[tilespmem:$0x1C880] =	vst v63  }
0x91: {  	s14 =	sadd.s32 @!p1 $0x180, s26;
	s15 =	simm.s32 @!p1 $0x80;
	s16 =	simm.s32 @!p1 $0x2800  }
0x92: {  	[spmem:s2] =	stream.indirect.scatter.add.f32 @!p1 [tilespmem:s16], [sflag:$0x1], $0x80, s14, s15, $0xb8;
	[tilespmem:$0x1C880] =	vst v63  }
0x93: {  	s8 =	sadd.s32 @!p6 $0x200, s26;
	p3 =	sge.u32 s11, s6;
	s11 =	simm.s32 @!p0 $0x2800  }
0x94: {  	[spmem:s2] =	stream.indirect.scatter.add.f32 @!p6 [tilespmem:s9], [sflag:$0x1], $0x80, s8, s7, $0xb8;
	[tilespmem:$0x1C880] =	vst v63  }
0x95: {  	s7 =	sadd.s32 @!p3 $0x280, s26;
	s8 =	simm.s32 @!p3 $0x80;
	s9 =	simm.s32 @!p3 $0x2800  }
0x96: {  	[spmem:s2] =	stream.indirect.scatter.add.f32 @!p3 [tilespmem:s9], [sflag:$0x1], $0x80, s7, s8, $0xb8;
	[tilespmem:$0x1C880] =	vst v63  }
0x97: {  	s19 =	sld [smem:$0x7FC];
	s7 =	sadd.s32 @!p0 $0x300, s26;
	s8 =	simm.s32 @!p0 $0x80  }
0x98: {  	[spmem:s2] =	stream.indirect.scatter.add.f32 @!p0 [tilespmem:s11], [sflag:$0x1], $0x80, s7, s8, $0xb8;
	[tilespmem:$0x1C880] =	vst v63  }
0x99: {  	s10 =	simm.s32 @!p2 $0x2800;
	s7 =	sadd.s32 @!p2 $0x380, s26;
	s8 =	simm.s32 @!p2 $0x80  }
0x9a: {  	[spmem:s2] =	stream.indirect.scatter.add.f32 @!p2 [tilespmem:s10], [sflag:$0x1], $0x80, s7, s8, $0xb8;
	[tilespmem:$0x1C880] =	vst v63  }
0x9b: {  	p2 =	seq.s32 s19, $0x1  }
.Ltmp0:
0x9c: {  	_ = 	snop;
	(pc) =	sbr.rel @p2 .LBB2_2-.Ltmp0, $4  }
0x9d: {  	p5 =	seq.s32 s4, $0x0;
	s13 =	rddreg [dreg:$0x4]  }
0x9e: {  	p3 =	sge.u32 @!p5 s4, s13  }
0x9f: {  	s1 =	sadd.s32 $0x400, s1;
	s12 =	sadd.s32 $0x1, s0;
	p0 =	por p3, p5  }
0xa0: {  	p4 =	sge.u32 s12, s6;
	s26 =	smov.u32 s1;
	s12 =	simm.s32 @!p0 $0x1  }
0xa1: {  	_ =	swait.ge @!p0 [sflag:s12], $0x4000  }
0xa2: {  	s5 =	rddreg [dreg:$0x5]  }
0xa3: {  	p2 =	sge.u32 @!p5 s4, s5  }
0xa4: {  	[sflag:s12] =	ssyncset.done @!p0 $0x0;
	p2 =	por p2, p5  }
0xa5: {  	[sflag:s12] =	ssyncadd.s32 @!p0 $0xFFFFC000;
	s5 =	simm.s32 @!p2 $0x1  }
0xa6: {  	_ =	swait.ge @!p2 [sflag:s5], $0x4000  }
0xa7: {  	s7 =	rddreg [dreg:$0x6]  }
0xa8: {  	p0 =	sge.u32 @!p5 s4, s7  }
0xa9: {  	[sflag:s5] =	ssyncset.done @!p2 $0x0;
	p0 =	por p0, p5  }
0xaa: {  	[sflag:s5] =	ssyncadd.s32 @!p2 $0xFFFFC000;
	s5 =	simm.s32 @!p0 $0x1  }
0xab: {  	_ =	swait.ge @!p0 [sflag:s5], $0x4000  }
0xac: {  	s7 =	rddreg [dreg:$0x7]  }
0xad: {  	p2 =	sge.u32 @!p5 s4, s7  }
0xae: {  	p1 =	sne.s32 s4, $0x0;
	[sflag:s5] =	ssyncset.done @!p0 $0x0;
	p2 =	por p2, p5  }
0xaf: {  	p3 =	sle.u32 s4, s6;
	[sflag:s5] =	ssyncadd.s32 @!p0 $0xFFFFC000;
	s5 =	simm.s32 @!p2 $0x1  }
0xb0: {  	p0 =	por !p1, !p3;
	_ =	swait.ge @!p2 [sflag:s5], $0x4000  }
0xb1: {  	p0 =	por !p0, !p0;
	[sflag:s5] =	ssyncset.done @!p2 $0x0  }
0xb2: {  	s7 =	simm.s32 @p0 $0x1;
	[sflag:s5] =	ssyncadd.s32 @!p2 $0xFFFFC000  }
0xb3: {  	_ =	swait.ge @p0 [sflag:s7], $0x4000  }
0xb4: {  	s5 =	rddreg [dreg:$0x8]  }
0xb5: {  	p2 =	sge.u32 @!p5 s4, s5  }
0xb6: {  	[sflag:s7] =	ssyncset.done @p0 $0x0;
	p1 =	por p2, p5  }
0xb7: {  	[sflag:s7] =	ssyncadd.s32 @p0 $0xFFFFC000;
	s4 =	simm.s32 @!p1 $0x1  }
0xb8: {  	_ =	swait.ge @!p1 [sflag:s4], $0x4000  }
0xb9: {  	[sflag:s4] =	ssyncset.done @!p1 $0x0  }
0xba: {  	[sflag:s4] =	ssyncadd.s32 @!p1 $0xFFFFC000  }
0xbb: {  	s17 =	sadd.s32 $0x2, s0;
	s18 =	sadd.s32 $0x3, s0;
	_ =	swait.ge @p0 [sflag:s7], $0x4000  }
0xbc: {  	s19 =	sadd.s32 $0x4, s0;
	s8 =	sadd.s32 $0x5, s0;
	[sflag:s7] =	ssyncset.done @p0 $0x0  }
0xbd: {  	s9 =	sadd.s32 $0x7, s0;
	s10 =	sadd.s32 $0x6, s0;
	[sflag:s7] =	ssyncadd.s32 @p0 $0xFFFFC000  }
0xbe: {  	p2 =	sge.u32 s18, s6;
	p1 =	sge.u32 s0, s6;
	_ =	swait.ge @p0 [sflag:s7], $0x4000  }
0xbf: {  	s4 =	simm.s32 @!p1 $0x2800;
	s5 =	simm.s32 @!p1 $0x80;
	[sflag:s7] =	ssyncset.done @p0 $0x0  }
0xc0: {  	[sflag:s7] =	ssyncadd.s32 @p0 $0xFFFFC000;
	s7 =	sadd.s32 @!p4 $0x80, s1;
	p0 =	sge.u32 s17, s6  }
0xc1: {  	[spmem:s2] =	stream.indirect.scatter.add.f32 @!p1 [tilespmem:s4], [sflag:$0x1], $0x80, s26, s5, $0xb8;
	[tilespmem:$0x1C880] =	vst v63  }
0xc2: {  	s4 =	simm.s32 @!p4 $0x2800;
	s5 =	simm.s32 @!p4 $0x80;
	p1 =	sge.u32 s19, s6  }
0xc3: {  	[spmem:s2] =	stream.indirect.scatter.add.f32 @!p4 [tilespmem:s4], [sflag:$0x1], $0x80, s7, s5, $0xb8;
	[tilespmem:$0x1C880] =	vst v63  }
0xc4: {  	s5 =	simm.s32 @!p0 $0x80;
	s4 =	simm.s32 @!p0 $0x2800;
	s7 =	sadd.s32 @!p0 $0x100, s26  }
0xc5: {  	[spmem:s2] =	stream.indirect.scatter.add.f32 @!p0 [tilespmem:s4], [sflag:$0x1], $0x80, s7, s5, $0xb8;
	[tilespmem:$0x1C880] =	vst v63  }
0xc6: {  	s4 =	sadd.s32 @!p2 $0x180, s26;
	s5 =	simm.s32 @!p2 $0x80;
	s7 =	simm.s32 @!p2 $0x2800  }
0xc7: {  	[spmem:s2] =	stream.indirect.scatter.add.f32 @!p2 [tilespmem:s7], [sflag:$0x1], $0x80, s4, s5, $0xb8;
	[tilespmem:$0x1C880] =	vst v63  }
0xc8: {  	p3 =	sge.u32 s8, s6;
	p0 =	sge.u32 s9, s6;
	s5 =	simm.s32 @!p1 $0x80  }
0xc9: {  	p2 =	sge.u32 s10, s6;
	s7 =	simm.s32 @!p1 $0x2800;
	s4 =	sadd.s32 @!p1 $0x200, s26  }
0xca: {  	[spmem:s2] =	stream.indirect.scatter.add.f32 @!p1 [tilespmem:s7], [sflag:$0x1], $0x80, s4, s5, $0xb8;
	[tilespmem:$0x1C880] =	vst v63  }
0xcb: {  	s4 =	sadd.s32 @!p3 $0x280, s26;
	s5 =	simm.s32 @!p3 $0x80;
	s7 =	simm.s32 @!p3 $0x2800  }
0xcc: {  	[spmem:s2] =	stream.indirect.scatter.add.f32 @!p3 [tilespmem:s7], [sflag:$0x1], $0x80, s4, s5, $0xb8;
	[tilespmem:$0x1C880] =	vst v63  }
0xcd: {  	s4 =	simm.s32 @!p2 $0x2800;
	s5 =	sadd.s32 @!p2 $0x300, s26;
	s7 =	simm.s32 @!p2 $0x80  }
0xce: {  	[spmem:s2] =	stream.indirect.scatter.add.f32 @!p2 [tilespmem:s4], [sflag:$0x1], $0x80, s5, s7, $0xb8;
	[tilespmem:$0x1C880] =	vst v63  }
0xcf: {  	s8 =	simm.s32 @!p0 $0x80;
	s4 =	simm.s32 @!p0 $0x2800;
	s7 =	sadd.s32 @!p0 $0x380, s26  }
0xd0: {  	[spmem:s2] =	stream.indirect.scatter.add.f32 @!p0 [tilespmem:s4], [sflag:$0x1], $0x80, s7, s8, $0xb8;
	[tilespmem:$0x1C880] =	vst v63  }
0xd1: {  	s5 =	rddreg [dreg:$0x4];
	p0 =	seq.s32 s0, $0x0  }
0xd2: {  	p1 =	sge.u32 @!p0 s0, s5  }
0xd3: {  	p1 =	por p1, p0  }
0xd4: {  	s4 =	simm.s32 @!p1 $0x1  }
0xd5: {  	_ =	swait.ge @!p1 [sflag:s4], $0x4000  }
0xd6: {  	s5 =	rddreg [dreg:$0x5]  }
0xd7: {  	p2 =	sge.u32 @!p0 s0, s5  }
0xd8: {  	[sflag:s4] =	ssyncset.done @!p1 $0x0;
	p2 =	por p2, p0  }
0xd9: {  	[sflag:s4] =	ssyncadd.s32 @!p1 $0xFFFFC000;
	s4 =	simm.s32 @!p2 $0x1  }
0xda: {  	_ =	swait.ge @!p2 [sflag:s4], $0x4000  }
0xdb: {  	s5 =	rddreg [dreg:$0x6]  }
0xdc: {  	p1 =	sge.u32 @!p0 s0, s5  }
0xdd: {  	[sflag:s4] =	ssyncset.done @!p2 $0x0;
	p1 =	por p1, p0  }
0xde: {  	[sflag:s4] =	ssyncadd.s32 @!p2 $0xFFFFC000;
	s4 =	simm.s32 @!p1 $0x1  }
0xdf: {  	_ =	swait.ge @!p1 [sflag:s4], $0x4000  }
0xe0: {  	s5 =	rddreg [dreg:$0x7]  }
0xe1: {  	p2 =	sge.u32 @!p0 s0, s5  }
0xe2: {  	p4 =	sle.u32 s0, s6;
	[sflag:s4] =	ssyncset.done @!p1 $0x0;
	p2 =	por p2, p0  }
0xe3: {  	p3 =	sne.s32 s0, $0x0;
	[sflag:s4] =	ssyncadd.s32 @!p1 $0xFFFFC000;
	s4 =	simm.s32 @!p2 $0x1  }
0xe4: {  	p1 =	por !p3, !p4;
	_ =	swait.ge @!p2 [sflag:s4], $0x4000  }
0xe5: {  	p1 =	por !p1, !p1;
	[sflag:s4] =	ssyncset.done @!p2 $0x0  }
0xe6: {  	s5 =	simm.s32 @p1 $0x1;
	[sflag:s4] =	ssyncadd.s32 @!p2 $0xFFFFC000  }
0xe7: {  	_ =	swait.ge @p1 [sflag:s5], $0x4000  }
0xe8: {  	s4 =	rddreg [dreg:$0x8]  }
0xe9: {  	p2 =	sge.u32 @!p0 s0, s4  }
0xea: {  	[sflag:s5] =	ssyncset.done @p1 $0x0;
	p0 =	por p2, p0  }
0xeb: {  	[sflag:s5] =	ssyncadd.s32 @p1 $0xFFFFC000;
	s0 =	simm.s32 @!p0 $0x1  }
0xec: {  	_ =	swait.ge @!p0 [sflag:s0], $0x4000  }
0xed: {  	[sflag:s0] =	ssyncset.done @!p0 $0x0  }
0xee: {  	[sflag:s0] =	ssyncadd.s32 @!p0 $0xFFFFC000  }
0xef: {  	s11 =	sadd.s32 $0x1, s31;
	s13 =	sadd.s32 $0x3, s31;
	_ =	swait.ge @p1 [sflag:s5], $0x4000  }
0xf0: {  	s14 =	sadd.s32 $0x4, s31;
	s15 =	sadd.s32 $0x5, s31;
	[sflag:s5] =	ssyncset.done @p1 $0x0  }
0xf1: {  	s16 =	sadd.s32 $0x7, s31;
	s12 =	sadd.s32 $0x2, s31;
	[sflag:s5] =	ssyncadd.s32 @p1 $0xFFFFC000  }
0xf2: {  	s17 =	sadd.s32 $0x6, s31;
	p2 =	sge.u32 s31, s6;
	_ =	swait.ge @p1 [sflag:s5], $0x4000  }
0xf3: {  	s4 =	simm.s32 @!p2 $0x80;
	s0 =	sadd.s32 $0x400, s1;
	[sflag:s5] =	ssyncset.done @p1 $0x0  }
0xf4: {  	p0 =	sge.u32 s11, s6;
	s1 =	simm.s32 @!p2 $0x2800;
	[sflag:s5] =	ssyncadd.s32 @p1 $0xFFFFC000  }
0xf5: {  	[spmem:s2] =	stream.indirect.scatter.add.f32 @!p2 [tilespmem:s1], [sflag:$0x1], $0x80, s0, s4, $0xb8;
	[tilespmem:$0x1C880] =	vst v63  }
0xf6: {  	s5 =	sadd.s32 @!p0 $0x80, s0;
	s1 =	simm.s32 @!p0 $0x2800;
	s4 =	simm.s32 @!p0 $0x80  }
0xf7: {  	[spmem:s2] =	stream.indirect.scatter.add.f32 @!p0 [tilespmem:s1], [sflag:$0x1], $0x80, s5, s4, $0xb8;
	[tilespmem:$0x1C880] =	vst v63  }
0xf8: {  	p1 =	sge.u32 s14, s6;
	p2 =	sge.u32 s13, s6;
	p0 =	sge.u32 s12, s6  }
0xf9: {  	s4 =	simm.s32 @!p0 $0x80;
	s1 =	simm.s32 @!p0 $0x2800;
	s5 =	sadd.s32 @!p0 $0x100, s0  }
0xfa: {  	[spmem:s2] =	stream.indirect.scatter.add.f32 @!p0 [tilespmem:s1], [sflag:$0x1], $0x80, s5, s4, $0xb8;
	[tilespmem:$0x1C880] =	vst v63  }
0xfb: {  	s1 =	sadd.s32 @!p2 $0x180, s0;
	s4 =	simm.s32 @!p2 $0x80;
	s5 =	simm.s32 @!p2 $0x2800  }
0xfc: {  	[spmem:s2] =	stream.indirect.scatter.add.f32 @!p2 [tilespmem:s5], [sflag:$0x1], $0x80, s1, s4, $0xb8;
	[tilespmem:$0x1C880] =	vst v63  }
0xfd: {  	p3 =	sge.u32 s15, s6;
	p0 =	sge.u32 s16, s6;
	s4 =	simm.s32 @!p1 $0x80  }
0xfe: {  	p2 =	sge.u32 s17, s6;
	s5 =	simm.s32 @!p1 $0x2800;
	s1 =	sadd.s32 @!p1 $0x200, s0  }
0xff: {  	[spmem:s2] =	stream.indirect.scatter.add.f32 @!p1 [tilespmem:s5], [sflag:$0x1], $0x80, s1, s4, $0xb8;
	[tilespmem:$0x1C880] =	vst v63  }
0x100: {  	s1 =	sadd.s32 @!p3 $0x280, s0;
	s4 =	simm.s32 @!p3 $0x80;
	s5 =	simm.s32 @!p3 $0x2800  }
0x101: {  	[spmem:s2] =	stream.indirect.scatter.add.f32 @!p3 [tilespmem:s5], [sflag:$0x1], $0x80, s1, s4, $0xb8;
	[tilespmem:$0x1C880] =	vst v63  }
0x102: {  	s1 =	simm.s32 @!p2 $0x2800;
	s4 =	sadd.s32 @!p2 $0x300, s0;
	s5 =	simm.s32 @!p2 $0x80  }
0x103: {  	[spmem:s2] =	stream.indirect.scatter.add.f32 @!p2 [tilespmem:s1], [sflag:$0x1], $0x80, s4, s5, $0xb8;
	[tilespmem:$0x1C880] =	vst v63  }
0x104: {  	s0 =	sadd.s32 @!p0 $0x380, s0;
	s1 =	simm.s32 @!p0 $0x2800;
	s5 =	simm.s32 @!p0 $0x80  }
0x105: {  	[spmem:s2] =	stream.indirect.scatter.add.f32 @!p0 [tilespmem:s1], [sflag:$0x1], $0x80, s0, s5, $0xb8;
	[tilespmem:$0x1C880] =	vst v63  }
0x106: {  	s4 =	rddreg [dreg:$0x4];
	p0 =	seq.s32 s31, $0x0  }
0x107: {  	p1 =	sge.u32 @!p0 s31, s4  }
0x108: {  	p1 =	por p1, p0  }
0x109: {  	s0 =	simm.s32 @!p1 $0x1  }
0x10a: {  	_ =	swait.ge @!p1 [sflag:s0], $0x4000  }
0x10b: {  	s1 =	rddreg [dreg:$0x5]  }
0x10c: {  	p2 =	sge.u32 @!p0 s31, s1  }
0x10d: {  	[sflag:s0] =	ssyncset.done @!p1 $0x0;
	p2 =	por p2, p0  }
0x10e: {  	[sflag:s0] =	ssyncadd.s32 @!p1 $0xFFFFC000;
	s0 =	simm.s32 @!p2 $0x1  }
0x10f: {  	_ =	swait.ge @!p2 [sflag:s0], $0x4000  }
0x110: {  	s1 =	rddreg [dreg:$0x6]  }
0x111: {  	p1 =	sge.u32 @!p0 s31, s1  }
0x112: {  	[sflag:s0] =	ssyncset.done @!p2 $0x0;
	p1 =	por p1, p0  }
0x113: {  	[sflag:s0] =	ssyncadd.s32 @!p2 $0xFFFFC000;
	s0 =	simm.s32 @!p1 $0x1  }
0x114: {  	_ =	swait.ge @!p1 [sflag:s0], $0x4000  }
0x115: {  	s1 =	rddreg [dreg:$0x7]  }
0x116: {  	p2 =	sge.u32 @!p0 s31, s1  }
0x117: {  	p6 =	sle.u32 s31, s6;
	[sflag:s0] =	ssyncset.done @!p1 $0x0;
	p2 =	por p2, p0  }
0x118: {  	p5 =	sne.s32 s31, $0x0;
	[sflag:s0] =	ssyncadd.s32 @!p1 $0xFFFFC000;
	s0 =	simm.s32 @!p2 $0x1  }
0x119: {  	p1 =	por !p5, !p6;
	_ =	swait.ge @!p2 [sflag:s0], $0x4000  }
0x11a: {  	p1 =	por !p1, !p1;
	[sflag:s0] =	ssyncset.done @!p2 $0x0  }
0x11b: {  	s1 =	simm.s32 @p1 $0x1;
	[sflag:s0] =	ssyncadd.s32 @!p2 $0xFFFFC000  }
0x11c: {  	_ =	swait.ge @p1 [sflag:s1], $0x4000  }
0x11d: {  	s0 =	rddreg [dreg:$0x8]  }
0x11e: {  	p2 =	sge.u32 @!p0 s31, s0  }
0x11f: {  	[sflag:s1] =	ssyncset.done @p1 $0x0;
	p0 =	por p2, p0  }
0x120: {  	[sflag:s1] =	ssyncadd.s32 @p1 $0xFFFFC000;
	s0 =	simm.s32 @!p0 $0x1  }
0x121: {  	_ =	swait.ge @!p0 [sflag:s0], $0x4000  }
0x122: {  	[sflag:s0] =	ssyncset.done @!p0 $0x0  }
0x123: {  	[sflag:s0] =	ssyncadd.s32 @!p0 $0xFFFFC000  }
0x124: {  	_ =	swait.ge @p1 [sflag:s1], $0x4000  }
0x125: {  	[sflag:s1] =	ssyncset.done @p1 $0x0  }
0x126: {  	[sflag:s1] =	ssyncadd.s32 @p1 $0xFFFFC000  }
0x127: {  	_ =	swait.ge @p1 [sflag:s1], $0x4000  }
0x128: {  	[sflag:s1] =	ssyncset.done @p1 $0x0  }
0x129: {  	[sflag:s1] =	ssyncadd.s32 @p1 $0xFFFFC000  }
0x12a: {  	[bflag:$0x0] =	sbarrier.arrive $0xFFFF  }
0x12b: {  	[tilespmem:s28], [sflag:$0x3] =	stream.linear.gather [spmem:s20], $0x2800, $0x38;
	[tilespmem:$0x1C880] =	vst v63  }
0x12c: {  	_ =	swait.ge [sflag:s29], $0x2800  }
0x12d: {  	[sflag:s29] =	ssyncset.done $0x0  }
0x12e: {  	s18 =	rddreg [dreg:$0xd];
	[sflag:s29] =	ssyncadd.s32 $0xFFFFD800  }
0x12f: {  	[hbm4b:s18+s3] =	stream.linear.scatter [tilespmem:s28], [sflag:$0x2], $0x2800, $0x38;
	[tilespmem:$0x1C880] =	vst v63  }
0x130: {  	_ =	swait.ge [sflag:s25], $0x2800  }
0x131: {  	[sflag:s25] =	ssyncset.done $0x0  }
0x132: {  	[sflag:s25] =	ssyncadd.s32 $0xFFFFD800  }
0x133: {  	[tilespmem:s28], [sflag:$0x3] =	stream.linear.gather [spmem:s21], $0x2800, $0x38;
	[tilespmem:$0x1C880] =	vst v63  }
0x134: {  	_ =	swait.ge [sflag:s29], $0x2800  }
0x135: {  	[sflag:s29] =	ssyncset.done $0x0  }
0x136: {  	s19 =	rddreg [dreg:$0xe];
	[sflag:s29] =	ssyncadd.s32 $0xFFFFD800  }
0x137: {  	[hbm4b:s19+s3] =	stream.linear.scatter [tilespmem:s28], [sflag:$0x2], $0x2800, $0x38;
	[tilespmem:$0x1C880] =	vst v63  }
0x138: {  	_ =	swait.ge [sflag:s25], $0x2800  }
0x139: {  	[sflag:s25] =	ssyncset.done $0x0  }
0x13a: {  	[sflag:s25] =	ssyncadd.s32 $0xFFFFD800  }
0x13b: {  	[tilespmem:s28], [sflag:$0x3] =	stream.linear.gather [spmem:s22], $0x2800, $0x38;
	[tilespmem:$0x1C880] =	vst v63  }
0x13c: {  	_ =	swait.ge [sflag:s29], $0x2800  }
0x13d: {  	[sflag:s29] =	ssyncset.done $0x0  }
0x13e: {  	s9 =	smov.u32 s20;
	s20 =	rddreg [dreg:$0xf];
	[sflag:s29] =	ssyncadd.s32 $0xFFFFD800  }
0x13f: {  	[hbm4b:s20+s3] =	stream.linear.scatter [tilespmem:s28], [sflag:$0x2], $0x2800, $0x38;
	[tilespmem:$0x1C880] =	vst v63  }
0x140: {  	_ =	swait.ge [sflag:s25], $0x2800  }
0x141: {  	[sflag:s25] =	ssyncset.done $0x0  }
0x142: {  	[sflag:s25] =	ssyncadd.s32 $0xFFFFD800  }
0x143: {  	[tilespmem:s28], [sflag:$0x3] =	stream.linear.gather [spmem:s23], $0x2800, $0x38;
	[tilespmem:$0x1C880] =	vst v63  }
0x144: {  	_ =	swait.ge [sflag:s29], $0x2800  }
0x145: {  	[sflag:s29] =	ssyncset.done $0x0  }
0x146: {  	s10 =	smov.u32 s21;
	s21 =	rddreg [dreg:$0x10];
	[sflag:s29] =	ssyncadd.s32 $0xFFFFD800  }
0x147: {  	[hbm4b:s21+s3] =	stream.linear.scatter [tilespmem:s28], [sflag:$0x2], $0x2800, $0x38;
	[tilespmem:$0x1C880] =	vst v63  }
0x148: {  	_ =	swait.ge [sflag:s25], $0x2800  }
0x149: {  	[sflag:s25] =	ssyncset.done $0x0  }
0x14a: {  	[sflag:s25] =	ssyncadd.s32 $0xFFFFD800  }
0x14b: {  	[tilespmem:s28], [sflag:$0x3] =	stream.linear.gather [spmem:s24], $0x2800, $0x38;
	[tilespmem:$0x1C880] =	vst v63  }
0x14c: {  	_ =	swait.ge [sflag:s29], $0x2800  }
0x14d: {  	[sflag:s29] =	ssyncset.done $0x0  }
0x14e: {  	s11 =	smov.u32 s22;
	s22 =	rddreg [dreg:$0x11];
	[sflag:s29] =	ssyncadd.s32 $0xFFFFD800  }
0x14f: {  	[hbm4b:s22+s3] =	stream.linear.scatter [tilespmem:s28], [sflag:$0x2], $0x2800, $0x38;
	[tilespmem:$0x1C880] =	vst v63  }
0x150: {  	_ =	swait.ge [sflag:s25], $0x2800  }
0x151: {  	[sflag:s25] =	ssyncset.done $0x0  }
0x152: {  	s5 =	rddreg [dreg:$0x15];
	[sflag:s25] =	ssyncadd.s32 $0xFFFFD800  }
0x153: {  	[tilespmem:s28], [sflag:$0x3] =	stream.linear.gather [spmem:s5], $0x2800, $0x38;
	[tilespmem:$0x1C880] =	vst v63  }
0x154: {  	_ =	swait.ge [sflag:s29], $0x2800  }
0x155: {  	[sflag:s29] =	ssyncset.done $0x0  }
0x156: {  	s7 =	smov.u32 s23;
	s23 =	rddreg [dreg:$0x12];
	[sflag:s29] =	ssyncadd.s32 $0xFFFFD800  }
0x157: {  	[hbm4b:s23+s3] =	stream.linear.scatter [tilespmem:s28], [sflag:$0x2], $0x2800, $0x38;
	[tilespmem:$0x1C880] =	vst v63  }
0x158: {  	_ =	swait.ge [sflag:s25], $0x2800  }
0x159: {  	[sflag:s25] =	ssyncset.done $0x0  }
0x15a: {  	s12 =	rddreg [dreg:$0x16];
	[sflag:s25] =	ssyncadd.s32 $0xFFFFD800  }
0x15b: {  	[tilespmem:s28], [sflag:$0x3] =	stream.linear.gather [spmem:s12], $0x2800, $0x38;
	[tilespmem:$0x1C880] =	vst v63  }
0x15c: {  	_ =	swait.ge [sflag:s29], $0x2800  }
0x15d: {  	[sflag:s29] =	ssyncset.done $0x0  }
0x15e: {  	s8 =	smov.u32 s24;
	s24 =	rddreg [dreg:$0x13];
	[sflag:s29] =	ssyncadd.s32 $0xFFFFD800  }
0x15f: {  	[hbm4b:s24+s3] =	stream.linear.scatter [tilespmem:s28], [sflag:$0x2], $0x2800, $0x38;
	[tilespmem:$0x1C880] =	vst v63  }
0x160: {  	_ =	swait.ge [sflag:s25], $0x2800  }
0x161: {  	s26 =	sld [smem:$0x7FD];
	_ =	sdelay $0x2  }
0x162: {  	[sflag:s25] =	ssyncset.done $0x0;
	s13 =	rddreg [dreg:$0x17];
	p1 =	seq.s32 s26, $0x1  }
0x163: {  	[sflag:s25] =	ssyncadd.s32 $0xFFFFD800;
	s0 =	simm.s32 @!p1 $0x6800;
	s1 =	simm.s32 @!p1 $0x3  }
0x164: {  	[tilespmem:s0], [sflag:$0x3] =	stream.linear.gather @!p1 [spmem:s13], $0x2800, $0x38;
	[tilespmem:$0x1C880] =	vst v63  }
0x165: {  	_ =	swait.ge @!p1 [sflag:s1], $0x2800  }
0x166: {  	[sflag:s1] =	ssyncset.done @!p1 $0x0  }
0x167: {  	s4 =	rddreg [dreg:$0x14];
	[sflag:s1] =	ssyncadd.s32 @!p1 $0xFFFFD800;
	s1 =	simm.s32 @!p1 $0x0  }
0x168: {  	[hbm4b:s4+s1] =	stream.linear.scatter @!p1 [tilespmem:s0], [sflag:$0x2], $0x2800, $0x38;
	[tilespmem:$0x1C880] =	vst v63  }
0x169: {  	s0 =	simm.s32 @!p1 $0x2  }
0x16a: {  	_ =	swait.ge @!p1 [sflag:s0], $0x2800  }
0x16b: {  	s30 =	sadd.s32 $0x1, s30;
	s31 =	rddreg [dreg:$0xc]  }
0x16c: {  	p0 =	sne.s32 s30, s31  }
.Ltmp1:
0x16d: {  	_ = 	snop;
	(pc) =	sbr.rel @p0 .LBB2_1-.Ltmp1, $3  }
0x16e: {  	_ =	sdelay $0x1  }
0x16f: {  	[sflag:s0] =	ssyncset.done @!p1 $0x0  }
0x170: {  	[sflag:s0] =	ssyncadd.s32 @!p1 $0xFFFFD800  }
0x171: {  	_ =	sfence.sel $0x180000  }
0x172: {  	[bflag:$0x0] =	sbarrier.arrive $0xFFFF  }
0x173: {  	_ =	strace $0x90000047  }
0x174: {  	s0 =	stileid.u32;
	[bflag:$0x2] =	sbarrier.arrive $0xFFFF  }
0x175: {  	p0 =	sne.s32 s0, $0x0;
	s0 =	rddreg [dreg:$0x3]  }
0x176: {  	s0 =	sadd.s32 @!p0 $0x100000, s0  }
0x177: {  	[sflag:s0] =	ssyncadd.tile.s32 @!p0 $0x1;
	_ =	shalt  }
.Lfunc_end2:
_tile_overlayer_lowered:
.L_overlay_start_2:
0x178: {  	(tag) =	ssettag $0x2  }
0x179: {  	s0 =	rddreg [dreg:$0x0];
	s2 =	stileid.u32  }
0x17a: {  	s1 =	rddreg [dreg:$0x1];
	p0 =	sne.s32 s2, $0x0  }
0x17b: {  	s3 =	rddreg [dreg:$0x2];
	[bflag:$0x3] =	sbarrier.arrive $0xFFFF;
	s2 =	simm.s32 @!p0 $0x1C02  }
0x17c: {  	[timem:s3], [sflag:s2] =	dma.local @!p0 [hbm:s0], s1  }
0x17d: {  	s0 =	simm.s32 @!p0 $0x2  }
0x17e: {  	_ =	swait.ge @!p0 [sflag:s0], s1  }
0x17f: {  	s1 =	ssub.s32 @!p0 $0x0, s1;
	[sflag:s0] =	ssyncset.done @!p0 $0x0  }
0x180: {  	[sflag:s0] =	ssyncadd.s32 @!p0 s1  }
0x181: {  	[bflag:$0x3] =	sbarrier.arrive $0xFFFF  }
0x182: {  	_ =	shalt  }

</sc_bundles>
